<compile_context>
chip_gen: v7x
topology: tpu7x:2x2x1
jax: 0.10.2.dev20260603
libtpu: 0.0.44.dev20260713+nightly
codegen_flags: <defaults>
</compile_context>

<pallas_src>
import functools

import jax
import jax.numpy as jnp
from jax import lax
from jax.experimental import pallas as pl
from jax.experimental.pallas import tpu as pltpu
from jax.experimental.pallas import tpu_sc as plsc

B = 4096
L = 5
D = 128
NC = 2
NS = 16
NW = NC * NS
NB = B // NW
NJ = 4 * L
CHUNK = 128
NCHUNK = NJ * NB // CHUNK
NSLOT = 4


def _sc_gather_all(word_in, word_in5, word_out, comp_idx, W_word, W_u, W_v,
                   A_flat, Mc_flat, Mr_flat, M1_flat, M2_flat):
    mesh = plsc.VectorSubcoreMesh(core_axis_name="c", subcore_axis_name="s")

    @functools.partial(
        pl.kernel,
        mesh=mesh,
        out_type=(
            jax.ShapeDtypeStruct((NW * NJ * NB, D), jnp.float32),
            jax.ShapeDtypeStruct((B, D), jnp.float32),
            jax.ShapeDtypeStruct((B, D), jnp.float32),
            jax.ShapeDtypeStruct((5 * B * L,), jnp.float32),
        ),
        scratch_types=(
            [pltpu.VMEM((NB,), jnp.int32),
             pltpu.VMEM((NB,), jnp.int32),
             pltpu.VMEM((NB * L,), jnp.int32),
             pltpu.VMEM((NCHUNK, CHUNK), jnp.int32),
             pltpu.VMEM((NB, D), jnp.float32),
             pltpu.VMEM((NB, D), jnp.float32)]
            + [pltpu.VMEM((CHUNK, D), jnp.float32) for _ in range(NSLOT)]
            + [pltpu.VMEM((NB * L,), jnp.float32) for _ in range(5)]
            + [pltpu.SemaphoreType.DMA for _ in range(2 * NSLOT + 4)]
        ),
    )
    def body(word_in_h, word_in5_h, word_out_h, compidx_h,
             W_word_h, W_u_h, W_v_h,
             A_h, Mc_h, Mr_h, M1_h, M2_h,
             comp_o, embu_o, embv_o, am_o,
             wi_v, wo_v, idx5_v, idxc_v, ubuf, vbuf,
             rb0, rb1, rb2, rb3, s0, s1, s2, s3, s4,
             gs0, gs1, gs2, gs3, os0, os1, os2, os3, semi, sems, semu, semv):
        wid = lax.axis_index("s") * NC + lax.axis_index("c")
        base = wid * NB
        rbufs = (rb0, rb1, rb2, rb3)
        gsems = (gs0, gs1, gs2, gs3)
        osems = (os0, os1, os2, os3)
        sbufs = (s0, s1, s2, s3, s4)

        ih = [pltpu.async_copy(word_in_h.at[pl.ds(base, NB)], wi_v, semi),
              pltpu.async_copy(word_out_h.at[pl.ds(base, NB)], wo_v, semi),
              pltpu.async_copy(word_in5_h.at[pl.ds(base * L, NB * L)],
                               idx5_v, semi),
              pltpu.async_copy(compidx_h.at[wid], idxc_v, semi)]
        for h in ih:
            h.wait()

        hu = pltpu.async_copy(W_word_h.at[wi_v], ubuf, semu)
        hv = pltpu.async_copy(W_v_h.at[wo_v], vbuf, semv)
        sh = [pltpu.async_copy(tab.at[idx5_v], sbufs[t], sems)
              for t, tab in enumerate((A_h, Mc_h, Mr_h, M1_h, M2_h))]

        def fire_gather(c, slot):
            return pltpu.async_copy(W_u_h.at[idxc_v.at[c]], rbufs[slot],
                                    gsems[slot])

        def fire_out(c, slot):
            return pltpu.async_copy(
                rbufs[slot],
                comp_o.at[pl.ds(wid * NJ * NB + c * CHUNK, CHUNK)],
                osems[slot])

        gh = {}
        oh = {}
        for c in range(NSLOT):
            gh[c] = fire_gather(c, c)
        for c in range(NCHUNK):
            slot = c % NSLOT
            gh[c].wait()
            oh[c] = fire_out(c, slot)
            nxt = c + NSLOT
            if nxt < NCHUNK:
                oh[c].wait()
                gh[nxt] = fire_gather(nxt, slot)

        hu.wait()
        hou = pltpu.async_copy(ubuf, embu_o.at[pl.ds(base, NB)], semu)
        hv.wait()
        hov = pltpu.async_copy(vbuf, embv_o.at[pl.ds(base, NB)], semv)
        for t in range(5):
            sh[t].wait()
        soh = [pltpu.async_copy(
                   sbufs[t], am_o.at[pl.ds((t * B + base) * L, NB * L)], sems)
               for t in range(5)]
        hou.wait()
        hov.wait()
        for t in range(5):
            soh[t].wait()
        for c in range(NCHUNK - NSLOT, NCHUNK):
            oh[c].wait()

    return body(word_in, word_in5, word_out, comp_idx, W_word, W_u, W_v,
                A_flat, Mc_flat, Mr_flat, M1_flat, M2_flat)


def _tc_combine(comp_rows, emb_u, emb_v, am, wf_t, ws_t):

    def tc_body(comp_ref, u_ref, v_ref, am_ref, wf_ref, ws_ref, o_ref):
        u = u_ref[:]
        v = v_ref[:]
        ones = jnp.full((D, 1), 1.0, dtype=jnp.float32)
        vrep = jnp.concatenate([v, v, v, v, v], axis=0)

        a_cols = [am_ref[0][:, j] for j in range(5)]
        m0 = jnp.maximum(jnp.maximum(jnp.maximum(a_cols[0], a_cols[1]),
                                     jnp.maximum(a_cols[2], a_cols[3])),
                         a_cols[4])
        e0 = [jnp.exp(c - m0) for c in a_cols]
        att_den = e0[0] + e0[1] + e0[2] + e0[3] + e0[4]

        uv = jnp.dot(u * v, ones, preferred_element_type=jnp.float32)[:, 0]
        acc = e0[0] * uv

        for k in range(4):
            wf_col = wf_ref[:, k:k + 1]
            ws_col = ws_ref[:, k:k + 1]
            wpk = jnp.dot(u, ws_col,
                          preferred_element_type=jnp.float32)[:, 0]
            ckl = comp_ref[pl.ds(k * L * NB, L * NB), :]
            lg_all = jnp.dot(ckl, wf_col,
                             preferred_element_type=jnp.float32)
            dv_all = jnp.dot(ckl * vrep, ones,
                             preferred_element_type=jnp.float32)
            lg = [lg_all[l * NB:(l + 1) * NB, 0] + wpk
                  + am_ref[k + 1][:, l] for l in range(5)]
            dv = [dv_all[l * NB:(l + 1) * NB, 0] for l in range(5)]
            mm = jnp.maximum(jnp.maximum(jnp.maximum(lg[0], lg[1]),
                                         jnp.maximum(lg[2], lg[3])), lg[4])
            e = [jnp.exp(x - mm) for x in lg]
            den = e[0] + e[1] + e[2] + e[3] + e[4]
            num = e[0] * dv[0] + e[1] * dv[1] + e[2] * dv[2] \
                + e[3] * dv[3] + e[4] * dv[4]
            acc = acc + e0[k + 1] * (num / den)

        o_ref[:] = jax.nn.sigmoid(acc / att_den)

    return pl.pallas_call(
        tc_body,
        grid=(NW,),
        in_specs=[
            pl.BlockSpec((NJ * NB, D), lambda i: (i, 0)),
            pl.BlockSpec((NB, D), lambda i: (i, 0)),
            pl.BlockSpec((NB, D), lambda i: (i, 0)),
            pl.BlockSpec((5, NB, L), lambda i: (0, i, 0)),
            pl.BlockSpec((D, 4), lambda i: (0, 0)),
            pl.BlockSpec((D, 4), lambda i: (0, 0)),
        ],
        out_specs=pl.BlockSpec((NB,), lambda i: (i,)),
        out_shape=jax.ShapeDtypeStruct((B,), jnp.float32),
    )(comp_rows, emb_u, emb_v, am, wf_t, ws_t)


def kernel(word_in, component_in, word_out, W_word, W_u, W_v, A_layers,
           W_ac, W_ar, W_a1, W_a2, M_c, M_r, M_1, M_2):
    comp_jb = jnp.transpose(component_in, (0, 2, 1)).reshape(NJ, NW, NB)
    comp_idx = jnp.transpose(comp_jb, (1, 0, 2)).reshape(NW, NCHUNK, CHUNK)
    word_in5 = (word_in[:, None] * L
                + jnp.arange(L, dtype=jnp.int32)[None, :]).reshape(-1)
    wf_t = jnp.stack([W_ac[0, :D], W_ar[0, :D], W_a1[0, :D], W_a2[0, :D]],
                     axis=1)
    ws_t = jnp.stack([W_ac[0, D:], W_ar[0, D:], W_a1[0, D:], W_a2[0, D:]],
                     axis=1)
    comp_rows, emb_u, emb_v, am = _sc_gather_all(
        word_in, word_in5, word_out, comp_idx, W_word, W_u, W_v,
        A_layers.reshape(-1), M_c.reshape(-1), M_r.reshape(-1),
        M_1.reshape(-1), M_2.reshape(-1))
    return _tc_combine(comp_rows, emb_u, emb_v,
                       am.reshape(5, B, L), wf_t, ws_t)

# --- scband reference (transcript-rebuilt; emitter-appended) ---
"""Pipeline reference for scband-skip-gram-model-83382495085222 (READ-ONLY COPY).

The authoritative reference and input builder live on the scoring server;
editing this copy changes nothing except your own understanding.
"""

import jax, jax.numpy as jnp
import numpy as np

B = 4096
L = 5
D = 128
WS = 100000
CS = 20000


def setup_inputs(seed: int = 0) -> dict:
    key = jax.random.key(seed)
    ks = jax.random.split(key, 16)
    initrange = 0.5 / D
    inp = {}
    inp['word_in'] = jax.random.randint(ks[0], (B,), 0, WS, dtype=jnp.int32)
    inp['component_in'] = jax.random.randint(ks[1], (4, B, L), 0, CS, dtype=jnp.int32)
    inp['word_out'] = jax.random.randint(ks[2], (B,), 0, WS, dtype=jnp.int32)
    inp['W_word'] = jax.random.uniform(ks[3], (WS, D), minval=-initrange, maxval=initrange, dtype=jnp.float32)
    inp['W_u'] = jax.random.uniform(ks[4], (CS, D), minval=-initrange, maxval=initrange, dtype=jnp.float32)
    inp['W_v'] = jax.random.normal(ks[5], (WS, D), dtype=jnp.float32) * 0.01
    inp['A_layers'] = jax.random.normal(ks[6], (WS, 5), dtype=jnp.float32) * 0.1
    scale = 1.0 / np.sqrt(2 * D)
    inp['W_ac'] = jax.random.normal(ks[7], (1, 2 * D), dtype=jnp.float32) * scale
    inp['W_ar'] = jax.random.normal(ks[8], (1, 2 * D), dtype=jnp.float32) * scale
    inp['W_a1'] = jax.random.normal(ks[9], (1, 2 * D), dtype=jnp.float32) * scale
    inp['W_a2'] = jax.random.normal(ks[10], (1, 2 * D), dtype=jnp.float32) * scale
    inp['M_c'] = jax.random.normal(ks[11], (WS, L), dtype=jnp.float32) * 0.1
    inp['M_r'] = jax.random.normal(ks[12], (WS, L), dtype=jnp.float32) * 0.1
    inp['M_1'] = jax.random.normal(ks[13], (WS, L), dtype=jnp.float32) * 0.1
    inp['M_2'] = jax.random.normal(ks[14], (WS, L), dtype=jnp.float32) * 0.1
    return inp


def reference(word_in, component_in, word_out, W_word, W_u, W_v, A_layers,
              W_ac, W_ar, W_a1, W_a2, M_c, M_r, M_1, M_2):
    emb_uword = jnp.take(W_word, word_in, axis=0)              # [B, D]
    emb_char = jnp.take(W_u, component_in[0], axis=0)           # [B, L, D]
    emb_redical = jnp.take(W_u, component_in[1], axis=0)
    emb_com1 = jnp.take(W_u, component_in[2], axis=0)
    emb_com2 = jnp.take(W_u, component_in[3], axis=0)
    attention = jax.nn.softmax(jnp.take(A_layers, word_in, axis=0), axis=-1)[:, None, :]  # [B,1,5]
    mask_char = jnp.take(M_c, word_in, axis=0)                  # [B, L]
    mask_redical = jnp.take(M_r, word_in, axis=0)
    mask_com1 = jnp.take(M_1, word_in, axis=0)
    mask_com2 = jnp.take(M_2, word_in, axis=0)

    def branch(emb_comp, Wlin, mask):
        exp_u = jnp.broadcast_to(emb_uword[:, None, :], emb_comp.shape)
        cat = jnp.concatenate([emb_comp, exp_u], axis=-1)       # [B, L, 2D]
        logits = jnp.squeeze(cat @ Wlin.T, axis=2) + mask       # [B, L]
        att = jax.nn.softmax(logits, axis=1)
        return jnp.einsum('bl,bld->bd', att, emb_comp)           # [B, D]

    weighted_char = branch(emb_char, W_ac, mask_char)
    weighted_redical = branch(emb_redical, W_ar, mask_redical)
    weighted_com1 = branch(emb_com1, W_a1, mask_com1)
    weighted_com2 = branch(emb_com2, W_a2, mask_com2)
    emb_all = jnp.stack((emb_uword, weighted_char, weighted_redical, weighted_com1, weighted_com2), axis=1)  # [B,5,D]
    emb_vword = jnp.take(W_v, word_out, axis=0)                 # [B, D]
    emb_mixin = jnp.squeeze(jnp.matmul(attention, emb_all), axis=1)  # [B, D]
    score = jnp.sum(emb_mixin * emb_vword, axis=-1)
    return jax.nn.sigmoid(score)

if __name__ == "__main__":
    import jax
    _d = setup_inputs()
    print(jax.jit(kernel)(*tuple(_d.values())))

</pallas_src>

<mosaic_0001>
#map = affine_map<(d0, d1) -> (0)>
#map1 = affine_map<(d0, d1) -> (0, 0, 0)>
#map2 = affine_map<(d0, d1) -> (0, 0)>
module attributes {stable_mosaic.version = 14 : i64} {
  func.func @body(%arg0: i32, %arg1: i32, %arg2: memref<4096xi32, #tpu.memory_space<hbm>>, %arg3: memref<20480xi32, #tpu.memory_space<hbm>>, %arg4: memref<4096xi32, #tpu.memory_space<hbm>>, %arg5: memref<32x20x128xi32, #tpu.memory_space<hbm>>, %arg6: memref<100000x128xf32, #tpu.memory_space<hbm>>, %arg7: memref<20000x128xf32, #tpu.memory_space<hbm>>, %arg8: memref<100000x128xf32, #tpu.memory_space<hbm>>, %arg9: memref<500000xf32, #tpu.memory_space<hbm>>, %arg10: memref<500000xf32, #tpu.memory_space<hbm>>, %arg11: memref<500000xf32, #tpu.memory_space<hbm>>, %arg12: memref<500000xf32, #tpu.memory_space<hbm>>, %arg13: memref<500000xf32, #tpu.memory_space<hbm>>, %arg14: memref<81920x128xf32, #tpu.memory_space<hbm>>, %arg15: memref<4096x128xf32, #tpu.memory_space<hbm>>, %arg16: memref<4096x128xf32, #tpu.memory_space<hbm>>, %arg17: memref<102400xf32, #tpu.memory_space<hbm>>, %arg18: memref<128xi32, #tpu.memory_space<vmem>>, %arg19: memref<128xi32, #tpu.memory_space<vmem>>, %arg20: memref<640xi32, #tpu.memory_space<vmem>>, %arg21: memref<20x128xi32, #tpu.memory_space<vmem>>, %arg22: memref<128x128xf32, #tpu.memory_space<vmem>>, %arg23: memref<128x128xf32, #tpu.memory_space<vmem>>, %arg24: memref<128x128xf32, #tpu.memory_space<vmem>>, %arg25: memref<128x128xf32, #tpu.memory_space<vmem>>, %arg26: memref<128x128xf32, #tpu.memory_space<vmem>>, %arg27: memref<128x128xf32, #tpu.memory_space<vmem>>, %arg28: memref<640xf32, #tpu.memory_space<vmem>>, %arg29: memref<640xf32, #tpu.memory_space<vmem>>, %arg30: memref<640xf32, #tpu.memory_space<vmem>>, %arg31: memref<640xf32, #tpu.memory_space<vmem>>, %arg32: memref<640xf32, #tpu.memory_space<vmem>>, %arg33: memref<!tpu.dma_semaphore, #tpu.memory_space<semaphore_mem>>, %arg34: memref<!tpu.dma_semaphore, #tpu.memory_space<semaphore_mem>>, %arg35: memref<!tpu.dma_semaphore, #tpu.memory_space<semaphore_mem>>, %arg36: memref<!tpu.dma_semaphore, #tpu.memory_space<semaphore_mem>>, %arg37: memref<!tpu.dma_semaphore, #tpu.memory_space<semaphore_mem>>, %arg38: memref<!tpu.dma_semaphore, #tpu.memory_space<semaphore_mem>>, %arg39: memref<!tpu.dma_semaphore, #tpu.memory_space<semaphore_mem>>, %arg40: memref<!tpu.dma_semaphore, #tpu.memory_space<semaphore_mem>>, %arg41: memref<!tpu.dma_semaphore, #tpu.memory_space<semaphore_mem>>, %arg42: memref<!tpu.dma_semaphore, #tpu.memory_space<semaphore_mem>>, %arg43: memref<!tpu.dma_semaphore, #tpu.memory_space<semaphore_mem>>, %arg44: memref<!tpu.dma_semaphore, #tpu.memory_space<semaphore_mem>>) attributes {dimension_semantics = [#tpu.dimension_semantics<core_parallel>, #tpu.dimension_semantics<subcore_parallel>], iteration_bounds = array<i64: 2, 16>, scalar_prefetch = 0 : i64, scratch_operands = 27 : i64, tpu.core_type = #tpu.core_type<sc_vector_subcore>, window_params = [{transform_indices = #map}, {transform_indices = #map}, {transform_indices = #map}, {transform_indices = #map1}, {transform_indices = #map2}, {transform_indices = #map2}, {transform_indices = #map2}, {transform_indices = #map}, {transform_indices = #map}, {transform_indices = #map}, {transform_indices = #map}, {transform_indices = #map}, {transform_indices = #map2}, {transform_indices = #map2}, {transform_indices = #map2}, {transform_indices = #map}]} {
    %mul3A = arith.constant 2 : i32
    %mul3A_0 = arith.muli %arg1, %mul3A : i32
    %add3A = arith.addi %mul3A_0, %arg0 : i32
    %mul3A_1 = arith.constant 128 : i32
    %mul3A_2 = arith.muli %add3A, %mul3A_1 : i32
    %dma_start3A = tpu.memref_slice %arg2[%mul3A_2] : memref<4096xi32, #tpu.memory_space<hbm>> -> memref<128xi32, #tpu.memory_space<hbm>>
    %dma_start3A_3 = tpu.memref_slice %arg2[%mul3A_2] : memref<4096xi32, #tpu.memory_space<hbm>> -> memref<128xi32, #tpu.memory_space<hbm>>
    tpu.enqueue_dma source(%dma_start3A_3 : memref<128xi32, #tpu.memory_space<hbm>>) target(%arg18 : memref<128xi32, #tpu.memory_space<vmem>>) target_semaphore(%arg41 : memref<!tpu.dma_semaphore, #tpu.memory_space<semaphore_mem>>)
    %dma_start3A_4 = tpu.memref_slice %arg4[%mul3A_2] : memref<4096xi32, #tpu.memory_space<hbm>> -> memref<128xi32, #tpu.memory_space<hbm>>
    %dma_start3A_5 = tpu.memref_slice %arg4[%mul3A_2] : memref<4096xi32, #tpu.memory_space<hbm>> -> memref<128xi32, #tpu.memory_space<hbm>>
    tpu.enqueue_dma source(%dma_start3A_5 : memref<128xi32, #tpu.memory_space<hbm>>) target(%arg19 : memref<128xi32, #tpu.memory_space<vmem>>) target_semaphore(%arg41 : memref<!tpu.dma_semaphore, #tpu.memory_space<semaphore_mem>>)
    %mul3A_6 = arith.constant 5 : i32
    %mul3A_7 = arith.muli %mul3A_2, %mul3A_6 : i32
    %dma_start3A_8 = tpu.memref_slice %arg3[%mul3A_7] : memref<20480xi32, #tpu.memory_space<hbm>> -> memref<640xi32, #tpu.memory_space<hbm>>
    %dma_start3A_9 = tpu.memref_slice %arg3[%mul3A_7] : memref<20480xi32, #tpu.memory_space<hbm>> -> memref<640xi32, #tpu.memory_space<hbm>>
    tpu.enqueue_dma source(%dma_start3A_9 : memref<640xi32, #tpu.memory_space<hbm>>) target(%arg20 : memref<640xi32, #tpu.memory_space<vmem>>) target_semaphore(%arg41 : memref<!tpu.dma_semaphore, #tpu.memory_space<semaphore_mem>>)
    %dma_start3A_10 = arith.constant 0 : i32
    %dma_start3A_11 = arith.constant 0 : i32
    %dma_start3A_12 = tpu.memref_slice %arg5[%add3A, %dma_start3A_10, %dma_start3A_11] : memref<32x20x128xi32, #tpu.memory_space<hbm>> -> memref<1x20x128xi32, #tpu.memory_space<hbm>>
    %dma_start3A_13 = tpu.memref_squeeze %dma_start3A_12 : memref<1x20x128xi32, #tpu.memory_space<hbm>> -> memref<20x128xi32, #tpu.memory_space<hbm>>
    %dma_start3A_14 = arith.constant 0 : i32
    %dma_start3A_15 = arith.constant 0 : i32
    %dma_start3A_16 = tpu.memref_slice %arg5[%add3A, %dma_start3A_14, %dma_start3A_15] : memref<32x20x128xi32, #tpu.memory_space<hbm>> -> memref<1x20x128xi32, #tpu.memory_space<hbm>>
    %dma_start3A_17 = tpu.memref_squeeze %dma_start3A_16 : memref<1x20x128xi32, #tpu.memory_space<hbm>> -> memref<20x128xi32, #tpu.memory_space<hbm>>
    tpu.enqueue_dma source(%dma_start3A_17 : memref<20x128xi32, #tpu.memory_space<hbm>>) target(%arg21 : memref<20x128xi32, #tpu.memory_space<vmem>>) target_semaphore(%arg41 : memref<!tpu.dma_semaphore, #tpu.memory_space<semaphore_mem>>)
    %dma_wait3A = tpu.memref_slice %arg2[%mul3A_2] : memref<4096xi32, #tpu.memory_space<hbm>> -> memref<128xi32, #tpu.memory_space<hbm>>
    %dma_wait3A_18 = tpu.memref_slice %arg2[%mul3A_2] : memref<4096xi32, #tpu.memory_space<hbm>> -> memref<128xi32, #tpu.memory_space<hbm>>
    tpu.wait_dma2 semaphore(%arg41 : memref<!tpu.dma_semaphore, #tpu.memory_space<semaphore_mem>>) src(%dma_wait3A_18 : memref<128xi32, #tpu.memory_space<hbm>>) dst(%arg18 : memref<128xi32, #tpu.memory_space<vmem>>)
    %dma_wait3A_19 = tpu.memref_slice %arg4[%mul3A_2] : memref<4096xi32, #tpu.memory_space<hbm>> -> memref<128xi32, #tpu.memory_space<hbm>>
    %dma_wait3A_20 = tpu.memref_slice %arg4[%mul3A_2] : memref<4096xi32, #tpu.memory_space<hbm>> -> memref<128xi32, #tpu.memory_space<hbm>>
    tpu.wait_dma2 semaphore(%arg41 : memref<!tpu.dma_semaphore, #tpu.memory_space<semaphore_mem>>) src(%dma_wait3A_20 : memref<128xi32, #tpu.memory_space<hbm>>) dst(%arg19 : memref<128xi32, #tpu.memory_space<vmem>>)
    %dma_wait3A_21 = tpu.memref_slice %arg3[%mul3A_7] : memref<20480xi32, #tpu.memory_space<hbm>> -> memref<640xi32, #tpu.memory_space<hbm>>
    %dma_wait3A_22 = tpu.memref_slice %arg3[%mul3A_7] : memref<20480xi32, #tpu.memory_space<hbm>> -> memref<640xi32, #tpu.memory_space<hbm>>
    tpu.wait_dma2 semaphore(%arg41 : memref<!tpu.dma_semaphore, #tpu.memory_space<semaphore_mem>>) src(%dma_wait3A_22 : memref<640xi32, #tpu.memory_space<hbm>>) dst(%arg20 : memref<640xi32, #tpu.memory_space<vmem>>)
    %dma_wait3A_23 = arith.constant 0 : i32
    %dma_wait3A_24 = arith.constant 0 : i32
    %dma_wait3A_25 = tpu.memref_slice %arg5[%add3A, %dma_wait3A_23, %dma_wait3A_24] : memref<32x20x128xi32, #tpu.memory_space<hbm>> -> memref<1x20x128xi32, #tpu.memory_space<hbm>>
    %dma_wait3A_26 = tpu.memref_squeeze %dma_wait3A_25 : memref<1x20x128xi32, #tpu.memory_space<hbm>> -> memref<20x128xi32, #tpu.memory_space<hbm>>
    %dma_wait3A_27 = arith.constant 0 : i32
    %dma_wait3A_28 = arith.constant 0 : i32
    %dma_wait3A_29 = tpu.memref_slice %arg5[%add3A, %dma_wait3A_27, %dma_wait3A_28] : memref<32x20x128xi32, #tpu.memory_space<hbm>> -> memref<1x20x128xi32, #tpu.memory_space<hbm>>
    %dma_wait3A_30 = tpu.memref_squeeze %dma_wait3A_29 : memref<1x20x128xi32, #tpu.memory_space<hbm>> -> memref<20x128xi32, #tpu.memory_space<hbm>>
    tpu.wait_dma2 semaphore(%arg41 : memref<!tpu.dma_semaphore, #tpu.memory_space<semaphore_mem>>) src(%dma_wait3A_30 : memref<20x128xi32, #tpu.memory_space<hbm>>) dst(%arg21 : memref<20x128xi32, #tpu.memory_space<vmem>>)
    %dma_start3A_31 = arith.constant 0 : i32
    %dma_start3A_32 = arith.constant 0 : i32
    %dma_start3A_33 = tpu.memref_slice %arg6[%dma_start3A_31, %dma_start3A_32] : memref<100000x128xf32, #tpu.memory_space<hbm>> -> memref<100000x128xf32, #tpu.memory_space<hbm>>
    tpu.enqueue_indirect_dma source(%dma_start3A_33 : memref<100000x128xf32, #tpu.memory_space<hbm>>) target(%arg22 : memref<128x128xf32, #tpu.memory_space<vmem>>) offsets(%arg18 : memref<128xi32, #tpu.memory_space<vmem>>) semaphore(%arg43 : memref<!tpu.dma_semaphore, #tpu.memory_space<semaphore_mem>>)
    %dma_start3A_34 = arith.constant 0 : i32
    %dma_start3A_35 = arith.constant 0 : i32
    %dma_start3A_36 = tpu.memref_slice %arg8[%dma_start3A_34, %dma_start3A_35] : memref<100000x128xf32, #tpu.memory_space<hbm>> -> memref<100000x128xf32, #tpu.memory_space<hbm>>
    tpu.enqueue_indirect_dma source(%dma_start3A_36 : memref<100000x128xf32, #tpu.memory_space<hbm>>) target(%arg23 : memref<128x128xf32, #tpu.memory_space<vmem>>) offsets(%arg19 : memref<128xi32, #tpu.memory_space<vmem>>) semaphore(%arg44 : memref<!tpu.dma_semaphore, #tpu.memory_space<semaphore_mem>>)
    %dma_start3A_37 = arith.constant 0 : i32
    %dma_start3A_38 = tpu.memref_slice %arg9[%dma_start3A_37] : memref<500000xf32, #tpu.memory_space<hbm>> -> memref<500000xf32, #tpu.memory_space<hbm>>
    tpu.enqueue_indirect_dma source(%dma_start3A_38 : memref<500000xf32, #tpu.memory_space<hbm>>) target(%arg28 : memref<640xf32, #tpu.memory_space<vmem>>) offsets(%arg20 : memref<640xi32, #tpu.memory_space<vmem>>) semaphore(%arg42 : memref<!tpu.dma_semaphore, #tpu.memory_space<semaphore_mem>>)
    %dma_start3A_39 = arith.constant 0 : i32
    %dma_start3A_40 = tpu.memref_slice %arg10[%dma_start3A_39] : memref<500000xf32, #tpu.memory_space<hbm>> -> memref<500000xf32, #tpu.memory_space<hbm>>
    tpu.enqueue_indirect_dma source(%dma_start3A_40 : memref<500000xf32, #tpu.memory_space<hbm>>) target(%arg29 : memref<640xf32, #tpu.memory_space<vmem>>) offsets(%arg20 : memref<640xi32, #tpu.memory_space<vmem>>) semaphore(%arg42 : memref<!tpu.dma_semaphore, #tpu.memory_space<semaphore_mem>>)
    %dma_start3A_41 = arith.constant 0 : i32
    %dma_start3A_42 = tpu.memref_slice %arg11[%dma_start3A_41] : memref<500000xf32, #tpu.memory_space<hbm>> -> memref<500000xf32, #tpu.memory_space<hbm>>
    tpu.enqueue_indirect_dma source(%dma_start3A_42 : memref<500000xf32, #tpu.memory_space<hbm>>) target(%arg30 : memref<640xf32, #tpu.memory_space<vmem>>) offsets(%arg20 : memref<640xi32, #tpu.memory_space<vmem>>) semaphore(%arg42 : memref<!tpu.dma_semaphore, #tpu.memory_space<semaphore_mem>>)
    %dma_start3A_43 = arith.constant 0 : i32
    %dma_start3A_44 = tpu.memref_slice %arg12[%dma_start3A_43] : memref<500000xf32, #tpu.memory_space<hbm>> -> memref<500000xf32, #tpu.memory_space<hbm>>
    tpu.enqueue_indirect_dma source(%dma_start3A_44 : memref<500000xf32, #tpu.memory_space<hbm>>) target(%arg31 : memref<640xf32, #tpu.memory_space<vmem>>) offsets(%arg20 : memref<640xi32, #tpu.memory_space<vmem>>) semaphore(%arg42 : memref<!tpu.dma_semaphore, #tpu.memory_space<semaphore_mem>>)
    %dma_start3A_45 = arith.constant 0 : i32
    %dma_start3A_46 = tpu.memref_slice %arg13[%dma_start3A_45] : memref<500000xf32, #tpu.memory_space<hbm>> -> memref<500000xf32, #tpu.memory_space<hbm>>
    tpu.enqueue_indirect_dma source(%dma_start3A_46 : memref<500000xf32, #tpu.memory_space<hbm>>) target(%arg32 : memref<640xf32, #tpu.memory_space<vmem>>) offsets(%arg20 : memref<640xi32, #tpu.memory_space<vmem>>) semaphore(%arg42 : memref<!tpu.dma_semaphore, #tpu.memory_space<semaphore_mem>>)
    %dma_start3A_47 = arith.constant 0 : i32
    %dma_start3A_48 = arith.constant 0 : i32
    %dma_start3A_49 = tpu.memref_slice %arg21[%dma_start3A_47, %dma_start3A_48] : memref<20x128xi32, #tpu.memory_space<vmem>> -> memref<1x128xi32, #tpu.memory_space<vmem>>
    %dma_start3A_50 = tpu.memref_squeeze %dma_start3A_49 : memref<1x128xi32, #tpu.memory_space<vmem>> -> memref<128xi32, #tpu.memory_space<vmem>>
    %dma_start3A_51 = arith.constant 0 : i32
    %dma_start3A_52 = arith.constant 0 : i32
    %dma_start3A_53 = tpu.memref_slice %arg7[%dma_start3A_51, %dma_start3A_52] : memref<20000x128xf32, #tpu.memory_space<hbm>> -> memref<20000x128xf32, #tpu.memory_space<hbm>>
    tpu.enqueue_indirect_dma source(%dma_start3A_53 : memref<20000x128xf32, #tpu.memory_space<hbm>>) target(%arg24 : memref<128x128xf32, #tpu.memory_space<vmem>>) offsets(%dma_start3A_50 : memref<128xi32, #tpu.memory_space<vmem>>) semaphore(%arg33 : memref<!tpu.dma_semaphore, #tpu.memory_space<semaphore_mem>>)
    %dma_start3A_54 = arith.constant 1 : i32
    %dma_start3A_55 = arith.constant 0 : i32
    %dma_start3A_56 = tpu.memref_slice %arg21[%dma_start3A_54, %dma_start3A_55] : memref<20x128xi32, #tpu.memory_space<vmem>> -> memref<1x128xi32, #tpu.memory_space<vmem>>
    %dma_start3A_57 = tpu.memref_squeeze %dma_start3A_56 : memref<1x128xi32, #tpu.memory_space<vmem>> -> memref<128xi32, #tpu.memory_space<vmem>>
    %dma_start3A_58 = arith.constant 0 : i32
    %dma_start3A_59 = arith.constant 0 : i32
    %dma_start3A_60 = tpu.memref_slice %arg7[%dma_start3A_58, %dma_start3A_59] : memref<20000x128xf32, #tpu.memory_space<hbm>> -> memref<20000x128xf32, #tpu.memory_space<hbm>>
    tpu.enqueue_indirect_dma source(%dma_start3A_60 : memref<20000x128xf32, #tpu.memory_space<hbm>>) target(%arg25 : memref<128x128xf32, #tpu.memory_space<vmem>>) offsets(%dma_start3A_57 : memref<128xi32, #tpu.memory_space<vmem>>) semaphore(%arg34 : memref<!tpu.dma_semaphore, #tpu.memory_space<semaphore_mem>>)
    %dma_start3A_61 = arith.constant 2 : i32
    %dma_start3A_62 = arith.constant 0 : i32
    %dma_start3A_63 = tpu.memref_slice %arg21[%dma_start3A_61, %dma_start3A_62] : memref<20x128xi32, #tpu.memory_space<vmem>> -> memref<1x128xi32, #tpu.memory_space<vmem>>
    %dma_start3A_64 = tpu.memref_squeeze %dma_start3A_63 : memref<1x128xi32, #tpu.memory_space<vmem>> -> memref<128xi32, #tpu.memory_space<vmem>>
    %dma_start3A_65 = arith.constant 0 : i32
    %dma_start3A_66 = arith.constant 0 : i32
    %dma_start3A_67 = tpu.memref_slice %arg7[%dma_start3A_65, %dma_start3A_66] : memref<20000x128xf32, #tpu.memory_space<hbm>> -> memref<20000x128xf32, #tpu.memory_space<hbm>>
    tpu.enqueue_indirect_dma source(%dma_start3A_67 : memref<20000x128xf32, #tpu.memory_space<hbm>>) target(%arg26 : memref<128x128xf32, #tpu.memory_space<vmem>>) offsets(%dma_start3A_64 : memref<128xi32, #tpu.memory_space<vmem>>) semaphore(%arg35 : memref<!tpu.dma_semaphore, #tpu.memory_space<semaphore_mem>>)
    %dma_start3A_68 = arith.constant 3 : i32
    %dma_start3A_69 = arith.constant 0 : i32
    %dma_start3A_70 = tpu.memref_slice %arg21[%dma_start3A_68, %dma_start3A_69] : memref<20x128xi32, #tpu.memory_space<vmem>> -> memref<1x128xi32, #tpu.memory_space<vmem>>
    %dma_start3A_71 = tpu.memref_squeeze %dma_start3A_70 : memref<1x128xi32, #tpu.memory_space<vmem>> -> memref<128xi32, #tpu.memory_space<vmem>>
    %dma_start3A_72 = arith.constant 0 : i32
    %dma_start3A_73 = arith.constant 0 : i32
    %dma_start3A_74 = tpu.memref_slice %arg7[%dma_start3A_72, %dma_start3A_73] : memref<20000x128xf32, #tpu.memory_space<hbm>> -> memref<20000x128xf32, #tpu.memory_space<hbm>>
    tpu.enqueue_indirect_dma source(%dma_start3A_74 : memref<20000x128xf32, #tpu.memory_space<hbm>>) target(%arg27 : memref<128x128xf32, #tpu.memory_space<vmem>>) offsets(%dma_start3A_71 : memref<128xi32, #tpu.memory_space<vmem>>) semaphore(%arg36 : memref<!tpu.dma_semaphore, #tpu.memory_space<semaphore_mem>>)
    %dma_wait3A_75 = arith.constant 0 : i32
    %dma_wait3A_76 = arith.constant 0 : i32
    %dma_wait3A_77 = tpu.memref_slice %arg21[%dma_wait3A_75, %dma_wait3A_76] : memref<20x128xi32, #tpu.memory_space<vmem>> -> memref<1x128xi32, #tpu.memory_space<vmem>>
    %dma_wait3A_78 = tpu.memref_squeeze %dma_wait3A_77 : memref<1x128xi32, #tpu.memory_space<vmem>> -> memref<128xi32, #tpu.memory_space<vmem>>
    %dma_wait3A_79 = arith.constant 0 : i32
    %dma_wait3A_80 = arith.constant 0 : i32
    %dma_wait3A_81 = tpu.memref_slice %arg7[%dma_wait3A_79, %dma_wait3A_80] : memref<20000x128xf32, #tpu.memory_space<hbm>> -> memref<20000x128xf32, #tpu.memory_space<hbm>>
    tpu.wait_indirect_dma semaphore(%arg33 : memref<!tpu.dma_semaphore, #tpu.memory_space<semaphore_mem>>) src(%dma_wait3A_81 : memref<20000x128xf32, #tpu.memory_space<hbm>>) dst(%arg24 : memref<128x128xf32, #tpu.memory_space<vmem>>)
    %mul3A_82 = arith.constant 20 : i32
    %mul3A_83 = arith.muli %add3A, %mul3A_82 : i32
    %mul3A_84 = arith.constant 128 : i32
    %mul3A_85 = arith.muli %mul3A_83, %mul3A_84 : i32
    %add3A_86 = arith.constant 0 : i32
    %add3A_87 = arith.addi %mul3A_85, %add3A_86 : i32
    %dma_start3A_88 = arith.constant 0 : i32
    %dma_start3A_89 = tpu.memref_slice %arg14[%add3A_87, %dma_start3A_88] : memref<81920x128xf32, #tpu.memory_space<hbm>> -> memref<128x128xf32, #tpu.memory_space<hbm>>
    %dma_start3A_90 = arith.constant 0 : i32
    %dma_start3A_91 = tpu.memref_slice %arg14[%add3A_87, %dma_start3A_90] : memref<81920x128xf32, #tpu.memory_space<hbm>> -> memref<128x128xf32, #tpu.memory_space<hbm>>
    tpu.enqueue_dma source(%arg24 : memref<128x128xf32, #tpu.memory_space<vmem>>) target(%dma_start3A_91 : memref<128x128xf32, #tpu.memory_space<hbm>>) target_semaphore(%arg37 : memref<!tpu.dma_semaphore, #tpu.memory_space<semaphore_mem>>)
    %dma_wait3A_92 = arith.constant 0 : i32
    %dma_wait3A_93 = tpu.memref_slice %arg14[%add3A_87, %dma_wait3A_92] : memref<81920x128xf32, #tpu.memory_space<hbm>> -> memref<128x128xf32, #tpu.memory_space<hbm>>
    %dma_wait3A_94 = arith.constant 0 : i32
    %dma_wait3A_95 = tpu.memref_slice %arg14[%add3A_87, %dma_wait3A_94] : memref<81920x128xf32, #tpu.memory_space<hbm>> -> memref<128x128xf32, #tpu.memory_space<hbm>>
    tpu.wait_dma2 semaphore(%arg37 : memref<!tpu.dma_semaphore, #tpu.memory_space<semaphore_mem>>) src(%arg24 : memref<128x128xf32, #tpu.memory_space<vmem>>) dst(%dma_wait3A_95 : memref<128x128xf32, #tpu.memory_space<hbm>>)
    %dma_start3A_96 = arith.constant 4 : i32
    %dma_start3A_97 = arith.constant 0 : i32
    %dma_start3A_98 = tpu.memref_slice %arg21[%dma_start3A_96, %dma_start3A_97] : memref<20x128xi32, #tpu.memory_space<vmem>> -> memref<1x128xi32, #tpu.memory_space<vmem>>
    %dma_start3A_99 = tpu.memref_squeeze %dma_start3A_98 : memref<1x128xi32, #tpu.memory_space<vmem>> -> memref<128xi32, #tpu.memory_space<vmem>>
    %dma_start3A_100 = arith.constant 0 : i32
    %dma_start3A_101 = arith.constant 0 : i32
    %dma_start3A_102 = tpu.memref_slice %arg7[%dma_start3A_100, %dma_start3A_101] : memref<20000x128xf32, #tpu.memory_space<hbm>> -> memref<20000x128xf32, #tpu.memory_space<hbm>>
    tpu.enqueue_indirect_dma source(%dma_start3A_102 : memref<20000x128xf32, #tpu.memory_space<hbm>>) target(%arg24 : memref<128x128xf32, #tpu.memory_space<vmem>>) offsets(%dma_start3A_99 : memref<128xi32, #tpu.memory_space<vmem>>) semaphore(%arg33 : memref<!tpu.dma_semaphore, #tpu.memory_space<semaphore_mem>>)
    %dma_wait3A_103 = arith.constant 1 : i32
    %dma_wait3A_104 = arith.constant 0 : i32
    %dma_wait3A_105 = tpu.memref_slice %arg21[%dma_wait3A_103, %dma_wait3A_104] : memref<20x128xi32, #tpu.memory_space<vmem>> -> memref<1x128xi32, #tpu.memory_space<vmem>>
    %dma_wait3A_106 = tpu.memref_squeeze %dma_wait3A_105 : memref<1x128xi32, #tpu.memory_space<vmem>> -> memref<128xi32, #tpu.memory_space<vmem>>
    %dma_wait3A_107 = arith.constant 0 : i32
    %dma_wait3A_108 = arith.constant 0 : i32
    %dma_wait3A_109 = tpu.memref_slice %arg7[%dma_wait3A_107, %dma_wait3A_108] : memref<20000x128xf32, #tpu.memory_space<hbm>> -> memref<20000x128xf32, #tpu.memory_space<hbm>>
    tpu.wait_indirect_dma semaphore(%arg34 : memref<!tpu.dma_semaphore, #tpu.memory_space<semaphore_mem>>) src(%dma_wait3A_109 : memref<20000x128xf32, #tpu.memory_space<hbm>>) dst(%arg25 : memref<128x128xf32, #tpu.memory_space<vmem>>)
    %mul3A_110 = arith.constant 20 : i32
    %mul3A_111 = arith.muli %add3A, %mul3A_110 : i32
    %mul3A_112 = arith.constant 128 : i32
    %mul3A_113 = arith.muli %mul3A_111, %mul3A_112 : i32
    %add3A_114 = arith.constant 128 : i32
    %add3A_115 = arith.addi %mul3A_113, %add3A_114 : i32
    %dma_start3A_116 = arith.constant 0 : i32
    %dma_start3A_117 = tpu.memref_slice %arg14[%add3A_115, %dma_start3A_116] : memref<81920x128xf32, #tpu.memory_space<hbm>> -> memref<128x128xf32, #tpu.memory_space<hbm>>
    %dma_start3A_118 = arith.constant 0 : i32
    %dma_start3A_119 = tpu.memref_slice %arg14[%add3A_115, %dma_start3A_118] : memref<81920x128xf32, #tpu.memory_space<hbm>> -> memref<128x128xf32, #tpu.memory_space<hbm>>
    tpu.enqueue_dma source(%arg25 : memref<128x128xf32, #tpu.memory_space<vmem>>) target(%dma_start3A_119 : memref<128x128xf32, #tpu.memory_space<hbm>>) target_semaphore(%arg38 : memref<!tpu.dma_semaphore, #tpu.memory_space<semaphore_mem>>)
    %dma_wait3A_120 = arith.constant 0 : i32
    %dma_wait3A_121 = tpu.memref_slice %arg14[%add3A_115, %dma_wait3A_120] : memref<81920x128xf32, #tpu.memory_space<hbm>> -> memref<128x128xf32, #tpu.memory_space<hbm>>
    %dma_wait3A_122 = arith.constant 0 : i32
    %dma_wait3A_123 = tpu.memref_slice %arg14[%add3A_115, %dma_wait3A_122] : memref<81920x128xf32, #tpu.memory_space<hbm>> -> memref<128x128xf32, #tpu.memory_space<hbm>>
    tpu.wait_dma2 semaphore(%arg38 : memref<!tpu.dma_semaphore, #tpu.memory_space<semaphore_mem>>) src(%arg25 : memref<128x128xf32, #tpu.memory_space<vmem>>) dst(%dma_wait3A_123 : memref<128x128xf32, #tpu.memory_space<hbm>>)
    %dma_start3A_124 = arith.constant 5 : i32
    %dma_start3A_125 = arith.constant 0 : i32
    %dma_start3A_126 = tpu.memref_slice %arg21[%dma_start3A_124, %dma_start3A_125] : memref<20x128xi32, #tpu.memory_space<vmem>> -> memref<1x128xi32, #tpu.memory_space<vmem>>
    %dma_start3A_127 = tpu.memref_squeeze %dma_start3A_126 : memref<1x128xi32, #tpu.memory_space<vmem>> -> memref<128xi32, #tpu.memory_space<vmem>>
    %dma_start3A_128 = arith.constant 0 : i32
    %dma_start3A_129 = arith.constant 0 : i32
    %dma_start3A_130 = tpu.memref_slice %arg7[%dma_start3A_128, %dma_start3A_129] : memref<20000x128xf32, #tpu.memory_space<hbm>> -> memref<20000x128xf32, #tpu.memory_space<hbm>>
    tpu.enqueue_indirect_dma source(%dma_start3A_130 : memref<20000x128xf32, #tpu.memory_space<hbm>>) target(%arg25 : memref<128x128xf32, #tpu.memory_space<vmem>>) offsets(%dma_start3A_127 : memref<128xi32, #tpu.memory_space<vmem>>) semaphore(%arg34 : memref<!tpu.dma_semaphore, #tpu.memory_space<semaphore_mem>>)
    %dma_wait3A_131 = arith.constant 2 : i32
    %dma_wait3A_132 = arith.constant 0 : i32
    %dma_wait3A_133 = tpu.memref_slice %arg21[%dma_wait3A_131, %dma_wait3A_132] : memref<20x128xi32, #tpu.memory_space<vmem>> -> memref<1x128xi32, #tpu.memory_space<vmem>>
    %dma_wait3A_134 = tpu.memref_squeeze %dma_wait3A_133 : memref<1x128xi32, #tpu.memory_space<vmem>> -> memref<128xi32, #tpu.memory_space<vmem>>
    %dma_wait3A_135 = arith.constant 0 : i32
    %dma_wait3A_136 = arith.constant 0 : i32
    %dma_wait3A_137 = tpu.memref_slice %arg7[%dma_wait3A_135, %dma_wait3A_136] : memref<20000x128xf32, #tpu.memory_space<hbm>> -> memref<20000x128xf32, #tpu.memory_space<hbm>>
    tpu.wait_indirect_dma semaphore(%arg35 : memref<!tpu.dma_semaphore, #tpu.memory_space<semaphore_mem>>) src(%dma_wait3A_137 : memref<20000x128xf32, #tpu.memory_space<hbm>>) dst(%arg26 : memref<128x128xf32, #tpu.memory_space<vmem>>)
    %mul3A_138 = arith.constant 20 : i32
    %mul3A_139 = arith.muli %add3A, %mul3A_138 : i32
    %mul3A_140 = arith.constant 128 : i32
    %mul3A_141 = arith.muli %mul3A_139, %mul3A_140 : i32
    %add3A_142 = arith.constant 256 : i32
    %add3A_143 = arith.addi %mul3A_141, %add3A_142 : i32
    %dma_start3A_144 = arith.constant 0 : i32
    %dma_start3A_145 = tpu.memref_slice %arg14[%add3A_143, %dma_start3A_144] : memref<81920x128xf32, #tpu.memory_space<hbm>> -> memref<128x128xf32, #tpu.memory_space<hbm>>
    %dma_start3A_146 = arith.constant 0 : i32
    %dma_start3A_147 = tpu.memref_slice %arg14[%add3A_143, %dma_start3A_146] : memref<81920x128xf32, #tpu.memory_space<hbm>> -> memref<128x128xf32, #tpu.memory_space<hbm>>
    tpu.enqueue_dma source(%arg26 : memref<128x128xf32, #tpu.memory_space<vmem>>) target(%dma_start3A_147 : memref<128x128xf32, #tpu.memory_space<hbm>>) target_semaphore(%arg39 : memref<!tpu.dma_semaphore, #tpu.memory_space<semaphore_mem>>)
    %dma_wait3A_148 = arith.constant 0 : i32
    %dma_wait3A_149 = tpu.memref_slice %arg14[%add3A_143, %dma_wait3A_148] : memref<81920x128xf32, #tpu.memory_space<hbm>> -> memref<128x128xf32, #tpu.memory_space<hbm>>
    %dma_wait3A_150 = arith.constant 0 : i32
    %dma_wait3A_151 = tpu.memref_slice %arg14[%add3A_143, %dma_wait3A_150] : memref<81920x128xf32, #tpu.memory_space<hbm>> -> memref<128x128xf32, #tpu.memory_space<hbm>>
    tpu.wait_dma2 semaphore(%arg39 : memref<!tpu.dma_semaphore, #tpu.memory_space<semaphore_mem>>) src(%arg26 : memref<128x128xf32, #tpu.memory_space<vmem>>) dst(%dma_wait3A_151 : memref<128x128xf32, #tpu.memory_space<hbm>>)
    %dma_start3A_152 = arith.constant 6 : i32
    %dma_start3A_153 = arith.constant 0 : i32
    %dma_start3A_154 = tpu.memref_slice %arg21[%dma_start3A_152, %dma_start3A_153] : memref<20x128xi32, #tpu.memory_space<vmem>> -> memref<1x128xi32, #tpu.memory_space<vmem>>
    %dma_start3A_155 = tpu.memref_squeeze %dma_start3A_154 : memref<1x128xi32, #tpu.memory_space<vmem>> -> memref<128xi32, #tpu.memory_space<vmem>>
    %dma_start3A_156 = arith.constant 0 : i32
    %dma_start3A_157 = arith.constant 0 : i32
    %dma_start3A_158 = tpu.memref_slice %arg7[%dma_start3A_156, %dma_start3A_157] : memref<20000x128xf32, #tpu.memory_space<hbm>> -> memref<20000x128xf32, #tpu.memory_space<hbm>>
    tpu.enqueue_indirect_dma source(%dma_start3A_158 : memref<20000x128xf32, #tpu.memory_space<hbm>>) target(%arg26 : memref<128x128xf32, #tpu.memory_space<vmem>>) offsets(%dma_start3A_155 : memref<128xi32, #tpu.memory_space<vmem>>) semaphore(%arg35 : memref<!tpu.dma_semaphore, #tpu.memory_space<semaphore_mem>>)
    %dma_wait3A_159 = arith.constant 3 : i32
    %dma_wait3A_160 = arith.constant 0 : i32
    %dma_wait3A_161 = tpu.memref_slice %arg21[%dma_wait3A_159, %dma_wait3A_160] : memref<20x128xi32, #tpu.memory_space<vmem>> -> memref<1x128xi32, #tpu.memory_space<vmem>>
    %dma_wait3A_162 = tpu.memref_squeeze %dma_wait3A_161 : memref<1x128xi32, #tpu.memory_space<vmem>> -> memref<128xi32, #tpu.memory_space<vmem>>
    %dma_wait3A_163 = arith.constant 0 : i32
    %dma_wait3A_164 = arith.constant 0 : i32
    %dma_wait3A_165 = tpu.memref_slice %arg7[%dma_wait3A_163, %dma_wait3A_164] : memref<20000x128xf32, #tpu.memory_space<hbm>> -> memref<20000x128xf32, #tpu.memory_space<hbm>>
    tpu.wait_indirect_dma semaphore(%arg36 : memref<!tpu.dma_semaphore, #tpu.memory_space<semaphore_mem>>) src(%dma_wait3A_165 : memref<20000x128xf32, #tpu.memory_space<hbm>>) dst(%arg27 : memref<128x128xf32, #tpu.memory_space<vmem>>)
    %mul3A_166 = arith.constant 20 : i32
    %mul3A_167 = arith.muli %add3A, %mul3A_166 : i32
    %mul3A_168 = arith.constant 128 : i32
    %mul3A_169 = arith.muli %mul3A_167, %mul3A_168 : i32
    %add3A_170 = arith.constant 384 : i32
    %add3A_171 = arith.addi %mul3A_169, %add3A_170 : i32
    %dma_start3A_172 = arith.constant 0 : i32
    %dma_start3A_173 = tpu.memref_slice %arg14[%add3A_171, %dma_start3A_172] : memref<81920x128xf32, #tpu.memory_space<hbm>> -> memref<128x128xf32, #tpu.memory_space<hbm>>
    %dma_start3A_174 = arith.constant 0 : i32
    %dma_start3A_175 = tpu.memref_slice %arg14[%add3A_171, %dma_start3A_174] : memref<81920x128xf32, #tpu.memory_space<hbm>> -> memref<128x128xf32, #tpu.memory_space<hbm>>
    tpu.enqueue_dma source(%arg27 : memref<128x128xf32, #tpu.memory_space<vmem>>) target(%dma_start3A_175 : memref<128x128xf32, #tpu.memory_space<hbm>>) target_semaphore(%arg40 : memref<!tpu.dma_semaphore, #tpu.memory_space<semaphore_mem>>)
    %dma_wait3A_176 = arith.constant 0 : i32
    %dma_wait3A_177 = tpu.memref_slice %arg14[%add3A_171, %dma_wait3A_176] : memref<81920x128xf32, #tpu.memory_space<hbm>> -> memref<128x128xf32, #tpu.memory_space<hbm>>
    %dma_wait3A_178 = arith.constant 0 : i32
    %dma_wait3A_179 = tpu.memref_slice %arg14[%add3A_171, %dma_wait3A_178] : memref<81920x128xf32, #tpu.memory_space<hbm>> -> memref<128x128xf32, #tpu.memory_space<hbm>>
    tpu.wait_dma2 semaphore(%arg40 : memref<!tpu.dma_semaphore, #tpu.memory_space<semaphore_mem>>) src(%arg27 : memref<128x128xf32, #tpu.memory_space<vmem>>) dst(%dma_wait3A_179 : memref<128x128xf32, #tpu.memory_space<hbm>>)
    %dma_start3A_180 = arith.constant 7 : i32
    %dma_start3A_181 = arith.constant 0 : i32
    %dma_start3A_182 = tpu.memref_slice %arg21[%dma_start3A_180, %dma_start3A_181] : memref<20x128xi32, #tpu.memory_space<vmem>> -> memref<1x128xi32, #tpu.memory_space<vmem>>
    %dma_start3A_183 = tpu.memref_squeeze %dma_start3A_182 : memref<1x128xi32, #tpu.memory_space<vmem>> -> memref<128xi32, #tpu.memory_space<vmem>>
    %dma_start3A_184 = arith.constant 0 : i32
    %dma_start3A_185 = arith.constant 0 : i32
    %dma_start3A_186 = tpu.memref_slice %arg7[%dma_start3A_184, %dma_start3A_185] : memref<20000x128xf32, #tpu.memory_space<hbm>> -> memref<20000x128xf32, #tpu.memory_space<hbm>>
    tpu.enqueue_indirect_dma source(%dma_start3A_186 : memref<20000x128xf32, #tpu.memory_space<hbm>>) target(%arg27 : memref<128x128xf32, #tpu.memory_space<vmem>>) offsets(%dma_start3A_183 : memref<128xi32, #tpu.memory_space<vmem>>) semaphore(%arg36 : memref<!tpu.dma_semaphore, #tpu.memory_space<semaphore_mem>>)
    %dma_wait3A_187 = arith.constant 4 : i32
    %dma_wait3A_188 = arith.constant 0 : i32
    %dma_wait3A_189 = tpu.memref_slice %arg21[%dma_wait3A_187, %dma_wait3A_188] : memref<20x128xi32, #tpu.memory_space<vmem>> -> memref<1x128xi32, #tpu.memory_space<vmem>>
    %dma_wait3A_190 = tpu.memref_squeeze %dma_wait3A_189 : memref<1x128xi32, #tpu.memory_space<vmem>> -> memref<128xi32, #tpu.memory_space<vmem>>
    %dma_wait3A_191 = arith.constant 0 : i32
    %dma_wait3A_192 = arith.constant 0 : i32
    %dma_wait3A_193 = tpu.memref_slice %arg7[%dma_wait3A_191, %dma_wait3A_192] : memref<20000x128xf32, #tpu.memory_space<hbm>> -> memref<20000x128xf32, #tpu.memory_space<hbm>>
    tpu.wait_indirect_dma semaphore(%arg33 : memref<!tpu.dma_semaphore, #tpu.memory_space<semaphore_mem>>) src(%dma_wait3A_193 : memref<20000x128xf32, #tpu.memory_space<hbm>>) dst(%arg24 : memref<128x128xf32, #tpu.memory_space<vmem>>)
    %mul3A_194 = arith.constant 20 : i32
    %mul3A_195 = arith.muli %add3A, %mul3A_194 : i32
    %mul3A_196 = arith.constant 128 : i32
    %mul3A_197 = arith.muli %mul3A_195, %mul3A_196 : i32
    %add3A_198 = arith.constant 512 : i32
    %add3A_199 = arith.addi %mul3A_197, %add3A_198 : i32
    %dma_start3A_200 = arith.constant 0 : i32
    %dma_start3A_201 = tpu.memref_slice %arg14[%add3A_199, %dma_start3A_200] : memref<81920x128xf32, #tpu.memory_space<hbm>> -> memref<128x128xf32, #tpu.memory_space<hbm>>
    %dma_start3A_202 = arith.constant 0 : i32
    %dma_start3A_203 = tpu.memref_slice %arg14[%add3A_199, %dma_start3A_202] : memref<81920x128xf32, #tpu.memory_space<hbm>> -> memref<128x128xf32, #tpu.memory_space<hbm>>
    tpu.enqueue_dma source(%arg24 : memref<128x128xf32, #tpu.memory_space<vmem>>) target(%dma_start3A_203 : memref<128x128xf32, #tpu.memory_space<hbm>>) target_semaphore(%arg37 : memref<!tpu.dma_semaphore, #tpu.memory_space<semaphore_mem>>)
    %dma_wait3A_204 = arith.constant 0 : i32
    %dma_wait3A_205 = tpu.memref_slice %arg14[%add3A_199, %dma_wait3A_204] : memref<81920x128xf32, #tpu.memory_space<hbm>> -> memref<128x128xf32, #tpu.memory_space<hbm>>
    %dma_wait3A_206 = arith.constant 0 : i32
    %dma_wait3A_207 = tpu.memref_slice %arg14[%add3A_199, %dma_wait3A_206] : memref<81920x128xf32, #tpu.memory_space<hbm>> -> memref<128x128xf32, #tpu.memory_space<hbm>>
    tpu.wait_dma2 semaphore(%arg37 : memref<!tpu.dma_semaphore, #tpu.memory_space<semaphore_mem>>) src(%arg24 : memref<128x128xf32, #tpu.memory_space<vmem>>) dst(%dma_wait3A_207 : memref<128x128xf32, #tpu.memory_space<hbm>>)
    %dma_start3A_208 = arith.constant 8 : i32
    %dma_start3A_209 = arith.constant 0 : i32
    %dma_start3A_210 = tpu.memref_slice %arg21[%dma_start3A_208, %dma_start3A_209] : memref<20x128xi32, #tpu.memory_space<vmem>> -> memref<1x128xi32, #tpu.memory_space<vmem>>
    %dma_start3A_211 = tpu.memref_squeeze %dma_start3A_210 : memref<1x128xi32, #tpu.memory_space<vmem>> -> memref<128xi32, #tpu.memory_space<vmem>>
    %dma_start3A_212 = arith.constant 0 : i32
    %dma_start3A_213 = arith.constant 0 : i32
    %dma_start3A_214 = tpu.memref_slice %arg7[%dma_start3A_212, %dma_start3A_213] : memref<20000x128xf32, #tpu.memory_space<hbm>> -> memref<20000x128xf32, #tpu.memory_space<hbm>>
    tpu.enqueue_indirect_dma source(%dma_start3A_214 : memref<20000x128xf32, #tpu.memory_space<hbm>>) target(%arg24 : memref<128x128xf32, #tpu.memory_space<vmem>>) offsets(%dma_start3A_211 : memref<128xi32, #tpu.memory_space<vmem>>) semaphore(%arg33 : memref<!tpu.dma_semaphore, #tpu.memory_space<semaphore_mem>>)
    %dma_wait3A_215 = arith.constant 5 : i32
    %dma_wait3A_216 = arith.constant 0 : i32
    %dma_wait3A_217 = tpu.memref_slice %arg21[%dma_wait3A_215, %dma_wait3A_216] : memref<20x128xi32, #tpu.memory_space<vmem>> -> memref<1x128xi32, #tpu.memory_space<vmem>>
    %dma_wait3A_218 = tpu.memref_squeeze %dma_wait3A_217 : memref<1x128xi32, #tpu.memory_space<vmem>> -> memref<128xi32, #tpu.memory_space<vmem>>
    %dma_wait3A_219 = arith.constant 0 : i32
    %dma_wait3A_220 = arith.constant 0 : i32
    %dma_wait3A_221 = tpu.memref_slice %arg7[%dma_wait3A_219, %dma_wait3A_220] : memref<20000x128xf32, #tpu.memory_space<hbm>> -> memref<20000x128xf32, #tpu.memory_space<hbm>>
    tpu.wait_indirect_dma semaphore(%arg34 : memref<!tpu.dma_semaphore, #tpu.memory_space<semaphore_mem>>) src(%dma_wait3A_221 : memref<20000x128xf32, #tpu.memory_space<hbm>>) dst(%arg25 : memref<128x128xf32, #tpu.memory_space<vmem>>)
    %mul3A_222 = arith.constant 20 : i32
    %mul3A_223 = arith.muli %add3A, %mul3A_222 : i32
    %mul3A_224 = arith.constant 128 : i32
    %mul3A_225 = arith.muli %mul3A_223, %mul3A_224 : i32
    %add3A_226 = arith.constant 640 : i32
    %add3A_227 = arith.addi %mul3A_225, %add3A_226 : i32
    %dma_start3A_228 = arith.constant 0 : i32
    %dma_start3A_229 = tpu.memref_slice %arg14[%add3A_227, %dma_start3A_228] : memref<81920x128xf32, #tpu.memory_space<hbm>> -> memref<128x128xf32, #tpu.memory_space<hbm>>
    %dma_start3A_230 = arith.constant 0 : i32
    %dma_start3A_231 = tpu.memref_slice %arg14[%add3A_227, %dma_start3A_230] : memref<81920x128xf32, #tpu.memory_space<hbm>> -> memref<128x128xf32, #tpu.memory_space<hbm>>
    tpu.enqueue_dma source(%arg25 : memref<128x128xf32, #tpu.memory_space<vmem>>) target(%dma_start3A_231 : memref<128x128xf32, #tpu.memory_space<hbm>>) target_semaphore(%arg38 : memref<!tpu.dma_semaphore, #tpu.memory_space<semaphore_mem>>)
    %dma_wait3A_232 = arith.constant 0 : i32
    %dma_wait3A_233 = tpu.memref_slice %arg14[%add3A_227, %dma_wait3A_232] : memref<81920x128xf32, #tpu.memory_space<hbm>> -> memref<128x128xf32, #tpu.memory_space<hbm>>
    %dma_wait3A_234 = arith.constant 0 : i32
    %dma_wait3A_235 = tpu.memref_slice %arg14[%add3A_227, %dma_wait3A_234] : memref<81920x128xf32, #tpu.memory_space<hbm>> -> memref<128x128xf32, #tpu.memory_space<hbm>>
    tpu.wait_dma2 semaphore(%arg38 : memref<!tpu.dma_semaphore, #tpu.memory_space<semaphore_mem>>) src(%arg25 : memref<128x128xf32, #tpu.memory_space<vmem>>) dst(%dma_wait3A_235 : memref<128x128xf32, #tpu.memory_space<hbm>>)
    %dma_start3A_236 = arith.constant 9 : i32
    %dma_start3A_237 = arith.constant 0 : i32
    %dma_start3A_238 = tpu.memref_slice %arg21[%dma_start3A_236, %dma_start3A_237] : memref<20x128xi32, #tpu.memory_space<vmem>> -> memref<1x128xi32, #tpu.memory_space<vmem>>
    %dma_start3A_239 = tpu.memref_squeeze %dma_start3A_238 : memref<1x128xi32, #tpu.memory_space<vmem>> -> memref<128xi32, #tpu.memory_space<vmem>>
    %dma_start3A_240 = arith.constant 0 : i32
    %dma_start3A_241 = arith.constant 0 : i32
    %dma_start3A_242 = tpu.memref_slice %arg7[%dma_start3A_240, %dma_start3A_241] : memref<20000x128xf32, #tpu.memory_space<hbm>> -> memref<20000x128xf32, #tpu.memory_space<hbm>>
    tpu.enqueue_indirect_dma source(%dma_start3A_242 : memref<20000x128xf32, #tpu.memory_space<hbm>>) target(%arg25 : memref<128x128xf32, #tpu.memory_space<vmem>>) offsets(%dma_start3A_239 : memref<128xi32, #tpu.memory_space<vmem>>) semaphore(%arg34 : memref<!tpu.dma_semaphore, #tpu.memory_space<semaphore_mem>>)
    %dma_wait3A_243 = arith.constant 6 : i32
    %dma_wait3A_244 = arith.constant 0 : i32
    %dma_wait3A_245 = tpu.memref_slice %arg21[%dma_wait3A_243, %dma_wait3A_244] : memref<20x128xi32, #tpu.memory_space<vmem>> -> memref<1x128xi32, #tpu.memory_space<vmem>>
    %dma_wait3A_246 = tpu.memref_squeeze %dma_wait3A_245 : memref<1x128xi32, #tpu.memory_space<vmem>> -> memref<128xi32, #tpu.memory_space<vmem>>
    %dma_wait3A_247 = arith.constant 0 : i32
    %dma_wait3A_248 = arith.constant 0 : i32
    %dma_wait3A_249 = tpu.memref_slice %arg7[%dma_wait3A_247, %dma_wait3A_248] : memref<20000x128xf32, #tpu.memory_space<hbm>> -> memref<20000x128xf32, #tpu.memory_space<hbm>>
    tpu.wait_indirect_dma semaphore(%arg35 : memref<!tpu.dma_semaphore, #tpu.memory_space<semaphore_mem>>) src(%dma_wait3A_249 : memref<20000x128xf32, #tpu.memory_space<hbm>>) dst(%arg26 : memref<128x128xf32, #tpu.memory_space<vmem>>)
    %mul3A_250 = arith.constant 20 : i32
    %mul3A_251 = arith.muli %add3A, %mul3A_250 : i32
    %mul3A_252 = arith.constant 128 : i32
    %mul3A_253 = arith.muli %mul3A_251, %mul3A_252 : i32
    %add3A_254 = arith.constant 768 : i32
    %add3A_255 = arith.addi %mul3A_253, %add3A_254 : i32
    %dma_start3A_256 = arith.constant 0 : i32
    %dma_start3A_257 = tpu.memref_slice %arg14[%add3A_255, %dma_start3A_256] : memref<81920x128xf32, #tpu.memory_space<hbm>> -> memref<128x128xf32, #tpu.memory_space<hbm>>
    %dma_start3A_258 = arith.constant 0 : i32
    %dma_start3A_259 = tpu.memref_slice %arg14[%add3A_255, %dma_start3A_258] : memref<81920x128xf32, #tpu.memory_space<hbm>> -> memref<128x128xf32, #tpu.memory_space<hbm>>
    tpu.enqueue_dma source(%arg26 : memref<128x128xf32, #tpu.memory_space<vmem>>) target(%dma_start3A_259 : memref<128x128xf32, #tpu.memory_space<hbm>>) target_semaphore(%arg39 : memref<!tpu.dma_semaphore, #tpu.memory_space<semaphore_mem>>)
    %dma_wait3A_260 = arith.constant 0 : i32
    %dma_wait3A_261 = tpu.memref_slice %arg14[%add3A_255, %dma_wait3A_260] : memref<81920x128xf32, #tpu.memory_space<hbm>> -> memref<128x128xf32, #tpu.memory_space<hbm>>
    %dma_wait3A_262 = arith.constant 0 : i32
    %dma_wait3A_263 = tpu.memref_slice %arg14[%add3A_255, %dma_wait3A_262] : memref<81920x128xf32, #tpu.memory_space<hbm>> -> memref<128x128xf32, #tpu.memory_space<hbm>>
    tpu.wait_dma2 semaphore(%arg39 : memref<!tpu.dma_semaphore, #tpu.memory_space<semaphore_mem>>) src(%arg26 : memref<128x128xf32, #tpu.memory_space<vmem>>) dst(%dma_wait3A_263 : memref<128x128xf32, #tpu.memory_space<hbm>>)
    %dma_start3A_264 = arith.constant 10 : i32
    %dma_start3A_265 = arith.constant 0 : i32
    %dma_start3A_266 = tpu.memref_slice %arg21[%dma_start3A_264, %dma_start3A_265] : memref<20x128xi32, #tpu.memory_space<vmem>> -> memref<1x128xi32, #tpu.memory_space<vmem>>
    %dma_start3A_267 = tpu.memref_squeeze %dma_start3A_266 : memref<1x128xi32, #tpu.memory_space<vmem>> -> memref<128xi32, #tpu.memory_space<vmem>>
    %dma_start3A_268 = arith.constant 0 : i32
    %dma_start3A_269 = arith.constant 0 : i32
    %dma_start3A_270 = tpu.memref_slice %arg7[%dma_start3A_268, %dma_start3A_269] : memref<20000x128xf32, #tpu.memory_space<hbm>> -> memref<20000x128xf32, #tpu.memory_space<hbm>>
    tpu.enqueue_indirect_dma source(%dma_start3A_270 : memref<20000x128xf32, #tpu.memory_space<hbm>>) target(%arg26 : memref<128x128xf32, #tpu.memory_space<vmem>>) offsets(%dma_start3A_267 : memref<128xi32, #tpu.memory_space<vmem>>) semaphore(%arg35 : memref<!tpu.dma_semaphore, #tpu.memory_space<semaphore_mem>>)
    %dma_wait3A_271 = arith.constant 7 : i32
    %dma_wait3A_272 = arith.constant 0 : i32
    %dma_wait3A_273 = tpu.memref_slice %arg21[%dma_wait3A_271, %dma_wait3A_272] : memref<20x128xi32, #tpu.memory_space<vmem>> -> memref<1x128xi32, #tpu.memory_space<vmem>>
    %dma_wait3A_274 = tpu.memref_squeeze %dma_wait3A_273 : memref<1x128xi32, #tpu.memory_space<vmem>> -> memref<128xi32, #tpu.memory_space<vmem>>
    %dma_wait3A_275 = arith.constant 0 : i32
    %dma_wait3A_276 = arith.constant 0 : i32
    %dma_wait3A_277 = tpu.memref_slice %arg7[%dma_wait3A_275, %dma_wait3A_276] : memref<20000x128xf32, #tpu.memory_space<hbm>> -> memref<20000x128xf32, #tpu.memory_space<hbm>>
    tpu.wait_indirect_dma semaphore(%arg36 : memref<!tpu.dma_semaphore, #tpu.memory_space<semaphore_mem>>) src(%dma_wait3A_277 : memref<20000x128xf32, #tpu.memory_space<hbm>>) dst(%arg27 : memref<128x128xf32, #tpu.memory_space<vmem>>)
    %mul3A_278 = arith.constant 20 : i32
    %mul3A_279 = arith.muli %add3A, %mul3A_278 : i32
    %mul3A_280 = arith.constant 128 : i32
    %mul3A_281 = arith.muli %mul3A_279, %mul3A_280 : i32
    %add3A_282 = arith.constant 896 : i32
    %add3A_283 = arith.addi %mul3A_281, %add3A_282 : i32
    %dma_start3A_284 = arith.constant 0 : i32
    %dma_start3A_285 = tpu.memref_slice %arg14[%add3A_283, %dma_start3A_284] : memref<81920x128xf32, #tpu.memory_space<hbm>> -> memref<128x128xf32, #tpu.memory_space<hbm>>
    %dma_start3A_286 = arith.constant 0 : i32
    %dma_start3A_287 = tpu.memref_slice %arg14[%add3A_283, %dma_start3A_286] : memref<81920x128xf32, #tpu.memory_space<hbm>> -> memref<128x128xf32, #tpu.memory_space<hbm>>
    tpu.enqueue_dma source(%arg27 : memref<128x128xf32, #tpu.memory_space<vmem>>) target(%dma_start3A_287 : memref<128x128xf32, #tpu.memory_space<hbm>>) target_semaphore(%arg40 : memref<!tpu.dma_semaphore, #tpu.memory_space<semaphore_mem>>)
    %dma_wait3A_288 = arith.constant 0 : i32
    %dma_wait3A_289 = tpu.memref_slice %arg14[%add3A_283, %dma_wait3A_288] : memref<81920x128xf32, #tpu.memory_space<hbm>> -> memref<128x128xf32, #tpu.memory_space<hbm>>
    %dma_wait3A_290 = arith.constant 0 : i32
    %dma_wait3A_291 = tpu.memref_slice %arg14[%add3A_283, %dma_wait3A_290] : memref<81920x128xf32, #tpu.memory_space<hbm>> -> memref<128x128xf32, #tpu.memory_space<hbm>>
    tpu.wait_dma2 semaphore(%arg40 : memref<!tpu.dma_semaphore, #tpu.memory_space<semaphore_mem>>) src(%arg27 : memref<128x128xf32, #tpu.memory_space<vmem>>) dst(%dma_wait3A_291 : memref<128x128xf32, #tpu.memory_space<hbm>>)
    %dma_start3A_292 = arith.constant 11 : i32
    %dma_start3A_293 = arith.constant 0 : i32
    %dma_start3A_294 = tpu.memref_slice %arg21[%dma_start3A_292, %dma_start3A_293] : memref<20x128xi32, #tpu.memory_space<vmem>> -> memref<1x128xi32, #tpu.memory_space<vmem>>
    %dma_start3A_295 = tpu.memref_squeeze %dma_start3A_294 : memref<1x128xi32, #tpu.memory_space<vmem>> -> memref<128xi32, #tpu.memory_space<vmem>>
    %dma_start3A_296 = arith.constant 0 : i32
    %dma_start3A_297 = arith.constant 0 : i32
    %dma_start3A_298 = tpu.memref_slice %arg7[%dma_start3A_296, %dma_start3A_297] : memref<20000x128xf32, #tpu.memory_space<hbm>> -> memref<20000x128xf32, #tpu.memory_space<hbm>>
    tpu.enqueue_indirect_dma source(%dma_start3A_298 : memref<20000x128xf32, #tpu.memory_space<hbm>>) target(%arg27 : memref<128x128xf32, #tpu.memory_space<vmem>>) offsets(%dma_start3A_295 : memref<128xi32, #tpu.memory_space<vmem>>) semaphore(%arg36 : memref<!tpu.dma_semaphore, #tpu.memory_space<semaphore_mem>>)
    %dma_wait3A_299 = arith.constant 8 : i32
    %dma_wait3A_300 = arith.constant 0 : i32
    %dma_wait3A_301 = tpu.memref_slice %arg21[%dma_wait3A_299, %dma_wait3A_300] : memref<20x128xi32, #tpu.memory_space<vmem>> -> memref<1x128xi32, #tpu.memory_space<vmem>>
    %dma_wait3A_302 = tpu.memref_squeeze %dma_wait3A_301 : memref<1x128xi32, #tpu.memory_space<vmem>> -> memref<128xi32, #tpu.memory_space<vmem>>
    %dma_wait3A_303 = arith.constant 0 : i32
    %dma_wait3A_304 = arith.constant 0 : i32
    %dma_wait3A_305 = tpu.memref_slice %arg7[%dma_wait3A_303, %dma_wait3A_304] : memref<20000x128xf32, #tpu.memory_space<hbm>> -> memref<20000x128xf32, #tpu.memory_space<hbm>>
    tpu.wait_indirect_dma semaphore(%arg33 : memref<!tpu.dma_semaphore, #tpu.memory_space<semaphore_mem>>) src(%dma_wait3A_305 : memref<20000x128xf32, #tpu.memory_space<hbm>>) dst(%arg24 : memref<128x128xf32, #tpu.memory_space<vmem>>)
    %mul3A_306 = arith.constant 20 : i32
    %mul3A_307 = arith.muli %add3A, %mul3A_306 : i32
    %mul3A_308 = arith.constant 128 : i32
    %mul3A_309 = arith.muli %mul3A_307, %mul3A_308 : i32
    %add3A_310 = arith.constant 1024 : i32
    %add3A_311 = arith.addi %mul3A_309, %add3A_310 : i32
    %dma_start3A_312 = arith.constant 0 : i32
    %dma_start3A_313 = tpu.memref_slice %arg14[%add3A_311, %dma_start3A_312] : memref<81920x128xf32, #tpu.memory_space<hbm>> -> memref<128x128xf32, #tpu.memory_space<hbm>>
    %dma_start3A_314 = arith.constant 0 : i32
    %dma_start3A_315 = tpu.memref_slice %arg14[%add3A_311, %dma_start3A_314] : memref<81920x128xf32, #tpu.memory_space<hbm>> -> memref<128x128xf32, #tpu.memory_space<hbm>>
    tpu.enqueue_dma source(%arg24 : memref<128x128xf32, #tpu.memory_space<vmem>>) target(%dma_start3A_315 : memref<128x128xf32, #tpu.memory_space<hbm>>) target_semaphore(%arg37 : memref<!tpu.dma_semaphore, #tpu.memory_space<semaphore_mem>>)
    %dma_wait3A_316 = arith.constant 0 : i32
    %dma_wait3A_317 = tpu.memref_slice %arg14[%add3A_311, %dma_wait3A_316] : memref<81920x128xf32, #tpu.memory_space<hbm>> -> memref<128x128xf32, #tpu.memory_space<hbm>>
    %dma_wait3A_318 = arith.constant 0 : i32
    %dma_wait3A_319 = tpu.memref_slice %arg14[%add3A_311, %dma_wait3A_318] : memref<81920x128xf32, #tpu.memory_space<hbm>> -> memref<128x128xf32, #tpu.memory_space<hbm>>
    tpu.wait_dma2 semaphore(%arg37 : memref<!tpu.dma_semaphore, #tpu.memory_space<semaphore_mem>>) src(%arg24 : memref<128x128xf32, #tpu.memory_space<vmem>>) dst(%dma_wait3A_319 : memref<128x128xf32, #tpu.memory_space<hbm>>)
    %dma_start3A_320 = arith.constant 12 : i32
    %dma_start3A_321 = arith.constant 0 : i32
    %dma_start3A_322 = tpu.memref_slice %arg21[%dma_start3A_320, %dma_start3A_321] : memref<20x128xi32, #tpu.memory_space<vmem>> -> memref<1x128xi32, #tpu.memory_space<vmem>>
    %dma_start3A_323 = tpu.memref_squeeze %dma_start3A_322 : memref<1x128xi32, #tpu.memory_space<vmem>> -> memref<128xi32, #tpu.memory_space<vmem>>
    %dma_start3A_324 = arith.constant 0 : i32
    %dma_start3A_325 = arith.constant 0 : i32
    %dma_start3A_326 = tpu.memref_slice %arg7[%dma_start3A_324, %dma_start3A_325] : memref<20000x128xf32, #tpu.memory_space<hbm>> -> memref<20000x128xf32, #tpu.memory_space<hbm>>
    tpu.enqueue_indirect_dma source(%dma_start3A_326 : memref<20000x128xf32, #tpu.memory_space<hbm>>) target(%arg24 : memref<128x128xf32, #tpu.memory_space<vmem>>) offsets(%dma_start3A_323 : memref<128xi32, #tpu.memory_space<vmem>>) semaphore(%arg33 : memref<!tpu.dma_semaphore, #tpu.memory_space<semaphore_mem>>)
    %dma_wait3A_327 = arith.constant 9 : i32
    %dma_wait3A_328 = arith.constant 0 : i32
    %dma_wait3A_329 = tpu.memref_slice %arg21[%dma_wait3A_327, %dma_wait3A_328] : memref<20x128xi32, #tpu.memory_space<vmem>> -> memref<1x128xi32, #tpu.memory_space<vmem>>
    %dma_wait3A_330 = tpu.memref_squeeze %dma_wait3A_329 : memref<1x128xi32, #tpu.memory_space<vmem>> -> memref<128xi32, #tpu.memory_space<vmem>>
    %dma_wait3A_331 = arith.constant 0 : i32
    %dma_wait3A_332 = arith.constant 0 : i32
    %dma_wait3A_333 = tpu.memref_slice %arg7[%dma_wait3A_331, %dma_wait3A_332] : memref<20000x128xf32, #tpu.memory_space<hbm>> -> memref<20000x128xf32, #tpu.memory_space<hbm>>
    tpu.wait_indirect_dma semaphore(%arg34 : memref<!tpu.dma_semaphore, #tpu.memory_space<semaphore_mem>>) src(%dma_wait3A_333 : memref<20000x128xf32, #tpu.memory_space<hbm>>) dst(%arg25 : memref<128x128xf32, #tpu.memory_space<vmem>>)
    %mul3A_334 = arith.constant 20 : i32
    %mul3A_335 = arith.muli %add3A, %mul3A_334 : i32
    %mul3A_336 = arith.constant 128 : i32
    %mul3A_337 = arith.muli %mul3A_335, %mul3A_336 : i32
    %add3A_338 = arith.constant 1152 : i32
    %add3A_339 = arith.addi %mul3A_337, %add3A_338 : i32
    %dma_start3A_340 = arith.constant 0 : i32
    %dma_start3A_341 = tpu.memref_slice %arg14[%add3A_339, %dma_start3A_340] : memref<81920x128xf32, #tpu.memory_space<hbm>> -> memref<128x128xf32, #tpu.memory_space<hbm>>
    %dma_start3A_342 = arith.constant 0 : i32
    %dma_start3A_343 = tpu.memref_slice %arg14[%add3A_339, %dma_start3A_342] : memref<81920x128xf32, #tpu.memory_space<hbm>> -> memref<128x128xf32, #tpu.memory_space<hbm>>
    tpu.enqueue_dma source(%arg25 : memref<128x128xf32, #tpu.memory_space<vmem>>) target(%dma_start3A_343 : memref<128x128xf32, #tpu.memory_space<hbm>>) target_semaphore(%arg38 : memref<!tpu.dma_semaphore, #tpu.memory_space<semaphore_mem>>)
    %dma_wait3A_344 = arith.constant 0 : i32
    %dma_wait3A_345 = tpu.memref_slice %arg14[%add3A_339, %dma_wait3A_344] : memref<81920x128xf32, #tpu.memory_space<hbm>> -> memref<128x128xf32, #tpu.memory_space<hbm>>
    %dma_wait3A_346 = arith.constant 0 : i32
    %dma_wait3A_347 = tpu.memref_slice %arg14[%add3A_339, %dma_wait3A_346] : memref<81920x128xf32, #tpu.memory_space<hbm>> -> memref<128x128xf32, #tpu.memory_space<hbm>>
    tpu.wait_dma2 semaphore(%arg38 : memref<!tpu.dma_semaphore, #tpu.memory_space<semaphore_mem>>) src(%arg25 : memref<128x128xf32, #tpu.memory_space<vmem>>) dst(%dma_wait3A_347 : memref<128x128xf32, #tpu.memory_space<hbm>>)
    %dma_start3A_348 = arith.constant 13 : i32
    %dma_start3A_349 = arith.constant 0 : i32
    %dma_start3A_350 = tpu.memref_slice %arg21[%dma_start3A_348, %dma_start3A_349] : memref<20x128xi32, #tpu.memory_space<vmem>> -> memref<1x128xi32, #tpu.memory_space<vmem>>
    %dma_start3A_351 = tpu.memref_squeeze %dma_start3A_350 : memref<1x128xi32, #tpu.memory_space<vmem>> -> memref<128xi32, #tpu.memory_space<vmem>>
    %dma_start3A_352 = arith.constant 0 : i32
    %dma_start3A_353 = arith.constant 0 : i32
    %dma_start3A_354 = tpu.memref_slice %arg7[%dma_start3A_352, %dma_start3A_353] : memref<20000x128xf32, #tpu.memory_space<hbm>> -> memref<20000x128xf32, #tpu.memory_space<hbm>>
    tpu.enqueue_indirect_dma source(%dma_start3A_354 : memref<20000x128xf32, #tpu.memory_space<hbm>>) target(%arg25 : memref<128x128xf32, #tpu.memory_space<vmem>>) offsets(%dma_start3A_351 : memref<128xi32, #tpu.memory_space<vmem>>) semaphore(%arg34 : memref<!tpu.dma_semaphore, #tpu.memory_space<semaphore_mem>>)
    %dma_wait3A_355 = arith.constant 10 : i32
    %dma_wait3A_356 = arith.constant 0 : i32
    %dma_wait3A_357 = tpu.memref_slice %arg21[%dma_wait3A_355, %dma_wait3A_356] : memref<20x128xi32, #tpu.memory_space<vmem>> -> memref<1x128xi32, #tpu.memory_space<vmem>>
    %dma_wait3A_358 = tpu.memref_squeeze %dma_wait3A_357 : memref<1x128xi32, #tpu.memory_space<vmem>> -> memref<128xi32, #tpu.memory_space<vmem>>
    %dma_wait3A_359 = arith.constant 0 : i32
    %dma_wait3A_360 = arith.constant 0 : i32
    %dma_wait3A_361 = tpu.memref_slice %arg7[%dma_wait3A_359, %dma_wait3A_360] : memref<20000x128xf32, #tpu.memory_space<hbm>> -> memref<20000x128xf32, #tpu.memory_space<hbm>>
    tpu.wait_indirect_dma semaphore(%arg35 : memref<!tpu.dma_semaphore, #tpu.memory_space<semaphore_mem>>) src(%dma_wait3A_361 : memref<20000x128xf32, #tpu.memory_space<hbm>>) dst(%arg26 : memref<128x128xf32, #tpu.memory_space<vmem>>)
    %mul3A_362 = arith.constant 20 : i32
    %mul3A_363 = arith.muli %add3A, %mul3A_362 : i32
    %mul3A_364 = arith.constant 128 : i32
    %mul3A_365 = arith.muli %mul3A_363, %mul3A_364 : i32
    %add3A_366 = arith.constant 1280 : i32
    %add3A_367 = arith.addi %mul3A_365, %add3A_366 : i32
    %dma_start3A_368 = arith.constant 0 : i32
    %dma_start3A_369 = tpu.memref_slice %arg14[%add3A_367, %dma_start3A_368] : memref<81920x128xf32, #tpu.memory_space<hbm>> -> memref<128x128xf32, #tpu.memory_space<hbm>>
    %dma_start3A_370 = arith.constant 0 : i32
    %dma_start3A_371 = tpu.memref_slice %arg14[%add3A_367, %dma_start3A_370] : memref<81920x128xf32, #tpu.memory_space<hbm>> -> memref<128x128xf32, #tpu.memory_space<hbm>>
    tpu.enqueue_dma source(%arg26 : memref<128x128xf32, #tpu.memory_space<vmem>>) target(%dma_start3A_371 : memref<128x128xf32, #tpu.memory_space<hbm>>) target_semaphore(%arg39 : memref<!tpu.dma_semaphore, #tpu.memory_space<semaphore_mem>>)
    %dma_wait3A_372 = arith.constant 0 : i32
    %dma_wait3A_373 = tpu.memref_slice %arg14[%add3A_367, %dma_wait3A_372] : memref<81920x128xf32, #tpu.memory_space<hbm>> -> memref<128x128xf32, #tpu.memory_space<hbm>>
    %dma_wait3A_374 = arith.constant 0 : i32
    %dma_wait3A_375 = tpu.memref_slice %arg14[%add3A_367, %dma_wait3A_374] : memref<81920x128xf32, #tpu.memory_space<hbm>> -> memref<128x128xf32, #tpu.memory_space<hbm>>
    tpu.wait_dma2 semaphore(%arg39 : memref<!tpu.dma_semaphore, #tpu.memory_space<semaphore_mem>>) src(%arg26 : memref<128x128xf32, #tpu.memory_space<vmem>>) dst(%dma_wait3A_375 : memref<128x128xf32, #tpu.memory_space<hbm>>)
    %dma_start3A_376 = arith.constant 14 : i32
    %dma_start3A_377 = arith.constant 0 : i32
    %dma_start3A_378 = tpu.memref_slice %arg21[%dma_start3A_376, %dma_start3A_377] : memref<20x128xi32, #tpu.memory_space<vmem>> -> memref<1x128xi32, #tpu.memory_space<vmem>>
    %dma_start3A_379 = tpu.memref_squeeze %dma_start3A_378 : memref<1x128xi32, #tpu.memory_space<vmem>> -> memref<128xi32, #tpu.memory_space<vmem>>
    %dma_start3A_380 = arith.constant 0 : i32
    %dma_start3A_381 = arith.constant 0 : i32
    %dma_start3A_382 = tpu.memref_slice %arg7[%dma_start3A_380, %dma_start3A_381] : memref<20000x128xf32, #tpu.memory_space<hbm>> -> memref<20000x128xf32, #tpu.memory_space<hbm>>
    tpu.enqueue_indirect_dma source(%dma_start3A_382 : memref<20000x128xf32, #tpu.memory_space<hbm>>) target(%arg26 : memref<128x128xf32, #tpu.memory_space<vmem>>) offsets(%dma_start3A_379 : memref<128xi32, #tpu.memory_space<vmem>>) semaphore(%arg35 : memref<!tpu.dma_semaphore, #tpu.memory_space<semaphore_mem>>)
    %dma_wait3A_383 = arith.constant 11 : i32
    %dma_wait3A_384 = arith.constant 0 : i32
    %dma_wait3A_385 = tpu.memref_slice %arg21[%dma_wait3A_383, %dma_wait3A_384] : memref<20x128xi32, #tpu.memory_space<vmem>> -> memref<1x128xi32, #tpu.memory_space<vmem>>
    %dma_wait3A_386 = tpu.memref_squeeze %dma_wait3A_385 : memref<1x128xi32, #tpu.memory_space<vmem>> -> memref<128xi32, #tpu.memory_space<vmem>>
    %dma_wait3A_387 = arith.constant 0 : i32
    %dma_wait3A_388 = arith.constant 0 : i32
    %dma_wait3A_389 = tpu.memref_slice %arg7[%dma_wait3A_387, %dma_wait3A_388] : memref<20000x128xf32, #tpu.memory_space<hbm>> -> memref<20000x128xf32, #tpu.memory_space<hbm>>
    tpu.wait_indirect_dma semaphore(%arg36 : memref<!tpu.dma_semaphore, #tpu.memory_space<semaphore_mem>>) src(%dma_wait3A_389 : memref<20000x128xf32, #tpu.memory_space<hbm>>) dst(%arg27 : memref<128x128xf32, #tpu.memory_space<vmem>>)
    %mul3A_390 = arith.constant 20 : i32
    %mul3A_391 = arith.muli %add3A, %mul3A_390 : i32
    %mul3A_392 = arith.constant 128 : i32
    %mul3A_393 = arith.muli %mul3A_391, %mul3A_392 : i32
    %add3A_394 = arith.constant 1408 : i32
    %add3A_395 = arith.addi %mul3A_393, %add3A_394 : i32
    %dma_start3A_396 = arith.constant 0 : i32
    %dma_start3A_397 = tpu.memref_slice %arg14[%add3A_395, %dma_start3A_396] : memref<81920x128xf32, #tpu.memory_space<hbm>> -> memref<128x128xf32, #tpu.memory_space<hbm>>
    %dma_start3A_398 = arith.constant 0 : i32
    %dma_start3A_399 = tpu.memref_slice %arg14[%add3A_395, %dma_start3A_398] : memref<81920x128xf32, #tpu.memory_space<hbm>> -> memref<128x128xf32, #tpu.memory_space<hbm>>
    tpu.enqueue_dma source(%arg27 : memref<128x128xf32, #tpu.memory_space<vmem>>) target(%dma_start3A_399 : memref<128x128xf32, #tpu.memory_space<hbm>>) target_semaphore(%arg40 : memref<!tpu.dma_semaphore, #tpu.memory_space<semaphore_mem>>)
    %dma_wait3A_400 = arith.constant 0 : i32
    %dma_wait3A_401 = tpu.memref_slice %arg14[%add3A_395, %dma_wait3A_400] : memref<81920x128xf32, #tpu.memory_space<hbm>> -> memref<128x128xf32, #tpu.memory_space<hbm>>
    %dma_wait3A_402 = arith.constant 0 : i32
    %dma_wait3A_403 = tpu.memref_slice %arg14[%add3A_395, %dma_wait3A_402] : memref<81920x128xf32, #tpu.memory_space<hbm>> -> memref<128x128xf32, #tpu.memory_space<hbm>>
    tpu.wait_dma2 semaphore(%arg40 : memref<!tpu.dma_semaphore, #tpu.memory_space<semaphore_mem>>) src(%arg27 : memref<128x128xf32, #tpu.memory_space<vmem>>) dst(%dma_wait3A_403 : memref<128x128xf32, #tpu.memory_space<hbm>>)
    %dma_start3A_404 = arith.constant 15 : i32
    %dma_start3A_405 = arith.constant 0 : i32
    %dma_start3A_406 = tpu.memref_slice %arg21[%dma_start3A_404, %dma_start3A_405] : memref<20x128xi32, #tpu.memory_space<vmem>> -> memref<1x128xi32, #tpu.memory_space<vmem>>
    %dma_start3A_407 = tpu.memref_squeeze %dma_start3A_406 : memref<1x128xi32, #tpu.memory_space<vmem>> -> memref<128xi32, #tpu.memory_space<vmem>>
    %dma_start3A_408 = arith.constant 0 : i32
    %dma_start3A_409 = arith.constant 0 : i32
    %dma_start3A_410 = tpu.memref_slice %arg7[%dma_start3A_408, %dma_start3A_409] : memref<20000x128xf32, #tpu.memory_space<hbm>> -> memref<20000x128xf32, #tpu.memory_space<hbm>>
    tpu.enqueue_indirect_dma source(%dma_start3A_410 : memref<20000x128xf32, #tpu.memory_space<hbm>>) target(%arg27 : memref<128x128xf32, #tpu.memory_space<vmem>>) offsets(%dma_start3A_407 : memref<128xi32, #tpu.memory_space<vmem>>) semaphore(%arg36 : memref<!tpu.dma_semaphore, #tpu.memory_space<semaphore_mem>>)
    %dma_wait3A_411 = arith.constant 12 : i32
    %dma_wait3A_412 = arith.constant 0 : i32
    %dma_wait3A_413 = tpu.memref_slice %arg21[%dma_wait3A_411, %dma_wait3A_412] : memref<20x128xi32, #tpu.memory_space<vmem>> -> memref<1x128xi32, #tpu.memory_space<vmem>>
    %dma_wait3A_414 = tpu.memref_squeeze %dma_wait3A_413 : memref<1x128xi32, #tpu.memory_space<vmem>> -> memref<128xi32, #tpu.memory_space<vmem>>
    %dma_wait3A_415 = arith.constant 0 : i32
    %dma_wait3A_416 = arith.constant 0 : i32
    %dma_wait3A_417 = tpu.memref_slice %arg7[%dma_wait3A_415, %dma_wait3A_416] : memref<20000x128xf32, #tpu.memory_space<hbm>> -> memref<20000x128xf32, #tpu.memory_space<hbm>>
    tpu.wait_indirect_dma semaphore(%arg33 : memref<!tpu.dma_semaphore, #tpu.memory_space<semaphore_mem>>) src(%dma_wait3A_417 : memref<20000x128xf32, #tpu.memory_space<hbm>>) dst(%arg24 : memref<128x128xf32, #tpu.memory_space<vmem>>)
    %mul3A_418 = arith.constant 20 : i32
    %mul3A_419 = arith.muli %add3A, %mul3A_418 : i32
    %mul3A_420 = arith.constant 128 : i32
    %mul3A_421 = arith.muli %mul3A_419, %mul3A_420 : i32
    %add3A_422 = arith.constant 1536 : i32
    %add3A_423 = arith.addi %mul3A_421, %add3A_422 : i32
    %dma_start3A_424 = arith.constant 0 : i32
    %dma_start3A_425 = tpu.memref_slice %arg14[%add3A_423, %dma_start3A_424] : memref<81920x128xf32, #tpu.memory_space<hbm>> -> memref<128x128xf32, #tpu.memory_space<hbm>>
    %dma_start3A_426 = arith.constant 0 : i32
    %dma_start3A_427 = tpu.memref_slice %arg14[%add3A_423, %dma_start3A_426] : memref<81920x128xf32, #tpu.memory_space<hbm>> -> memref<128x128xf32, #tpu.memory_space<hbm>>
    tpu.enqueue_dma source(%arg24 : memref<128x128xf32, #tpu.memory_space<vmem>>) target(%dma_start3A_427 : memref<128x128xf32, #tpu.memory_space<hbm>>) target_semaphore(%arg37 : memref<!tpu.dma_semaphore, #tpu.memory_space<semaphore_mem>>)
    %dma_wait3A_428 = arith.constant 0 : i32
    %dma_wait3A_429 = tpu.memref_slice %arg14[%add3A_423, %dma_wait3A_428] : memref<81920x128xf32, #tpu.memory_space<hbm>> -> memref<128x128xf32, #tpu.memory_space<hbm>>
    %dma_wait3A_430 = arith.constant 0 : i32
    %dma_wait3A_431 = tpu.memref_slice %arg14[%add3A_423, %dma_wait3A_430] : memref<81920x128xf32, #tpu.memory_space<hbm>> -> memref<128x128xf32, #tpu.memory_space<hbm>>
    tpu.wait_dma2 semaphore(%arg37 : memref<!tpu.dma_semaphore, #tpu.memory_space<semaphore_mem>>) src(%arg24 : memref<128x128xf32, #tpu.memory_space<vmem>>) dst(%dma_wait3A_431 : memref<128x128xf32, #tpu.memory_space<hbm>>)
    %dma_start3A_432 = arith.constant 16 : i32
    %dma_start3A_433 = arith.constant 0 : i32
    %dma_start3A_434 = tpu.memref_slice %arg21[%dma_start3A_432, %dma_start3A_433] : memref<20x128xi32, #tpu.memory_space<vmem>> -> memref<1x128xi32, #tpu.memory_space<vmem>>
    %dma_start3A_435 = tpu.memref_squeeze %dma_start3A_434 : memref<1x128xi32, #tpu.memory_space<vmem>> -> memref<128xi32, #tpu.memory_space<vmem>>
    %dma_start3A_436 = arith.constant 0 : i32
    %dma_start3A_437 = arith.constant 0 : i32
    %dma_start3A_438 = tpu.memref_slice %arg7[%dma_start3A_436, %dma_start3A_437] : memref<20000x128xf32, #tpu.memory_space<hbm>> -> memref<20000x128xf32, #tpu.memory_space<hbm>>
    tpu.enqueue_indirect_dma source(%dma_start3A_438 : memref<20000x128xf32, #tpu.memory_space<hbm>>) target(%arg24 : memref<128x128xf32, #tpu.memory_space<vmem>>) offsets(%dma_start3A_435 : memref<128xi32, #tpu.memory_space<vmem>>) semaphore(%arg33 : memref<!tpu.dma_semaphore, #tpu.memory_space<semaphore_mem>>)
    %dma_wait3A_439 = arith.constant 13 : i32
    %dma_wait3A_440 = arith.constant 0 : i32
    %dma_wait3A_441 = tpu.memref_slice %arg21[%dma_wait3A_439, %dma_wait3A_440] : memref<20x128xi32, #tpu.memory_space<vmem>> -> memref<1x128xi32, #tpu.memory_space<vmem>>
    %dma_wait3A_442 = tpu.memref_squeeze %dma_wait3A_441 : memref<1x128xi32, #tpu.memory_space<vmem>> -> memref<128xi32, #tpu.memory_space<vmem>>
    %dma_wait3A_443 = arith.constant 0 : i32
    %dma_wait3A_444 = arith.constant 0 : i32
    %dma_wait3A_445 = tpu.memref_slice %arg7[%dma_wait3A_443, %dma_wait3A_444] : memref<20000x128xf32, #tpu.memory_space<hbm>> -> memref<20000x128xf32, #tpu.memory_space<hbm>>
    tpu.wait_indirect_dma semaphore(%arg34 : memref<!tpu.dma_semaphore, #tpu.memory_space<semaphore_mem>>) src(%dma_wait3A_445 : memref<20000x128xf32, #tpu.memory_space<hbm>>) dst(%arg25 : memref<128x128xf32, #tpu.memory_space<vmem>>)
    %mul3A_446 = arith.constant 20 : i32
    %mul3A_447 = arith.muli %add3A, %mul3A_446 : i32
    %mul3A_448 = arith.constant 128 : i32
    %mul3A_449 = arith.muli %mul3A_447, %mul3A_448 : i32
    %add3A_450 = arith.constant 1664 : i32
    %add3A_451 = arith.addi %mul3A_449, %add3A_450 : i32
    %dma_start3A_452 = arith.constant 0 : i32
    %dma_start3A_453 = tpu.memref_slice %arg14[%add3A_451, %dma_start3A_452] : memref<81920x128xf32, #tpu.memory_space<hbm>> -> memref<128x128xf32, #tpu.memory_space<hbm>>
    %dma_start3A_454 = arith.constant 0 : i32
    %dma_start3A_455 = tpu.memref_slice %arg14[%add3A_451, %dma_start3A_454] : memref<81920x128xf32, #tpu.memory_space<hbm>> -> memref<128x128xf32, #tpu.memory_space<hbm>>
    tpu.enqueue_dma source(%arg25 : memref<128x128xf32, #tpu.memory_space<vmem>>) target(%dma_start3A_455 : memref<128x128xf32, #tpu.memory_space<hbm>>) target_semaphore(%arg38 : memref<!tpu.dma_semaphore, #tpu.memory_space<semaphore_mem>>)
    %dma_wait3A_456 = arith.constant 0 : i32
    %dma_wait3A_457 = tpu.memref_slice %arg14[%add3A_451, %dma_wait3A_456] : memref<81920x128xf32, #tpu.memory_space<hbm>> -> memref<128x128xf32, #tpu.memory_space<hbm>>
    %dma_wait3A_458 = arith.constant 0 : i32
    %dma_wait3A_459 = tpu.memref_slice %arg14[%add3A_451, %dma_wait3A_458] : memref<81920x128xf32, #tpu.memory_space<hbm>> -> memref<128x128xf32, #tpu.memory_space<hbm>>
    tpu.wait_dma2 semaphore(%arg38 : memref<!tpu.dma_semaphore, #tpu.memory_space<semaphore_mem>>) src(%arg25 : memref<128x128xf32, #tpu.memory_space<vmem>>) dst(%dma_wait3A_459 : memref<128x128xf32, #tpu.memory_space<hbm>>)
    %dma_start3A_460 = arith.constant 17 : i32
    %dma_start3A_461 = arith.constant 0 : i32
    %dma_start3A_462 = tpu.memref_slice %arg21[%dma_start3A_460, %dma_start3A_461] : memref<20x128xi32, #tpu.memory_space<vmem>> -> memref<1x128xi32, #tpu.memory_space<vmem>>
    %dma_start3A_463 = tpu.memref_squeeze %dma_start3A_462 : memref<1x128xi32, #tpu.memory_space<vmem>> -> memref<128xi32, #tpu.memory_space<vmem>>
    %dma_start3A_464 = arith.constant 0 : i32
    %dma_start3A_465 = arith.constant 0 : i32
    %dma_start3A_466 = tpu.memref_slice %arg7[%dma_start3A_464, %dma_start3A_465] : memref<20000x128xf32, #tpu.memory_space<hbm>> -> memref<20000x128xf32, #tpu.memory_space<hbm>>
    tpu.enqueue_indirect_dma source(%dma_start3A_466 : memref<20000x128xf32, #tpu.memory_space<hbm>>) target(%arg25 : memref<128x128xf32, #tpu.memory_space<vmem>>) offsets(%dma_start3A_463 : memref<128xi32, #tpu.memory_space<vmem>>) semaphore(%arg34 : memref<!tpu.dma_semaphore, #tpu.memory_space<semaphore_mem>>)
    %dma_wait3A_467 = arith.constant 14 : i32
    %dma_wait3A_468 = arith.constant 0 : i32
    %dma_wait3A_469 = tpu.memref_slice %arg21[%dma_wait3A_467, %dma_wait3A_468] : memref<20x128xi32, #tpu.memory_space<vmem>> -> memref<1x128xi32, #tpu.memory_space<vmem>>
    %dma_wait3A_470 = tpu.memref_squeeze %dma_wait3A_469 : memref<1x128xi32, #tpu.memory_space<vmem>> -> memref<128xi32, #tpu.memory_space<vmem>>
    %dma_wait3A_471 = arith.constant 0 : i32
    %dma_wait3A_472 = arith.constant 0 : i32
    %dma_wait3A_473 = tpu.memref_slice %arg7[%dma_wait3A_471, %dma_wait3A_472] : memref<20000x128xf32, #tpu.memory_space<hbm>> -> memref<20000x128xf32, #tpu.memory_space<hbm>>
    tpu.wait_indirect_dma semaphore(%arg35 : memref<!tpu.dma_semaphore, #tpu.memory_space<semaphore_mem>>) src(%dma_wait3A_473 : memref<20000x128xf32, #tpu.memory_space<hbm>>) dst(%arg26 : memref<128x128xf32, #tpu.memory_space<vmem>>)
    %mul3A_474 = arith.constant 20 : i32
    %mul3A_475 = arith.muli %add3A, %mul3A_474 : i32
    %mul3A_476 = arith.constant 128 : i32
    %mul3A_477 = arith.muli %mul3A_475, %mul3A_476 : i32
    %add3A_478 = arith.constant 1792 : i32
    %add3A_479 = arith.addi %mul3A_477, %add3A_478 : i32
    %dma_start3A_480 = arith.constant 0 : i32
    %dma_start3A_481 = tpu.memref_slice %arg14[%add3A_479, %dma_start3A_480] : memref<81920x128xf32, #tpu.memory_space<hbm>> -> memref<128x128xf32, #tpu.memory_space<hbm>>
    %dma_start3A_482 = arith.constant 0 : i32
    %dma_start3A_483 = tpu.memref_slice %arg14[%add3A_479, %dma_start3A_482] : memref<81920x128xf32, #tpu.memory_space<hbm>> -> memref<128x128xf32, #tpu.memory_space<hbm>>
    tpu.enqueue_dma source(%arg26 : memref<128x128xf32, #tpu.memory_space<vmem>>) target(%dma_start3A_483 : memref<128x128xf32, #tpu.memory_space<hbm>>) target_semaphore(%arg39 : memref<!tpu.dma_semaphore, #tpu.memory_space<semaphore_mem>>)
    %dma_wait3A_484 = arith.constant 0 : i32
    %dma_wait3A_485 = tpu.memref_slice %arg14[%add3A_479, %dma_wait3A_484] : memref<81920x128xf32, #tpu.memory_space<hbm>> -> memref<128x128xf32, #tpu.memory_space<hbm>>
    %dma_wait3A_486 = arith.constant 0 : i32
    %dma_wait3A_487 = tpu.memref_slice %arg14[%add3A_479, %dma_wait3A_486] : memref<81920x128xf32, #tpu.memory_space<hbm>> -> memref<128x128xf32, #tpu.memory_space<hbm>>
    tpu.wait_dma2 semaphore(%arg39 : memref<!tpu.dma_semaphore, #tpu.memory_space<semaphore_mem>>) src(%arg26 : memref<128x128xf32, #tpu.memory_space<vmem>>) dst(%dma_wait3A_487 : memref<128x128xf32, #tpu.memory_space<hbm>>)
    %dma_start3A_488 = arith.constant 18 : i32
    %dma_start3A_489 = arith.constant 0 : i32
    %dma_start3A_490 = tpu.memref_slice %arg21[%dma_start3A_488, %dma_start3A_489] : memref<20x128xi32, #tpu.memory_space<vmem>> -> memref<1x128xi32, #tpu.memory_space<vmem>>
    %dma_start3A_491 = tpu.memref_squeeze %dma_start3A_490 : memref<1x128xi32, #tpu.memory_space<vmem>> -> memref<128xi32, #tpu.memory_space<vmem>>
    %dma_start3A_492 = arith.constant 0 : i32
    %dma_start3A_493 = arith.constant 0 : i32
    %dma_start3A_494 = tpu.memref_slice %arg7[%dma_start3A_492, %dma_start3A_493] : memref<20000x128xf32, #tpu.memory_space<hbm>> -> memref<20000x128xf32, #tpu.memory_space<hbm>>
    tpu.enqueue_indirect_dma source(%dma_start3A_494 : memref<20000x128xf32, #tpu.memory_space<hbm>>) target(%arg26 : memref<128x128xf32, #tpu.memory_space<vmem>>) offsets(%dma_start3A_491 : memref<128xi32, #tpu.memory_space<vmem>>) semaphore(%arg35 : memref<!tpu.dma_semaphore, #tpu.memory_space<semaphore_mem>>)
    %dma_wait3A_495 = arith.constant 15 : i32
    %dma_wait3A_496 = arith.constant 0 : i32
    %dma_wait3A_497 = tpu.memref_slice %arg21[%dma_wait3A_495, %dma_wait3A_496] : memref<20x128xi32, #tpu.memory_space<vmem>> -> memref<1x128xi32, #tpu.memory_space<vmem>>
    %dma_wait3A_498 = tpu.memref_squeeze %dma_wait3A_497 : memref<1x128xi32, #tpu.memory_space<vmem>> -> memref<128xi32, #tpu.memory_space<vmem>>
    %dma_wait3A_499 = arith.constant 0 : i32
    %dma_wait3A_500 = arith.constant 0 : i32
    %dma_wait3A_501 = tpu.memref_slice %arg7[%dma_wait3A_499, %dma_wait3A_500] : memref<20000x128xf32, #tpu.memory_space<hbm>> -> memref<20000x128xf32, #tpu.memory_space<hbm>>
    tpu.wait_indirect_dma semaphore(%arg36 : memref<!tpu.dma_semaphore, #tpu.memory_space<semaphore_mem>>) src(%dma_wait3A_501 : memref<20000x128xf32, #tpu.memory_space<hbm>>) dst(%arg27 : memref<128x128xf32, #tpu.memory_space<vmem>>)
    %mul3A_502 = arith.constant 20 : i32
    %mul3A_503 = arith.muli %add3A, %mul3A_502 : i32
    %mul3A_504 = arith.constant 128 : i32
    %mul3A_505 = arith.muli %mul3A_503, %mul3A_504 : i32
    %add3A_506 = arith.constant 1920 : i32
    %add3A_507 = arith.addi %mul3A_505, %add3A_506 : i32
    %dma_start3A_508 = arith.constant 0 : i32
    %dma_start3A_509 = tpu.memref_slice %arg14[%add3A_507, %dma_start3A_508] : memref<81920x128xf32, #tpu.memory_space<hbm>> -> memref<128x128xf32, #tpu.memory_space<hbm>>
    %dma_start3A_510 = arith.constant 0 : i32
    %dma_start3A_511 = tpu.memref_slice %arg14[%add3A_507, %dma_start3A_510] : memref<81920x128xf32, #tpu.memory_space<hbm>> -> memref<128x128xf32, #tpu.memory_space<hbm>>
    tpu.enqueue_dma source(%arg27 : memref<128x128xf32, #tpu.memory_space<vmem>>) target(%dma_start3A_511 : memref<128x128xf32, #tpu.memory_space<hbm>>) target_semaphore(%arg40 : memref<!tpu.dma_semaphore, #tpu.memory_space<semaphore_mem>>)
    %dma_wait3A_512 = arith.constant 0 : i32
    %dma_wait3A_513 = tpu.memref_slice %arg14[%add3A_507, %dma_wait3A_512] : memref<81920x128xf32, #tpu.memory_space<hbm>> -> memref<128x128xf32, #tpu.memory_space<hbm>>
    %dma_wait3A_514 = arith.constant 0 : i32
    %dma_wait3A_515 = tpu.memref_slice %arg14[%add3A_507, %dma_wait3A_514] : memref<81920x128xf32, #tpu.memory_space<hbm>> -> memref<128x128xf32, #tpu.memory_space<hbm>>
    tpu.wait_dma2 semaphore(%arg40 : memref<!tpu.dma_semaphore, #tpu.memory_space<semaphore_mem>>) src(%arg27 : memref<128x128xf32, #tpu.memory_space<vmem>>) dst(%dma_wait3A_515 : memref<128x128xf32, #tpu.memory_space<hbm>>)
    %dma_start3A_516 = arith.constant 19 : i32
    %dma_start3A_517 = arith.constant 0 : i32
    %dma_start3A_518 = tpu.memref_slice %arg21[%dma_start3A_516, %dma_start3A_517] : memref<20x128xi32, #tpu.memory_space<vmem>> -> memref<1x128xi32, #tpu.memory_space<vmem>>
    %dma_start3A_519 = tpu.memref_squeeze %dma_start3A_518 : memref<1x128xi32, #tpu.memory_space<vmem>> -> memref<128xi32, #tpu.memory_space<vmem>>
    %dma_start3A_520 = arith.constant 0 : i32
    %dma_start3A_521 = arith.constant 0 : i32
    %dma_start3A_522 = tpu.memref_slice %arg7[%dma_start3A_520, %dma_start3A_521] : memref<20000x128xf32, #tpu.memory_space<hbm>> -> memref<20000x128xf32, #tpu.memory_space<hbm>>
    tpu.enqueue_indirect_dma source(%dma_start3A_522 : memref<20000x128xf32, #tpu.memory_space<hbm>>) target(%arg27 : memref<128x128xf32, #tpu.memory_space<vmem>>) offsets(%dma_start3A_519 : memref<128xi32, #tpu.memory_space<vmem>>) semaphore(%arg36 : memref<!tpu.dma_semaphore, #tpu.memory_space<semaphore_mem>>)
    %dma_wait3A_523 = arith.constant 16 : i32
    %dma_wait3A_524 = arith.constant 0 : i32
    %dma_wait3A_525 = tpu.memref_slice %arg21[%dma_wait3A_523, %dma_wait3A_524] : memref<20x128xi32, #tpu.memory_space<vmem>> -> memref<1x128xi32, #tpu.memory_space<vmem>>
    %dma_wait3A_526 = tpu.memref_squeeze %dma_wait3A_525 : memref<1x128xi32, #tpu.memory_space<vmem>> -> memref<128xi32, #tpu.memory_space<vmem>>
    %dma_wait3A_527 = arith.constant 0 : i32
    %dma_wait3A_528 = arith.constant 0 : i32
    %dma_wait3A_529 = tpu.memref_slice %arg7[%dma_wait3A_527, %dma_wait3A_528] : memref<20000x128xf32, #tpu.memory_space<hbm>> -> memref<20000x128xf32, #tpu.memory_space<hbm>>
    tpu.wait_indirect_dma semaphore(%arg33 : memref<!tpu.dma_semaphore, #tpu.memory_space<semaphore_mem>>) src(%dma_wait3A_529 : memref<20000x128xf32, #tpu.memory_space<hbm>>) dst(%arg24 : memref<128x128xf32, #tpu.memory_space<vmem>>)
    %mul3A_530 = arith.constant 20 : i32
    %mul3A_531 = arith.muli %add3A, %mul3A_530 : i32
    %mul3A_532 = arith.constant 128 : i32
    %mul3A_533 = arith.muli %mul3A_531, %mul3A_532 : i32
    %add3A_534 = arith.constant 2048 : i32
    %add3A_535 = arith.addi %mul3A_533, %add3A_534 : i32
    %dma_start3A_536 = arith.constant 0 : i32
    %dma_start3A_537 = tpu.memref_slice %arg14[%add3A_535, %dma_start3A_536] : memref<81920x128xf32, #tpu.memory_space<hbm>> -> memref<128x128xf32, #tpu.memory_space<hbm>>
    %dma_start3A_538 = arith.constant 0 : i32
    %dma_start3A_539 = tpu.memref_slice %arg14[%add3A_535, %dma_start3A_538] : memref<81920x128xf32, #tpu.memory_space<hbm>> -> memref<128x128xf32, #tpu.memory_space<hbm>>
    tpu.enqueue_dma source(%arg24 : memref<128x128xf32, #tpu.memory_space<vmem>>) target(%dma_start3A_539 : memref<128x128xf32, #tpu.memory_space<hbm>>) target_semaphore(%arg37 : memref<!tpu.dma_semaphore, #tpu.memory_space<semaphore_mem>>)
    %dma_wait3A_540 = arith.constant 17 : i32
    %dma_wait3A_541 = arith.constant 0 : i32
    %dma_wait3A_542 = tpu.memref_slice %arg21[%dma_wait3A_540, %dma_wait3A_541] : memref<20x128xi32, #tpu.memory_space<vmem>> -> memref<1x128xi32, #tpu.memory_space<vmem>>
    %dma_wait3A_543 = tpu.memref_squeeze %dma_wait3A_542 : memref<1x128xi32, #tpu.memory_space<vmem>> -> memref<128xi32, #tpu.memory_space<vmem>>
    %dma_wait3A_544 = arith.constant 0 : i32
    %dma_wait3A_545 = arith.constant 0 : i32
    %dma_wait3A_546 = tpu.memref_slice %arg7[%dma_wait3A_544, %dma_wait3A_545] : memref<20000x128xf32, #tpu.memory_space<hbm>> -> memref<20000x128xf32, #tpu.memory_space<hbm>>
    tpu.wait_indirect_dma semaphore(%arg34 : memref<!tpu.dma_semaphore, #tpu.memory_space<semaphore_mem>>) src(%dma_wait3A_546 : memref<20000x128xf32, #tpu.memory_space<hbm>>) dst(%arg25 : memref<128x128xf32, #tpu.memory_space<vmem>>)
    %mul3A_547 = arith.constant 20 : i32
    %mul3A_548 = arith.muli %add3A, %mul3A_547 : i32
    %mul3A_549 = arith.constant 128 : i32
    %mul3A_550 = arith.muli %mul3A_548, %mul3A_549 : i32
    %add3A_551 = arith.constant 2176 : i32
    %add3A_552 = arith.addi %mul3A_550, %add3A_551 : i32
    %dma_start3A_553 = arith.constant 0 : i32
    %dma_start3A_554 = tpu.memref_slice %arg14[%add3A_552, %dma_start3A_553] : memref<81920x128xf32, #tpu.memory_space<hbm>> -> memref<128x128xf32, #tpu.memory_space<hbm>>
    %dma_start3A_555 = arith.constant 0 : i32
    %dma_start3A_556 = tpu.memref_slice %arg14[%add3A_552, %dma_start3A_555] : memref<81920x128xf32, #tpu.memory_space<hbm>> -> memref<128x128xf32, #tpu.memory_space<hbm>>
    tpu.enqueue_dma source(%arg25 : memref<128x128xf32, #tpu.memory_space<vmem>>) target(%dma_start3A_556 : memref<128x128xf32, #tpu.memory_space<hbm>>) target_semaphore(%arg38 : memref<!tpu.dma_semaphore, #tpu.memory_space<semaphore_mem>>)
    %dma_wait3A_557 = arith.constant 18 : i32
    %dma_wait3A_558 = arith.constant 0 : i32
    %dma_wait3A_559 = tpu.memref_slice %arg21[%dma_wait3A_557, %dma_wait3A_558] : memref<20x128xi32, #tpu.memory_space<vmem>> -> memref<1x128xi32, #tpu.memory_space<vmem>>
    %dma_wait3A_560 = tpu.memref_squeeze %dma_wait3A_559 : memref<1x128xi32, #tpu.memory_space<vmem>> -> memref<128xi32, #tpu.memory_space<vmem>>
    %dma_wait3A_561 = arith.constant 0 : i32
    %dma_wait3A_562 = arith.constant 0 : i32
    %dma_wait3A_563 = tpu.memref_slice %arg7[%dma_wait3A_561, %dma_wait3A_562] : memref<20000x128xf32, #tpu.memory_space<hbm>> -> memref<20000x128xf32, #tpu.memory_space<hbm>>
    tpu.wait_indirect_dma semaphore(%arg35 : memref<!tpu.dma_semaphore, #tpu.memory_space<semaphore_mem>>) src(%dma_wait3A_563 : memref<20000x128xf32, #tpu.memory_space<hbm>>) dst(%arg26 : memref<128x128xf32, #tpu.memory_space<vmem>>)
    %mul3A_564 = arith.constant 20 : i32
    %mul3A_565 = arith.muli %add3A, %mul3A_564 : i32
    %mul3A_566 = arith.constant 128 : i32
    %mul3A_567 = arith.muli %mul3A_565, %mul3A_566 : i32
    %add3A_568 = arith.constant 2304 : i32
    %add3A_569 = arith.addi %mul3A_567, %add3A_568 : i32
    %dma_start3A_570 = arith.constant 0 : i32
    %dma_start3A_571 = tpu.memref_slice %arg14[%add3A_569, %dma_start3A_570] : memref<81920x128xf32, #tpu.memory_space<hbm>> -> memref<128x128xf32, #tpu.memory_space<hbm>>
    %dma_start3A_572 = arith.constant 0 : i32
    %dma_start3A_573 = tpu.memref_slice %arg14[%add3A_569, %dma_start3A_572] : memref<81920x128xf32, #tpu.memory_space<hbm>> -> memref<128x128xf32, #tpu.memory_space<hbm>>
    tpu.enqueue_dma source(%arg26 : memref<128x128xf32, #tpu.memory_space<vmem>>) target(%dma_start3A_573 : memref<128x128xf32, #tpu.memory_space<hbm>>) target_semaphore(%arg39 : memref<!tpu.dma_semaphore, #tpu.memory_space<semaphore_mem>>)
    %dma_wait3A_574 = arith.constant 19 : i32
    %dma_wait3A_575 = arith.constant 0 : i32
    %dma_wait3A_576 = tpu.memref_slice %arg21[%dma_wait3A_574, %dma_wait3A_575] : memref<20x128xi32, #tpu.memory_space<vmem>> -> memref<1x128xi32, #tpu.memory_space<vmem>>
    %dma_wait3A_577 = tpu.memref_squeeze %dma_wait3A_576 : memref<1x128xi32, #tpu.memory_space<vmem>> -> memref<128xi32, #tpu.memory_space<vmem>>
    %dma_wait3A_578 = arith.constant 0 : i32
    %dma_wait3A_579 = arith.constant 0 : i32
    %dma_wait3A_580 = tpu.memref_slice %arg7[%dma_wait3A_578, %dma_wait3A_579] : memref<20000x128xf32, #tpu.memory_space<hbm>> -> memref<20000x128xf32, #tpu.memory_space<hbm>>
    tpu.wait_indirect_dma semaphore(%arg36 : memref<!tpu.dma_semaphore, #tpu.memory_space<semaphore_mem>>) src(%dma_wait3A_580 : memref<20000x128xf32, #tpu.memory_space<hbm>>) dst(%arg27 : memref<128x128xf32, #tpu.memory_space<vmem>>)
    %mul3A_581 = arith.constant 20 : i32
    %mul3A_582 = arith.muli %add3A, %mul3A_581 : i32
    %mul3A_583 = arith.constant 128 : i32
    %mul3A_584 = arith.muli %mul3A_582, %mul3A_583 : i32
    %add3A_585 = arith.constant 2432 : i32
    %add3A_586 = arith.addi %mul3A_584, %add3A_585 : i32
    %dma_start3A_587 = arith.constant 0 : i32
    %dma_start3A_588 = tpu.memref_slice %arg14[%add3A_586, %dma_start3A_587] : memref<81920x128xf32, #tpu.memory_space<hbm>> -> memref<128x128xf32, #tpu.memory_space<hbm>>
    %dma_start3A_589 = arith.constant 0 : i32
    %dma_start3A_590 = tpu.memref_slice %arg14[%add3A_586, %dma_start3A_589] : memref<81920x128xf32, #tpu.memory_space<hbm>> -> memref<128x128xf32, #tpu.memory_space<hbm>>
    tpu.enqueue_dma source(%arg27 : memref<128x128xf32, #tpu.memory_space<vmem>>) target(%dma_start3A_590 : memref<128x128xf32, #tpu.memory_space<hbm>>) target_semaphore(%arg40 : memref<!tpu.dma_semaphore, #tpu.memory_space<semaphore_mem>>)
    %dma_wait3A_591 = arith.constant 0 : i32
    %dma_wait3A_592 = arith.constant 0 : i32
    %dma_wait3A_593 = tpu.memref_slice %arg6[%dma_wait3A_591, %dma_wait3A_592] : memref<100000x128xf32, #tpu.memory_space<hbm>> -> memref<100000x128xf32, #tpu.memory_space<hbm>>
    tpu.wait_indirect_dma semaphore(%arg43 : memref<!tpu.dma_semaphore, #tpu.memory_space<semaphore_mem>>) src(%dma_wait3A_593 : memref<100000x128xf32, #tpu.memory_space<hbm>>) dst(%arg22 : memref<128x128xf32, #tpu.memory_space<vmem>>)
    %dma_start3A_594 = arith.constant 0 : i32
    %dma_start3A_595 = tpu.memref_slice %arg15[%mul3A_2, %dma_start3A_594] : memref<4096x128xf32, #tpu.memory_space<hbm>> -> memref<128x128xf32, #tpu.memory_space<hbm>>
    %dma_start3A_596 = arith.constant 0 : i32
    %dma_start3A_597 = tpu.memref_slice %arg15[%mul3A_2, %dma_start3A_596] : memref<4096x128xf32, #tpu.memory_space<hbm>> -> memref<128x128xf32, #tpu.memory_space<hbm>>
    tpu.enqueue_dma source(%arg22 : memref<128x128xf32, #tpu.memory_space<vmem>>) target(%dma_start3A_597 : memref<128x128xf32, #tpu.memory_space<hbm>>) target_semaphore(%arg43 : memref<!tpu.dma_semaphore, #tpu.memory_space<semaphore_mem>>)
    %dma_wait3A_598 = arith.constant 0 : i32
    %dma_wait3A_599 = arith.constant 0 : i32
    %dma_wait3A_600 = tpu.memref_slice %arg8[%dma_wait3A_598, %dma_wait3A_599] : memref<100000x128xf32, #tpu.memory_space<hbm>> -> memref<100000x128xf32, #tpu.memory_space<hbm>>
    tpu.wait_indirect_dma semaphore(%arg44 : memref<!tpu.dma_semaphore, #tpu.memory_space<semaphore_mem>>) src(%dma_wait3A_600 : memref<100000x128xf32, #tpu.memory_space<hbm>>) dst(%arg23 : memref<128x128xf32, #tpu.memory_space<vmem>>)
    %dma_start3A_601 = arith.constant 0 : i32
    %dma_start3A_602 = tpu.memref_slice %arg16[%mul3A_2, %dma_start3A_601] : memref<4096x128xf32, #tpu.memory_space<hbm>> -> memref<128x128xf32, #tpu.memory_space<hbm>>
    %dma_start3A_603 = arith.constant 0 : i32
    %dma_start3A_604 = tpu.memref_slice %arg16[%mul3A_2, %dma_start3A_603] : memref<4096x128xf32, #tpu.memory_space<hbm>> -> memref<128x128xf32, #tpu.memory_space<hbm>>
    tpu.enqueue_dma source(%arg23 : memref<128x128xf32, #tpu.memory_space<vmem>>) target(%dma_start3A_604 : memref<128x128xf32, #tpu.memory_space<hbm>>) target_semaphore(%arg44 : memref<!tpu.dma_semaphore, #tpu.memory_space<semaphore_mem>>)
    %dma_wait3A_605 = arith.constant 0 : i32
    %dma_wait3A_606 = tpu.memref_slice %arg9[%dma_wait3A_605] : memref<500000xf32, #tpu.memory_space<hbm>> -> memref<500000xf32, #tpu.memory_space<hbm>>
    tpu.wait_indirect_dma semaphore(%arg42 : memref<!tpu.dma_semaphore, #tpu.memory_space<semaphore_mem>>) src(%dma_wait3A_606 : memref<500000xf32, #tpu.memory_space<hbm>>) dst(%arg28 : memref<640xf32, #tpu.memory_space<vmem>>)
    %dma_wait3A_607 = arith.constant 0 : i32
    %dma_wait3A_608 = tpu.memref_slice %arg10[%dma_wait3A_607] : memref<500000xf32, #tpu.memory_space<hbm>> -> memref<500000xf32, #tpu.memory_space<hbm>>
    tpu.wait_indirect_dma semaphore(%arg42 : memref<!tpu.dma_semaphore, #tpu.memory_space<semaphore_mem>>) src(%dma_wait3A_608 : memref<500000xf32, #tpu.memory_space<hbm>>) dst(%arg29 : memref<640xf32, #tpu.memory_space<vmem>>)
    %dma_wait3A_609 = arith.constant 0 : i32
    %dma_wait3A_610 = tpu.memref_slice %arg11[%dma_wait3A_609] : memref<500000xf32, #tpu.memory_space<hbm>> -> memref<500000xf32, #tpu.memory_space<hbm>>
    tpu.wait_indirect_dma semaphore(%arg42 : memref<!tpu.dma_semaphore, #tpu.memory_space<semaphore_mem>>) src(%dma_wait3A_610 : memref<500000xf32, #tpu.memory_space<hbm>>) dst(%arg30 : memref<640xf32, #tpu.memory_space<vmem>>)
    %dma_wait3A_611 = arith.constant 0 : i32
    %dma_wait3A_612 = tpu.memref_slice %arg12[%dma_wait3A_611] : memref<500000xf32, #tpu.memory_space<hbm>> -> memref<500000xf32, #tpu.memory_space<hbm>>
    tpu.wait_indirect_dma semaphore(%arg42 : memref<!tpu.dma_semaphore, #tpu.memory_space<semaphore_mem>>) src(%dma_wait3A_612 : memref<500000xf32, #tpu.memory_space<hbm>>) dst(%arg31 : memref<640xf32, #tpu.memory_space<vmem>>)
    %dma_wait3A_613 = arith.constant 0 : i32
    %dma_wait3A_614 = tpu.memref_slice %arg13[%dma_wait3A_613] : memref<500000xf32, #tpu.memory_space<hbm>> -> memref<500000xf32, #tpu.memory_space<hbm>>
    tpu.wait_indirect_dma semaphore(%arg42 : memref<!tpu.dma_semaphore, #tpu.memory_space<semaphore_mem>>) src(%dma_wait3A_614 : memref<500000xf32, #tpu.memory_space<hbm>>) dst(%arg32 : memref<640xf32, #tpu.memory_space<vmem>>)
    %add3A_615 = arith.constant 0 : i32
    %add3A_616 = arith.addi %add3A_615, %mul3A_2 : i32
    %mul3A_617 = arith.constant 5 : i32
    %mul3A_618 = arith.muli %add3A_616, %mul3A_617 : i32
    %dma_start3A_619 = tpu.memref_slice %arg17[%mul3A_618] : memref<102400xf32, #tpu.memory_space<hbm>> -> memref<640xf32, #tpu.memory_space<hbm>>
    %dma_start3A_620 = tpu.memref_slice %arg17[%mul3A_618] : memref<102400xf32, #tpu.memory_space<hbm>> -> memref<640xf32, #tpu.memory_space<hbm>>
    tpu.enqueue_dma source(%arg28 : memref<640xf32, #tpu.memory_space<vmem>>) target(%dma_start3A_620 : memref<640xf32, #tpu.memory_space<hbm>>) target_semaphore(%arg42 : memref<!tpu.dma_semaphore, #tpu.memory_space<semaphore_mem>>)
    %add3A_621 = arith.constant 4096 : i32
    %add3A_622 = arith.addi %add3A_621, %mul3A_2 : i32
    %mul3A_623 = arith.constant 5 : i32
    %mul3A_624 = arith.muli %add3A_622, %mul3A_623 : i32
    %dma_start3A_625 = tpu.memref_slice %arg17[%mul3A_624] : memref<102400xf32, #tpu.memory_space<hbm>> -> memref<640xf32, #tpu.memory_space<hbm>>
    %dma_start3A_626 = tpu.memref_slice %arg17[%mul3A_624] : memref<102400xf32, #tpu.memory_space<hbm>> -> memref<640xf32, #tpu.memory_space<hbm>>
    tpu.enqueue_dma source(%arg29 : memref<640xf32, #tpu.memory_space<vmem>>) target(%dma_start3A_626 : memref<640xf32, #tpu.memory_space<hbm>>) target_semaphore(%arg42 : memref<!tpu.dma_semaphore, #tpu.memory_space<semaphore_mem>>)
    %add3A_627 = arith.constant 8192 : i32
    %add3A_628 = arith.addi %add3A_627, %mul3A_2 : i32
    %mul3A_629 = arith.constant 5 : i32
    %mul3A_630 = arith.muli %add3A_628, %mul3A_629 : i32
    %dma_start3A_631 = tpu.memref_slice %arg17[%mul3A_630] : memref<102400xf32, #tpu.memory_space<hbm>> -> memref<640xf32, #tpu.memory_space<hbm>>
    %dma_start3A_632 = tpu.memref_slice %arg17[%mul3A_630] : memref<102400xf32, #tpu.memory_space<hbm>> -> memref<640xf32, #tpu.memory_space<hbm>>
    tpu.enqueue_dma source(%arg30 : memref<640xf32, #tpu.memory_space<vmem>>) target(%dma_start3A_632 : memref<640xf32, #tpu.memory_space<hbm>>) target_semaphore(%arg42 : memref<!tpu.dma_semaphore, #tpu.memory_space<semaphore_mem>>)
    %add3A_633 = arith.constant 12288 : i32
    %add3A_634 = arith.addi %add3A_633, %mul3A_2 : i32
    %mul3A_635 = arith.constant 5 : i32
    %mul3A_636 = arith.muli %add3A_634, %mul3A_635 : i32
    %dma_start3A_637 = tpu.memref_slice %arg17[%mul3A_636] : memref<102400xf32, #tpu.memory_space<hbm>> -> memref<640xf32, #tpu.memory_space<hbm>>
    %dma_start3A_638 = tpu.memref_slice %arg17[%mul3A_636] : memref<102400xf32, #tpu.memory_space<hbm>> -> memref<640xf32, #tpu.memory_space<hbm>>
    tpu.enqueue_dma source(%arg31 : memref<640xf32, #tpu.memory_space<vmem>>) target(%dma_start3A_638 : memref<640xf32, #tpu.memory_space<hbm>>) target_semaphore(%arg42 : memref<!tpu.dma_semaphore, #tpu.memory_space<semaphore_mem>>)
    %add3A_639 = arith.constant 16384 : i32
    %add3A_640 = arith.addi %add3A_639, %mul3A_2 : i32
    %mul3A_641 = arith.constant 5 : i32
    %mul3A_642 = arith.muli %add3A_640, %mul3A_641 : i32
    %dma_start3A_643 = tpu.memref_slice %arg17[%mul3A_642] : memref<102400xf32, #tpu.memory_space<hbm>> -> memref<640xf32, #tpu.memory_space<hbm>>
    %dma_start3A_644 = tpu.memref_slice %arg17[%mul3A_642] : memref<102400xf32, #tpu.memory_space<hbm>> -> memref<640xf32, #tpu.memory_space<hbm>>
    tpu.enqueue_dma source(%arg32 : memref<640xf32, #tpu.memory_space<vmem>>) target(%dma_start3A_644 : memref<640xf32, #tpu.memory_space<hbm>>) target_semaphore(%arg42 : memref<!tpu.dma_semaphore, #tpu.memory_space<semaphore_mem>>)
    %dma_wait3A_645 = arith.constant 0 : i32
    %dma_wait3A_646 = tpu.memref_slice %arg15[%mul3A_2, %dma_wait3A_645] : memref<4096x128xf32, #tpu.memory_space<hbm>> -> memref<128x128xf32, #tpu.memory_space<hbm>>
    %dma_wait3A_647 = arith.constant 0 : i32
    %dma_wait3A_648 = tpu.memref_slice %arg15[%mul3A_2, %dma_wait3A_647] : memref<4096x128xf32, #tpu.memory_space<hbm>> -> memref<128x128xf32, #tpu.memory_space<hbm>>
    tpu.wait_dma2 semaphore(%arg43 : memref<!tpu.dma_semaphore, #tpu.memory_space<semaphore_mem>>) src(%arg22 : memref<128x128xf32, #tpu.memory_space<vmem>>) dst(%dma_wait3A_648 : memref<128x128xf32, #tpu.memory_space<hbm>>)
    %dma_wait3A_649 = arith.constant 0 : i32
    %dma_wait3A_650 = tpu.memref_slice %arg16[%mul3A_2, %dma_wait3A_649] : memref<4096x128xf32, #tpu.memory_space<hbm>> -> memref<128x128xf32, #tpu.memory_space<hbm>>
    %dma_wait3A_651 = arith.constant 0 : i32
    %dma_wait3A_652 = tpu.memref_slice %arg16[%mul3A_2, %dma_wait3A_651] : memref<4096x128xf32, #tpu.memory_space<hbm>> -> memref<128x128xf32, #tpu.memory_space<hbm>>
    tpu.wait_dma2 semaphore(%arg44 : memref<!tpu.dma_semaphore, #tpu.memory_space<semaphore_mem>>) src(%arg23 : memref<128x128xf32, #tpu.memory_space<vmem>>) dst(%dma_wait3A_652 : memref<128x128xf32, #tpu.memory_space<hbm>>)
    %dma_wait3A_653 = tpu.memref_slice %arg17[%mul3A_618] : memref<102400xf32, #tpu.memory_space<hbm>> -> memref<640xf32, #tpu.memory_space<hbm>>
    %dma_wait3A_654 = tpu.memref_slice %arg17[%mul3A_618] : memref<102400xf32, #tpu.memory_space<hbm>> -> memref<640xf32, #tpu.memory_space<hbm>>
    tpu.wait_dma2 semaphore(%arg42 : memref<!tpu.dma_semaphore, #tpu.memory_space<semaphore_mem>>) src(%arg28 : memref<640xf32, #tpu.memory_space<vmem>>) dst(%dma_wait3A_654 : memref<640xf32, #tpu.memory_space<hbm>>)
    %dma_wait3A_655 = tpu.memref_slice %arg17[%mul3A_624] : memref<102400xf32, #tpu.memory_space<hbm>> -> memref<640xf32, #tpu.memory_space<hbm>>
    %dma_wait3A_656 = tpu.memref_slice %arg17[%mul3A_624] : memref<102400xf32, #tpu.memory_space<hbm>> -> memref<640xf32, #tpu.memory_space<hbm>>
    tpu.wait_dma2 semaphore(%arg42 : memref<!tpu.dma_semaphore, #tpu.memory_space<semaphore_mem>>) src(%arg29 : memref<640xf32, #tpu.memory_space<vmem>>) dst(%dma_wait3A_656 : memref<640xf32, #tpu.memory_space<hbm>>)
    %dma_wait3A_657 = tpu.memref_slice %arg17[%mul3A_630] : memref<102400xf32, #tpu.memory_space<hbm>> -> memref<640xf32, #tpu.memory_space<hbm>>
    %dma_wait3A_658 = tpu.memref_slice %arg17[%mul3A_630] : memref<102400xf32, #tpu.memory_space<hbm>> -> memref<640xf32, #tpu.memory_space<hbm>>
    tpu.wait_dma2 semaphore(%arg42 : memref<!tpu.dma_semaphore, #tpu.memory_space<semaphore_mem>>) src(%arg30 : memref<640xf32, #tpu.memory_space<vmem>>) dst(%dma_wait3A_658 : memref<640xf32, #tpu.memory_space<hbm>>)
    %dma_wait3A_659 = tpu.memref_slice %arg17[%mul3A_636] : memref<102400xf32, #tpu.memory_space<hbm>> -> memref<640xf32, #tpu.memory_space<hbm>>
    %dma_wait3A_660 = tpu.memref_slice %arg17[%mul3A_636] : memref<102400xf32, #tpu.memory_space<hbm>> -> memref<640xf32, #tpu.memory_space<hbm>>
    tpu.wait_dma2 semaphore(%arg42 : memref<!tpu.dma_semaphore, #tpu.memory_space<semaphore_mem>>) src(%arg31 : memref<640xf32, #tpu.memory_space<vmem>>) dst(%dma_wait3A_660 : memref<640xf32, #tpu.memory_space<hbm>>)
    %dma_wait3A_661 = tpu.memref_slice %arg17[%mul3A_642] : memref<102400xf32, #tpu.memory_space<hbm>> -> memref<640xf32, #tpu.memory_space<hbm>>
    %dma_wait3A_662 = tpu.memref_slice %arg17[%mul3A_642] : memref<102400xf32, #tpu.memory_space<hbm>> -> memref<640xf32, #tpu.memory_space<hbm>>
    tpu.wait_dma2 semaphore(%arg42 : memref<!tpu.dma_semaphore, #tpu.memory_space<semaphore_mem>>) src(%arg32 : memref<640xf32, #tpu.memory_space<vmem>>) dst(%dma_wait3A_662 : memref<640xf32, #tpu.memory_space<hbm>>)
    %dma_wait3A_663 = arith.constant 0 : i32
    %dma_wait3A_664 = tpu.memref_slice %arg14[%add3A_535, %dma_wait3A_663] : memref<81920x128xf32, #tpu.memory_space<hbm>> -> memref<128x128xf32, #tpu.memory_space<hbm>>
    %dma_wait3A_665 = arith.constant 0 : i32
    %dma_wait3A_666 = tpu.memref_slice %arg14[%add3A_535, %dma_wait3A_665] : memref<81920x128xf32, #tpu.memory_space<hbm>> -> memref<128x128xf32, #tpu.memory_space<hbm>>
    tpu.wait_dma2 semaphore(%arg37 : memref<!tpu.dma_semaphore, #tpu.memory_space<semaphore_mem>>) src(%arg24 : memref<128x128xf32, #tpu.memory_space<vmem>>) dst(%dma_wait3A_666 : memref<128x128xf32, #tpu.memory_space<hbm>>)
    %dma_wait3A_667 = arith.constant 0 : i32
    %dma_wait3A_668 = tpu.memref_slice %arg14[%add3A_552, %dma_wait3A_667] : memref<81920x128xf32, #tpu.memory_space<hbm>> -> memref<128x128xf32, #tpu.memory_space<hbm>>
    %dma_wait3A_669 = arith.constant 0 : i32
    %dma_wait3A_670 = tpu.memref_slice %arg14[%add3A_552, %dma_wait3A_669] : memref<81920x128xf32, #tpu.memory_space<hbm>> -> memref<128x128xf32, #tpu.memory_space<hbm>>
    tpu.wait_dma2 semaphore(%arg38 : memref<!tpu.dma_semaphore, #tpu.memory_space<semaphore_mem>>) src(%arg25 : memref<128x128xf32, #tpu.memory_space<vmem>>) dst(%dma_wait3A_670 : memref<128x128xf32, #tpu.memory_space<hbm>>)
    %dma_wait3A_671 = arith.constant 0 : i32
    %dma_wait3A_672 = tpu.memref_slice %arg14[%add3A_569, %dma_wait3A_671] : memref<81920x128xf32, #tpu.memory_space<hbm>> -> memref<128x128xf32, #tpu.memory_space<hbm>>
    %dma_wait3A_673 = arith.constant 0 : i32
    %dma_wait3A_674 = tpu.memref_slice %arg14[%add3A_569, %dma_wait3A_673] : memref<81920x128xf32, #tpu.memory_space<hbm>> -> memref<128x128xf32, #tpu.memory_space<hbm>>
    tpu.wait_dma2 semaphore(%arg39 : memref<!tpu.dma_semaphore, #tpu.memory_space<semaphore_mem>>) src(%arg26 : memref<128x128xf32, #tpu.memory_space<vmem>>) dst(%dma_wait3A_674 : memref<128x128xf32, #tpu.memory_space<hbm>>)
    %dma_wait3A_675 = arith.constant 0 : i32
    %dma_wait3A_676 = tpu.memref_slice %arg14[%add3A_586, %dma_wait3A_675] : memref<81920x128xf32, #tpu.memory_space<hbm>> -> memref<128x128xf32, #tpu.memory_space<hbm>>
    %dma_wait3A_677 = arith.constant 0 : i32
    %dma_wait3A_678 = tpu.memref_slice %arg14[%add3A_586, %dma_wait3A_677] : memref<81920x128xf32, #tpu.memory_space<hbm>> -> memref<128x128xf32, #tpu.memory_space<hbm>>
    tpu.wait_dma2 semaphore(%arg40 : memref<!tpu.dma_semaphore, #tpu.memory_space<semaphore_mem>>) src(%arg27 : memref<128x128xf32, #tpu.memory_space<vmem>>) dst(%dma_wait3A_678 : memref<128x128xf32, #tpu.memory_space<hbm>>)
    return
  }
}

module attributes {stable_mosaic.version = 14 : i64} {
  func.func @tc_body(%arg0: i32, %arg1: memref<2560x128xf32, #tpu.memory_space<vmem>>, %arg2: memref<128x128xf32, #tpu.memory_space<vmem>>, %arg3: memref<128x128xf32, #tpu.memory_space<vmem>>, %arg4: memref<5x128x5xf32, #tpu.memory_space<vmem>>, %arg5: memref<128x4xf32, #tpu.memory_space<vmem>>, %arg6: memref<128x4xf32, #tpu.memory_space<vmem>>, %arg7: memref<128xf32, #tpu.memory_space<vmem>>) attributes {dimension_semantics = [#tpu.dimension_semantics<arbitrary>], iteration_bounds = array<i64: 32>, scalar_prefetch = 0 : i64, scratch_operands = 0 : i64, tpu.core_type = #tpu.core_type<tc>, window_params = [{transform_indices = @transform_0, window_bounds = array<i64: 2560, 128>}, {transform_indices = @transform_1, window_bounds = array<i64: 128, 128>}, {transform_indices = @transform_2, window_bounds = array<i64: 128, 128>}, {transform_indices = @transform_3, window_bounds = array<i64: 5, 128, 5>}, {pipeline_mode = #tpu.pipeline_mode<synchronous>, transform_indices = @transform_4, window_bounds = array<i64: 128, 4>}, {pipeline_mode = #tpu.pipeline_mode<synchronous>, transform_indices = @transform_5, window_bounds = array<i64: 128, 4>}, {transform_indices = @transform_6, window_bounds = array<i64: 128>}]} {
    %get3A = arith.constant 0 : index
    %get3A_0 = arith.constant 0 : index
    %get3A_1 = vector.load %arg2[%get3A, %get3A_0] : memref<128x128xf32, #tpu.memory_space<vmem>>, vector<128x128xf32>
    %get3A_2 = arith.constant 0 : index
    %get3A_3 = arith.constant 0 : index
    %get3A_4 = vector.load %arg3[%get3A_2, %get3A_3] : memref<128x128xf32, #tpu.memory_space<vmem>>, vector<128x128xf32>
    %broadcast_in_dim3A = arith.constant 1.000000e+00 : f32
    %broadcast_in_dim3A_5 = vector.broadcast %broadcast_in_dim3A : f32 to vector<128x1xf32>
    %concatenate3A = tpu.concatenate %get3A_4, %get3A_4, %get3A_4, %get3A_4, %get3A_4 in 0 : vector<128x128xf32>, vector<128x128xf32>, vector<128x128xf32>, vector<128x128xf32>, vector<128x128xf32> -> vector<640x128xf32>
    %get3A_6 = arith.constant 0 : index
    %get3A_7 = arith.constant 0 : index
    %get3A_8 = arith.constant 0 : index
    %get3A_9 = vector.load %arg4[%get3A_6, %get3A_7, %get3A_8] : memref<5x128x5xf32, #tpu.memory_space<vmem>>, vector<1x128x5xf32>
    %get3A_10 = vector.shape_cast %get3A_9 : vector<1x128x5xf32> to vector<128x5xf32>
    %slice3A = vector.extract_strided_slice %get3A_10 {offsets = [0, 0], sizes = [128, 1], strides = [1, 1]} : vector<128x5xf32> to vector<128x1xf32>
    %squeeze3A = vector.shape_cast %slice3A : vector<128x1xf32> to vector<128xf32>
    %get3A_11 = arith.constant 0 : index
    %get3A_12 = arith.constant 0 : index
    %get3A_13 = arith.constant 0 : index
    %get3A_14 = vector.load %arg4[%get3A_11, %get3A_12, %get3A_13] : memref<5x128x5xf32, #tpu.memory_space<vmem>>, vector<1x128x5xf32>
    %get3A_15 = vector.shape_cast %get3A_14 : vector<1x128x5xf32> to vector<128x5xf32>
    %slice3A_16 = vector.extract_strided_slice %get3A_15 {offsets = [0, 1], sizes = [128, 1], strides = [1, 1]} : vector<128x5xf32> to vector<128x1xf32>
    %squeeze3A_17 = vector.shape_cast %slice3A_16 : vector<128x1xf32> to vector<128xf32>
    %get3A_18 = arith.constant 0 : index
    %get3A_19 = arith.constant 0 : index
    %get3A_20 = arith.constant 0 : index
    %get3A_21 = vector.load %arg4[%get3A_18, %get3A_19, %get3A_20] : memref<5x128x5xf32, #tpu.memory_space<vmem>>, vector<1x128x5xf32>
    %get3A_22 = vector.shape_cast %get3A_21 : vector<1x128x5xf32> to vector<128x5xf32>
    %slice3A_23 = vector.extract_strided_slice %get3A_22 {offsets = [0, 2], sizes = [128, 1], strides = [1, 1]} : vector<128x5xf32> to vector<128x1xf32>
    %squeeze3A_24 = vector.shape_cast %slice3A_23 : vector<128x1xf32> to vector<128xf32>
    %get3A_25 = arith.constant 0 : index
    %get3A_26 = arith.constant 0 : index
    %get3A_27 = arith.constant 0 : index
    %get3A_28 = vector.load %arg4[%get3A_25, %get3A_26, %get3A_27] : memref<5x128x5xf32, #tpu.memory_space<vmem>>, vector<1x128x5xf32>
    %get3A_29 = vector.shape_cast %get3A_28 : vector<1x128x5xf32> to vector<128x5xf32>
    %slice3A_30 = vector.extract_strided_slice %get3A_29 {offsets = [0, 3], sizes = [128, 1], strides = [1, 1]} : vector<128x5xf32> to vector<128x1xf32>
    %squeeze3A_31 = vector.shape_cast %slice3A_30 : vector<128x1xf32> to vector<128xf32>
    %get3A_32 = arith.constant 0 : index
    %get3A_33 = arith.constant 0 : index
    %get3A_34 = arith.constant 0 : index
    %get3A_35 = vector.load %arg4[%get3A_32, %get3A_33, %get3A_34] : memref<5x128x5xf32, #tpu.memory_space<vmem>>, vector<1x128x5xf32>
    %get3A_36 = vector.shape_cast %get3A_35 : vector<1x128x5xf32> to vector<128x5xf32>
    %slice3A_37 = vector.extract_strided_slice %get3A_36 {offsets = [0, 4], sizes = [128, 1], strides = [1, 1]} : vector<128x5xf32> to vector<128x1xf32>
    %squeeze3A_38 = vector.shape_cast %slice3A_37 : vector<128x1xf32> to vector<128xf32>
    %max3A = arith.maximumf %squeeze3A, %squeeze3A_17 : vector<128xf32>
    %max3A_39 = arith.maximumf %squeeze3A_24, %squeeze3A_31 : vector<128xf32>
    %max3A_40 = arith.maximumf %max3A, %max3A_39 : vector<128xf32>
    %max3A_41 = arith.maximumf %max3A_40, %squeeze3A_38 : vector<128xf32>
    %sub3A = arith.subf %squeeze3A, %max3A_41 : vector<128xf32>
    %exp3A = math.exp %sub3A : vector<128xf32>
    %sub3A_42 = arith.subf %squeeze3A_17, %max3A_41 : vector<128xf32>
    %exp3A_43 = math.exp %sub3A_42 : vector<128xf32>
    %sub3A_44 = arith.subf %squeeze3A_24, %max3A_41 : vector<128xf32>
    %exp3A_45 = math.exp %sub3A_44 : vector<128xf32>
    %sub3A_46 = arith.subf %squeeze3A_31, %max3A_41 : vector<128xf32>
    %exp3A_47 = math.exp %sub3A_46 : vector<128xf32>
    %sub3A_48 = arith.subf %squeeze3A_38, %max3A_41 : vector<128xf32>
    %exp3A_49 = math.exp %sub3A_48 : vector<128xf32>
    %add3A = arith.addf %exp3A, %exp3A_43 : vector<128xf32>
    %add3A_50 = arith.addf %add3A, %exp3A_45 : vector<128xf32>
    %add3A_51 = arith.addf %add3A_50, %exp3A_47 : vector<128xf32>
    %add3A_52 = arith.addf %add3A_51, %exp3A_49 : vector<128xf32>
    %mul3A = arith.mulf %get3A_1, %get3A_4 : vector<128x128xf32>
    %dot_general3A = arith.constant dense<0.000000e+00> : vector<128x1xf32>
    %dot_general3A_53 = tpu.matmul %mul3A, %broadcast_in_dim3A_5, %dot_general3A {dimension_numbers = #tpu.dot_dimension_numbers<[1], [0], [0], [1], [0, 0, 1, 1], [], []>, transpose_lhs_hint = false} : vector<128x128xf32>, vector<128x1xf32>, vector<128x1xf32> -> vector<128x1xf32>
    %squeeze3A_54 = vector.shape_cast %dot_general3A_53 : vector<128x1xf32> to vector<128xf32>
    %mul3A_55 = arith.mulf %exp3A, %squeeze3A_54 : vector<128xf32>
    %get3A_56 = arith.constant 0 : index
    %get3A_57 = arith.constant 0 : index
    %get3A_58 = vector.load %arg5[%get3A_56, %get3A_57] : memref<128x4xf32, #tpu.memory_space<vmem>>, vector<128x1xf32>
    %get3A_59 = arith.constant 0 : index
    %get3A_60 = arith.constant 0 : index
    %get3A_61 = vector.load %arg6[%get3A_59, %get3A_60] : memref<128x4xf32, #tpu.memory_space<vmem>>, vector<128x1xf32>
    %dot_general3A_62 = arith.constant dense<0.000000e+00> : vector<128x1xf32>
    %dot_general3A_63 = tpu.matmul %get3A_1, %get3A_61, %dot_general3A_62 {dimension_numbers = #tpu.dot_dimension_numbers<[1], [0], [0], [1], [0, 0, 1, 1], [], []>, transpose_lhs_hint = false} : vector<128x128xf32>, vector<128x1xf32>, vector<128x1xf32> -> vector<128x1xf32>
    %squeeze3A_64 = vector.shape_cast %dot_general3A_63 : vector<128x1xf32> to vector<128xf32>
    %get3A_65 = arith.constant 0 : index
    %get3A_66 = arith.constant 0 : index
    %get3A_67 = vector.load %arg1[%get3A_65, %get3A_66] : memref<2560x128xf32, #tpu.memory_space<vmem>>, vector<640x128xf32>
    %dot_general3A_68 = arith.constant dense<0.000000e+00> : vector<640x1xf32>
    %dot_general3A_69 = tpu.matmul %get3A_67, %get3A_58, %dot_general3A_68 {dimension_numbers = #tpu.dot_dimension_numbers<[1], [0], [0], [1], [0, 0, 1, 1], [], []>, transpose_lhs_hint = false} : vector<640x128xf32>, vector<128x1xf32>, vector<640x1xf32> -> vector<640x1xf32>
    %mul3A_70 = arith.mulf %get3A_67, %concatenate3A : vector<640x128xf32>
    %dot_general3A_71 = arith.constant dense<0.000000e+00> : vector<640x1xf32>
    %dot_general3A_72 = tpu.matmul %mul3A_70, %broadcast_in_dim3A_5, %dot_general3A_71 {dimension_numbers = #tpu.dot_dimension_numbers<[1], [0], [0], [1], [0, 0, 1, 1], [], []>, transpose_lhs_hint = false} : vector<640x128xf32>, vector<128x1xf32>, vector<640x1xf32> -> vector<640x1xf32>
    %slice3A_73 = vector.extract_strided_slice %dot_general3A_69 {offsets = [0, 0], sizes = [128, 1], strides = [1, 1]} : vector<640x1xf32> to vector<128x1xf32>
    %squeeze3A_74 = vector.shape_cast %slice3A_73 : vector<128x1xf32> to vector<128xf32>
    %add3A_75 = arith.addf %squeeze3A_74, %squeeze3A_64 : vector<128xf32>
    %get3A_76 = arith.constant 1 : index
    %get3A_77 = arith.constant 0 : index
    %get3A_78 = arith.constant 0 : index
    %get3A_79 = vector.load %arg4[%get3A_76, %get3A_77, %get3A_78] : memref<5x128x5xf32, #tpu.memory_space<vmem>>, vector<1x128x5xf32>
    %get3A_80 = vector.shape_cast %get3A_79 : vector<1x128x5xf32> to vector<128x5xf32>
    %slice3A_81 = vector.extract_strided_slice %get3A_80 {offsets = [0, 0], sizes = [128, 1], strides = [1, 1]} : vector<128x5xf32> to vector<128x1xf32>
    %squeeze3A_82 = vector.shape_cast %slice3A_81 : vector<128x1xf32> to vector<128xf32>
    %add3A_83 = arith.addf %add3A_75, %squeeze3A_82 : vector<128xf32>
    %slice3A_84 = vector.extract_strided_slice %dot_general3A_69 {offsets = [128, 0], sizes = [128, 1], strides = [1, 1]} : vector<640x1xf32> to vector<128x1xf32>
    %squeeze3A_85 = vector.shape_cast %slice3A_84 : vector<128x1xf32> to vector<128xf32>
    %add3A_86 = arith.addf %squeeze3A_85, %squeeze3A_64 : vector<128xf32>
    %get3A_87 = arith.constant 1 : index
    %get3A_88 = arith.constant 0 : index
    %get3A_89 = arith.constant 0 : index
    %get3A_90 = vector.load %arg4[%get3A_87, %get3A_88, %get3A_89] : memref<5x128x5xf32, #tpu.memory_space<vmem>>, vector<1x128x5xf32>
    %get3A_91 = vector.shape_cast %get3A_90 : vector<1x128x5xf32> to vector<128x5xf32>
    %slice3A_92 = vector.extract_strided_slice %get3A_91 {offsets = [0, 1], sizes = [128, 1], strides = [1, 1]} : vector<128x5xf32> to vector<128x1xf32>
    %squeeze3A_93 = vector.shape_cast %slice3A_92 : vector<128x1xf32> to vector<128xf32>
    %add3A_94 = arith.addf %add3A_86, %squeeze3A_93 : vector<128xf32>
    %slice3A_95 = vector.extract_strided_slice %dot_general3A_69 {offsets = [256, 0], sizes = [128, 1], strides = [1, 1]} : vector<640x1xf32> to vector<128x1xf32>
    %squeeze3A_96 = vector.shape_cast %slice3A_95 : vector<128x1xf32> to vector<128xf32>
    %add3A_97 = arith.addf %squeeze3A_96, %squeeze3A_64 : vector<128xf32>
    %get3A_98 = arith.constant 1 : index
    %get3A_99 = arith.constant 0 : index
    %get3A_100 = arith.constant 0 : index
    %get3A_101 = vector.load %arg4[%get3A_98, %get3A_99, %get3A_100] : memref<5x128x5xf32, #tpu.memory_space<vmem>>, vector<1x128x5xf32>
    %get3A_102 = vector.shape_cast %get3A_101 : vector<1x128x5xf32> to vector<128x5xf32>
    %slice3A_103 = vector.extract_strided_slice %get3A_102 {offsets = [0, 2], sizes = [128, 1], strides = [1, 1]} : vector<128x5xf32> to vector<128x1xf32>
    %squeeze3A_104 = vector.shape_cast %slice3A_103 : vector<128x1xf32> to vector<128xf32>
    %add3A_105 = arith.addf %add3A_97, %squeeze3A_104 : vector<128xf32>
    %slice3A_106 = vector.extract_strided_slice %dot_general3A_69 {offsets = [384, 0], sizes = [128, 1], strides = [1, 1]} : vector<640x1xf32> to vector<128x1xf32>
    %squeeze3A_107 = vector.shape_cast %slice3A_106 : vector<128x1xf32> to vector<128xf32>
    %add3A_108 = arith.addf %squeeze3A_107, %squeeze3A_64 : vector<128xf32>
    %get3A_109 = arith.constant 1 : index
    %get3A_110 = arith.constant 0 : index
    %get3A_111 = arith.constant 0 : index
    %get3A_112 = vector.load %arg4[%get3A_109, %get3A_110, %get3A_111] : memref<5x128x5xf32, #tpu.memory_space<vmem>>, vector<1x128x5xf32>
    %get3A_113 = vector.shape_cast %get3A_112 : vector<1x128x5xf32> to vector<128x5xf32>
    %slice3A_114 = vector.extract_strided_slice %get3A_113 {offsets = [0, 3], sizes = [128, 1], strides = [1, 1]} : vector<128x5xf32> to vector<128x1xf32>
    %squeeze3A_115 = vector.shape_cast %slice3A_114 : vector<128x1xf32> to vector<128xf32>
    %add3A_116 = arith.addf %add3A_108, %squeeze3A_115 : vector<128xf32>
    %slice3A_117 = vector.extract_strided_slice %dot_general3A_69 {offsets = [512, 0], sizes = [128, 1], strides = [1, 1]} : vector<640x1xf32> to vector<128x1xf32>
    %squeeze3A_118 = vector.shape_cast %slice3A_117 : vector<128x1xf32> to vector<128xf32>
    %add3A_119 = arith.addf %squeeze3A_118, %squeeze3A_64 : vector<128xf32>
    %get3A_120 = arith.constant 1 : index
    %get3A_121 = arith.constant 0 : index
    %get3A_122 = arith.constant 0 : index
    %get3A_123 = vector.load %arg4[%get3A_120, %get3A_121, %get3A_122] : memref<5x128x5xf32, #tpu.memory_space<vmem>>, vector<1x128x5xf32>
    %get3A_124 = vector.shape_cast %get3A_123 : vector<1x128x5xf32> to vector<128x5xf32>
    %slice3A_125 = vector.extract_strided_slice %get3A_124 {offsets = [0, 4], sizes = [128, 1], strides = [1, 1]} : vector<128x5xf32> to vector<128x1xf32>
    %squeeze3A_126 = vector.shape_cast %slice3A_125 : vector<128x1xf32> to vector<128xf32>
    %add3A_127 = arith.addf %add3A_119, %squeeze3A_126 : vector<128xf32>
    %slice3A_128 = vector.extract_strided_slice %dot_general3A_72 {offsets = [0, 0], sizes = [128, 1], strides = [1, 1]} : vector<640x1xf32> to vector<128x1xf32>
    %squeeze3A_129 = vector.shape_cast %slice3A_128 : vector<128x1xf32> to vector<128xf32>
    %slice3A_130 = vector.extract_strided_slice %dot_general3A_72 {offsets = [128, 0], sizes = [128, 1], strides = [1, 1]} : vector<640x1xf32> to vector<128x1xf32>
    %squeeze3A_131 = vector.shape_cast %slice3A_130 : vector<128x1xf32> to vector<128xf32>
    %slice3A_132 = vector.extract_strided_slice %dot_general3A_72 {offsets = [256, 0], sizes = [128, 1], strides = [1, 1]} : vector<640x1xf32> to vector<128x1xf32>
    %squeeze3A_133 = vector.shape_cast %slice3A_132 : vector<128x1xf32> to vector<128xf32>
    %slice3A_134 = vector.extract_strided_slice %dot_general3A_72 {offsets = [384, 0], sizes = [128, 1], strides = [1, 1]} : vector<640x1xf32> to vector<128x1xf32>
    %squeeze3A_135 = vector.shape_cast %slice3A_134 : vector<128x1xf32> to vector<128xf32>
    %slice3A_136 = vector.extract_strided_slice %dot_general3A_72 {offsets = [512, 0], sizes = [128, 1], strides = [1, 1]} : vector<640x1xf32> to vector<128x1xf32>
    %squeeze3A_137 = vector.shape_cast %slice3A_136 : vector<128x1xf32> to vector<128xf32>
    %max3A_138 = arith.maximumf %add3A_83, %add3A_94 : vector<128xf32>
    %max3A_139 = arith.maximumf %add3A_105, %add3A_116 : vector<128xf32>
    %max3A_140 = arith.maximumf %max3A_138, %max3A_139 : vector<128xf32>
    %max3A_141 = arith.maximumf %max3A_140, %add3A_127 : vector<128xf32>
    %sub3A_142 = arith.subf %add3A_83, %max3A_141 : vector<128xf32>
    %exp3A_143 = math.exp %sub3A_142 : vector<128xf32>
    %sub3A_144 = arith.subf %add3A_94, %max3A_141 : vector<128xf32>
    %exp3A_145 = math.exp %sub3A_144 : vector<128xf32>
    %sub3A_146 = arith.subf %add3A_105, %max3A_141 : vector<128xf32>
    %exp3A_147 = math.exp %sub3A_146 : vector<128xf32>
    %sub3A_148 = arith.subf %add3A_116, %max3A_141 : vector<128xf32>
    %exp3A_149 = math.exp %sub3A_148 : vector<128xf32>
    %sub3A_150 = arith.subf %add3A_127, %max3A_141 : vector<128xf32>
    %exp3A_151 = math.exp %sub3A_150 : vector<128xf32>
    %add3A_152 = arith.addf %exp3A_143, %exp3A_145 : vector<128xf32>
    %add3A_153 = arith.addf %add3A_152, %exp3A_147 : vector<128xf32>
    %add3A_154 = arith.addf %add3A_153, %exp3A_149 : vector<128xf32>
    %add3A_155 = arith.addf %add3A_154, %exp3A_151 : vector<128xf32>
    %mul3A_156 = arith.mulf %exp3A_143, %squeeze3A_129 : vector<128xf32>
    %mul3A_157 = arith.mulf %exp3A_145, %squeeze3A_131 : vector<128xf32>
    %add3A_158 = arith.addf %mul3A_156, %mul3A_157 : vector<128xf32>
    %mul3A_159 = arith.mulf %exp3A_147, %squeeze3A_133 : vector<128xf32>
    %add3A_160 = arith.addf %add3A_158, %mul3A_159 : vector<128xf32>
    %mul3A_161 = arith.mulf %exp3A_149, %squeeze3A_135 : vector<128xf32>
    %add3A_162 = arith.addf %add3A_160, %mul3A_161 : vector<128xf32>
    %mul3A_163 = arith.mulf %exp3A_151, %squeeze3A_137 : vector<128xf32>
    %add3A_164 = arith.addf %add3A_162, %mul3A_163 : vector<128xf32>
    %div3A = arith.divf %add3A_164, %add3A_155 : vector<128xf32>
    %mul3A_165 = arith.mulf %exp3A_43, %div3A : vector<128xf32>
    %add3A_166 = arith.addf %mul3A_55, %mul3A_165 : vector<128xf32>
    %get3A_167 = arith.constant 0 : index
    %get3A_168 = arith.constant 1 : index
    %get3A_169 = vector.load %arg5[%get3A_167, %get3A_168] : memref<128x4xf32, #tpu.memory_space<vmem>>, vector<128x1xf32>
    %get3A_170 = arith.constant 0 : index
    %get3A_171 = arith.constant 1 : index
    %get3A_172 = vector.load %arg6[%get3A_170, %get3A_171] : memref<128x4xf32, #tpu.memory_space<vmem>>, vector<128x1xf32>
    %dot_general3A_173 = arith.constant dense<0.000000e+00> : vector<128x1xf32>
    %dot_general3A_174 = tpu.matmul %get3A_1, %get3A_172, %dot_general3A_173 {dimension_numbers = #tpu.dot_dimension_numbers<[1], [0], [0], [1], [0, 0, 1, 1], [], []>, transpose_lhs_hint = false} : vector<128x128xf32>, vector<128x1xf32>, vector<128x1xf32> -> vector<128x1xf32>
    %squeeze3A_175 = vector.shape_cast %dot_general3A_174 : vector<128x1xf32> to vector<128xf32>
    %get3A_176 = arith.constant 640 : index
    %get3A_177 = arith.constant 0 : index
    %get3A_178 = vector.load %arg1[%get3A_176, %get3A_177] : memref<2560x128xf32, #tpu.memory_space<vmem>>, vector<640x128xf32>
    %dot_general3A_179 = arith.constant dense<0.000000e+00> : vector<640x1xf32>
    %dot_general3A_180 = tpu.matmul %get3A_178, %get3A_169, %dot_general3A_179 {dimension_numbers = #tpu.dot_dimension_numbers<[1], [0], [0], [1], [0, 0, 1, 1], [], []>, transpose_lhs_hint = false} : vector<640x128xf32>, vector<128x1xf32>, vector<640x1xf32> -> vector<640x1xf32>
    %mul3A_181 = arith.mulf %get3A_178, %concatenate3A : vector<640x128xf32>
    %dot_general3A_182 = arith.constant dense<0.000000e+00> : vector<640x1xf32>
    %dot_general3A_183 = tpu.matmul %mul3A_181, %broadcast_in_dim3A_5, %dot_general3A_182 {dimension_numbers = #tpu.dot_dimension_numbers<[1], [0], [0], [1], [0, 0, 1, 1], [], []>, transpose_lhs_hint = false} : vector<640x128xf32>, vector<128x1xf32>, vector<640x1xf32> -> vector<640x1xf32>
    %slice3A_184 = vector.extract_strided_slice %dot_general3A_180 {offsets = [0, 0], sizes = [128, 1], strides = [1, 1]} : vector<640x1xf32> to vector<128x1xf32>
    %squeeze3A_185 = vector.shape_cast %slice3A_184 : vector<128x1xf32> to vector<128xf32>
    %add3A_186 = arith.addf %squeeze3A_185, %squeeze3A_175 : vector<128xf32>
    %get3A_187 = arith.constant 2 : index
    %get3A_188 = arith.constant 0 : index
    %get3A_189 = arith.constant 0 : index
    %get3A_190 = vector.load %arg4[%get3A_187, %get3A_188, %get3A_189] : memref<5x128x5xf32, #tpu.memory_space<vmem>>, vector<1x128x5xf32>
    %get3A_191 = vector.shape_cast %get3A_190 : vector<1x128x5xf32> to vector<128x5xf32>
    %slice3A_192 = vector.extract_strided_slice %get3A_191 {offsets = [0, 0], sizes = [128, 1], strides = [1, 1]} : vector<128x5xf32> to vector<128x1xf32>
    %squeeze3A_193 = vector.shape_cast %slice3A_192 : vector<128x1xf32> to vector<128xf32>
    %add3A_194 = arith.addf %add3A_186, %squeeze3A_193 : vector<128xf32>
    %slice3A_195 = vector.extract_strided_slice %dot_general3A_180 {offsets = [128, 0], sizes = [128, 1], strides = [1, 1]} : vector<640x1xf32> to vector<128x1xf32>
    %squeeze3A_196 = vector.shape_cast %slice3A_195 : vector<128x1xf32> to vector<128xf32>
    %add3A_197 = arith.addf %squeeze3A_196, %squeeze3A_175 : vector<128xf32>
    %get3A_198 = arith.constant 2 : index
    %get3A_199 = arith.constant 0 : index
    %get3A_200 = arith.constant 0 : index
    %get3A_201 = vector.load %arg4[%get3A_198, %get3A_199, %get3A_200] : memref<5x128x5xf32, #tpu.memory_space<vmem>>, vector<1x128x5xf32>
    %get3A_202 = vector.shape_cast %get3A_201 : vector<1x128x5xf32> to vector<128x5xf32>
    %slice3A_203 = vector.extract_strided_slice %get3A_202 {offsets = [0, 1], sizes = [128, 1], strides = [1, 1]} : vector<128x5xf32> to vector<128x1xf32>
    %squeeze3A_204 = vector.shape_cast %slice3A_203 : vector<128x1xf32> to vector<128xf32>
    %add3A_205 = arith.addf %add3A_197, %squeeze3A_204 : vector<128xf32>
    %slice3A_206 = vector.extract_strided_slice %dot_general3A_180 {offsets = [256, 0], sizes = [128, 1], strides = [1, 1]} : vector<640x1xf32> to vector<128x1xf32>
    %squeeze3A_207 = vector.shape_cast %slice3A_206 : vector<128x1xf32> to vector<128xf32>
    %add3A_208 = arith.addf %squeeze3A_207, %squeeze3A_175 : vector<128xf32>
    %get3A_209 = arith.constant 2 : index
    %get3A_210 = arith.constant 0 : index
    %get3A_211 = arith.constant 0 : index
    %get3A_212 = vector.load %arg4[%get3A_209, %get3A_210, %get3A_211] : memref<5x128x5xf32, #tpu.memory_space<vmem>>, vector<1x128x5xf32>
    %get3A_213 = vector.shape_cast %get3A_212 : vector<1x128x5xf32> to vector<128x5xf32>
    %slice3A_214 = vector.extract_strided_slice %get3A_213 {offsets = [0, 2], sizes = [128, 1], strides = [1, 1]} : vector<128x5xf32> to vector<128x1xf32>
    %squeeze3A_215 = vector.shape_cast %slice3A_214 : vector<128x1xf32> to vector<128xf32>
    %add3A_216 = arith.addf %add3A_208, %squeeze3A_215 : vector<128xf32>
    %slice3A_217 = vector.extract_strided_slice %dot_general3A_180 {offsets = [384, 0], sizes = [128, 1], strides = [1, 1]} : vector<640x1xf32> to vector<128x1xf32>
    %squeeze3A_218 = vector.shape_cast %slice3A_217 : vector<128x1xf32> to vector<128xf32>
    %add3A_219 = arith.addf %squeeze3A_218, %squeeze3A_175 : vector<128xf32>
    %get3A_220 = arith.constant 2 : index
    %get3A_221 = arith.constant 0 : index
    %get3A_222 = arith.constant 0 : index
    %get3A_223 = vector.load %arg4[%get3A_220, %get3A_221, %get3A_222] : memref<5x128x5xf32, #tpu.memory_space<vmem>>, vector<1x128x5xf32>
    %get3A_224 = vector.shape_cast %get3A_223 : vector<1x128x5xf32> to vector<128x5xf32>
    %slice3A_225 = vector.extract_strided_slice %get3A_224 {offsets = [0, 3], sizes = [128, 1], strides = [1, 1]} : vector<128x5xf32> to vector<128x1xf32>
    %squeeze3A_226 = vector.shape_cast %slice3A_225 : vector<128x1xf32> to vector<128xf32>
    %add3A_227 = arith.addf %add3A_219, %squeeze3A_226 : vector<128xf32>
    %slice3A_228 = vector.extract_strided_slice %dot_general3A_180 {offsets = [512, 0], sizes = [128, 1], strides = [1, 1]} : vector<640x1xf32> to vector<128x1xf32>
    %squeeze3A_229 = vector.shape_cast %slice3A_228 : vector<128x1xf32> to vector<128xf32>
    %add3A_230 = arith.addf %squeeze3A_229, %squeeze3A_175 : vector<128xf32>
    %get3A_231 = arith.constant 2 : index
    %get3A_232 = arith.constant 0 : index
    %get3A_233 = arith.constant 0 : index
    %get3A_234 = vector.load %arg4[%get3A_231, %get3A_232, %get3A_233] : memref<5x128x5xf32, #tpu.memory_space<vmem>>, vector<1x128x5xf32>
    %get3A_235 = vector.shape_cast %get3A_234 : vector<1x128x5xf32> to vector<128x5xf32>
    %slice3A_236 = vector.extract_strided_slice %get3A_235 {offsets = [0, 4], sizes = [128, 1], strides = [1, 1]} : vector<128x5xf32> to vector<128x1xf32>
    %squeeze3A_237 = vector.shape_cast %slice3A_236 : vector<128x1xf32> to vector<128xf32>
    %add3A_238 = arith.addf %add3A_230, %squeeze3A_237 : vector<128xf32>
    %slice3A_239 = vector.extract_strided_slice %dot_general3A_183 {offsets = [0, 0], sizes = [128, 1], strides = [1, 1]} : vector<640x1xf32> to vector<128x1xf32>
    %squeeze3A_240 = vector.shape_cast %slice3A_239 : vector<128x1xf32> to vector<128xf32>
    %slice3A_241 = vector.extract_strided_slice %dot_general3A_183 {offsets = [128, 0], sizes = [128, 1], strides = [1, 1]} : vector<640x1xf32> to vector<128x1xf32>
    %squeeze3A_242 = vector.shape_cast %slice3A_241 : vector<128x1xf32> to vector<128xf32>
    %slice3A_243 = vector.extract_strided_slice %dot_general3A_183 {offsets = [256, 0], sizes = [128, 1], strides = [1, 1]} : vector<640x1xf32> to vector<128x1xf32>
    %squeeze3A_244 = vector.shape_cast %slice3A_243 : vector<128x1xf32> to vector<128xf32>
    %slice3A_245 = vector.extract_strided_slice %dot_general3A_183 {offsets = [384, 0], sizes = [128, 1], strides = [1, 1]} : vector<640x1xf32> to vector<128x1xf32>
    %squeeze3A_246 = vector.shape_cast %slice3A_245 : vector<128x1xf32> to vector<128xf32>
    %slice3A_247 = vector.extract_strided_slice %dot_general3A_183 {offsets = [512, 0], sizes = [128, 1], strides = [1, 1]} : vector<640x1xf32> to vector<128x1xf32>
    %squeeze3A_248 = vector.shape_cast %slice3A_247 : vector<128x1xf32> to vector<128xf32>
    %max3A_249 = arith.maximumf %add3A_194, %add3A_205 : vector<128xf32>
    %max3A_250 = arith.maximumf %add3A_216, %add3A_227 : vector<128xf32>
    %max3A_251 = arith.maximumf %max3A_249, %max3A_250 : vector<128xf32>
    %max3A_252 = arith.maximumf %max3A_251, %add3A_238 : vector<128xf32>
    %sub3A_253 = arith.subf %add3A_194, %max3A_252 : vector<128xf32>
    %exp3A_254 = math.exp %sub3A_253 : vector<128xf32>
    %sub3A_255 = arith.subf %add3A_205, %max3A_252 : vector<128xf32>
    %exp3A_256 = math.exp %sub3A_255 : vector<128xf32>
    %sub3A_257 = arith.subf %add3A_216, %max3A_252 : vector<128xf32>
    %exp3A_258 = math.exp %sub3A_257 : vector<128xf32>
    %sub3A_259 = arith.subf %add3A_227, %max3A_252 : vector<128xf32>
    %exp3A_260 = math.exp %sub3A_259 : vector<128xf32>
    %sub3A_261 = arith.subf %add3A_238, %max3A_252 : vector<128xf32>
    %exp3A_262 = math.exp %sub3A_261 : vector<128xf32>
    %add3A_263 = arith.addf %exp3A_254, %exp3A_256 : vector<128xf32>
    %add3A_264 = arith.addf %add3A_263, %exp3A_258 : vector<128xf32>
    %add3A_265 = arith.addf %add3A_264, %exp3A_260 : vector<128xf32>
    %add3A_266 = arith.addf %add3A_265, %exp3A_262 : vector<128xf32>
    %mul3A_267 = arith.mulf %exp3A_254, %squeeze3A_240 : vector<128xf32>
    %mul3A_268 = arith.mulf %exp3A_256, %squeeze3A_242 : vector<128xf32>
    %add3A_269 = arith.addf %mul3A_267, %mul3A_268 : vector<128xf32>
    %mul3A_270 = arith.mulf %exp3A_258, %squeeze3A_244 : vector<128xf32>
    %add3A_271 = arith.addf %add3A_269, %mul3A_270 : vector<128xf32>
    %mul3A_272 = arith.mulf %exp3A_260, %squeeze3A_246 : vector<128xf32>
    %add3A_273 = arith.addf %add3A_271, %mul3A_272 : vector<128xf32>
    %mul3A_274 = arith.mulf %exp3A_262, %squeeze3A_248 : vector<128xf32>
    %add3A_275 = arith.addf %add3A_273, %mul3A_274 : vector<128xf32>
    %div3A_276 = arith.divf %add3A_275, %add3A_266 : vector<128xf32>
    %mul3A_277 = arith.mulf %exp3A_45, %div3A_276 : vector<128xf32>
    %add3A_278 = arith.addf %add3A_166, %mul3A_277 : vector<128xf32>
    %get3A_279 = arith.constant 0 : index
    %get3A_280 = arith.constant 2 : index
    %get3A_281 = vector.load %arg5[%get3A_279, %get3A_280] : memref<128x4xf32, #tpu.memory_space<vmem>>, vector<128x1xf32>
    %get3A_282 = arith.constant 0 : index
    %get3A_283 = arith.constant 2 : index
    %get3A_284 = vector.load %arg6[%get3A_282, %get3A_283] : memref<128x4xf32, #tpu.memory_space<vmem>>, vector<128x1xf32>
    %dot_general3A_285 = arith.constant dense<0.000000e+00> : vector<128x1xf32>
    %dot_general3A_286 = tpu.matmul %get3A_1, %get3A_284, %dot_general3A_285 {dimension_numbers = #tpu.dot_dimension_numbers<[1], [0], [0], [1], [0, 0, 1, 1], [], []>, transpose_lhs_hint = false} : vector<128x128xf32>, vector<128x1xf32>, vector<128x1xf32> -> vector<128x1xf32>
    %squeeze3A_287 = vector.shape_cast %dot_general3A_286 : vector<128x1xf32> to vector<128xf32>
    %get3A_288 = arith.constant 1280 : index
    %get3A_289 = arith.constant 0 : index
    %get3A_290 = vector.load %arg1[%get3A_288, %get3A_289] : memref<2560x128xf32, #tpu.memory_space<vmem>>, vector<640x128xf32>
    %dot_general3A_291 = arith.constant dense<0.000000e+00> : vector<640x1xf32>
    %dot_general3A_292 = tpu.matmul %get3A_290, %get3A_281, %dot_general3A_291 {dimension_numbers = #tpu.dot_dimension_numbers<[1], [0], [0], [1], [0, 0, 1, 1], [], []>, transpose_lhs_hint = false} : vector<640x128xf32>, vector<128x1xf32>, vector<640x1xf32> -> vector<640x1xf32>
    %mul3A_293 = arith.mulf %get3A_290, %concatenate3A : vector<640x128xf32>
    %dot_general3A_294 = arith.constant dense<0.000000e+00> : vector<640x1xf32>
    %dot_general3A_295 = tpu.matmul %mul3A_293, %broadcast_in_dim3A_5, %dot_general3A_294 {dimension_numbers = #tpu.dot_dimension_numbers<[1], [0], [0], [1], [0, 0, 1, 1], [], []>, transpose_lhs_hint = false} : vector<640x128xf32>, vector<128x1xf32>, vector<640x1xf32> -> vector<640x1xf32>
    %slice3A_296 = vector.extract_strided_slice %dot_general3A_292 {offsets = [0, 0], sizes = [128, 1], strides = [1, 1]} : vector<640x1xf32> to vector<128x1xf32>
    %squeeze3A_297 = vector.shape_cast %slice3A_296 : vector<128x1xf32> to vector<128xf32>
    %add3A_298 = arith.addf %squeeze3A_297, %squeeze3A_287 : vector<128xf32>
    %get3A_299 = arith.constant 3 : index
    %get3A_300 = arith.constant 0 : index
    %get3A_301 = arith.constant 0 : index
    %get3A_302 = vector.load %arg4[%get3A_299, %get3A_300, %get3A_301] : memref<5x128x5xf32, #tpu.memory_space<vmem>>, vector<1x128x5xf32>
    %get3A_303 = vector.shape_cast %get3A_302 : vector<1x128x5xf32> to vector<128x5xf32>
    %slice3A_304 = vector.extract_strided_slice %get3A_303 {offsets = [0, 0], sizes = [128, 1], strides = [1, 1]} : vector<128x5xf32> to vector<128x1xf32>
    %squeeze3A_305 = vector.shape_cast %slice3A_304 : vector<128x1xf32> to vector<128xf32>
    %add3A_306 = arith.addf %add3A_298, %squeeze3A_305 : vector<128xf32>
    %slice3A_307 = vector.extract_strided_slice %dot_general3A_292 {offsets = [128, 0], sizes = [128, 1], strides = [1, 1]} : vector<640x1xf32> to vector<128x1xf32>
    %squeeze3A_308 = vector.shape_cast %slice3A_307 : vector<128x1xf32> to vector<128xf32>
    %add3A_309 = arith.addf %squeeze3A_308, %squeeze3A_287 : vector<128xf32>
    %get3A_310 = arith.constant 3 : index
    %get3A_311 = arith.constant 0 : index
    %get3A_312 = arith.constant 0 : index
    %get3A_313 = vector.load %arg4[%get3A_310, %get3A_311, %get3A_312] : memref<5x128x5xf32, #tpu.memory_space<vmem>>, vector<1x128x5xf32>
    %get3A_314 = vector.shape_cast %get3A_313 : vector<1x128x5xf32> to vector<128x5xf32>
    %slice3A_315 = vector.extract_strided_slice %get3A_314 {offsets = [0, 1], sizes = [128, 1], strides = [1, 1]} : vector<128x5xf32> to vector<128x1xf32>
    %squeeze3A_316 = vector.shape_cast %slice3A_315 : vector<128x1xf32> to vector<128xf32>
    %add3A_317 = arith.addf %add3A_309, %squeeze3A_316 : vector<128xf32>
    %slice3A_318 = vector.extract_strided_slice %dot_general3A_292 {offsets = [256, 0], sizes = [128, 1], strides = [1, 1]} : vector<640x1xf32> to vector<128x1xf32>
    %squeeze3A_319 = vector.shape_cast %slice3A_318 : vector<128x1xf32> to vector<128xf32>
    %add3A_320 = arith.addf %squeeze3A_319, %squeeze3A_287 : vector<128xf32>
    %get3A_321 = arith.constant 3 : index
    %get3A_322 = arith.constant 0 : index
    %get3A_323 = arith.constant 0 : index
    %get3A_324 = vector.load %arg4[%get3A_321, %get3A_322, %get3A_323] : memref<5x128x5xf32, #tpu.memory_space<vmem>>, vector<1x128x5xf32>
    %get3A_325 = vector.shape_cast %get3A_324 : vector<1x128x5xf32> to vector<128x5xf32>
    %slice3A_326 = vector.extract_strided_slice %get3A_325 {offsets = [0, 2], sizes = [128, 1], strides = [1, 1]} : vector<128x5xf32> to vector<128x1xf32>
    %squeeze3A_327 = vector.shape_cast %slice3A_326 : vector<128x1xf32> to vector<128xf32>
    %add3A_328 = arith.addf %add3A_320, %squeeze3A_327 : vector<128xf32>
    %slice3A_329 = vector.extract_strided_slice %dot_general3A_292 {offsets = [384, 0], sizes = [128, 1], strides = [1, 1]} : vector<640x1xf32> to vector<128x1xf32>
    %squeeze3A_330 = vector.shape_cast %slice3A_329 : vector<128x1xf32> to vector<128xf32>
    %add3A_331 = arith.addf %squeeze3A_330, %squeeze3A_287 : vector<128xf32>
    %get3A_332 = arith.constant 3 : index
    %get3A_333 = arith.constant 0 : index
    %get3A_334 = arith.constant 0 : index
    %get3A_335 = vector.load %arg4[%get3A_332, %get3A_333, %get3A_334] : memref<5x128x5xf32, #tpu.memory_space<vmem>>, vector<1x128x5xf32>
    %get3A_336 = vector.shape_cast %get3A_335 : vector<1x128x5xf32> to vector<128x5xf32>
    %slice3A_337 = vector.extract_strided_slice %get3A_336 {offsets = [0, 3], sizes = [128, 1], strides = [1, 1]} : vector<128x5xf32> to vector<128x1xf32>
    %squeeze3A_338 = vector.shape_cast %slice3A_337 : vector<128x1xf32> to vector<128xf32>
    %add3A_339 = arith.addf %add3A_331, %squeeze3A_338 : vector<128xf32>
    %slice3A_340 = vector.extract_strided_slice %dot_general3A_292 {offsets = [512, 0], sizes = [128, 1], strides = [1, 1]} : vector<640x1xf32> to vector<128x1xf32>
    %squeeze3A_341 = vector.shape_cast %slice3A_340 : vector<128x1xf32> to vector<128xf32>
    %add3A_342 = arith.addf %squeeze3A_341, %squeeze3A_287 : vector<128xf32>
    %get3A_343 = arith.constant 3 : index
    %get3A_344 = arith.constant 0 : index
    %get3A_345 = arith.constant 0 : index
    %get3A_346 = vector.load %arg4[%get3A_343, %get3A_344, %get3A_345] : memref<5x128x5xf32, #tpu.memory_space<vmem>>, vector<1x128x5xf32>
    %get3A_347 = vector.shape_cast %get3A_346 : vector<1x128x5xf32> to vector<128x5xf32>
    %slice3A_348 = vector.extract_strided_slice %get3A_347 {offsets = [0, 4], sizes = [128, 1], strides = [1, 1]} : vector<128x5xf32> to vector<128x1xf32>
    %squeeze3A_349 = vector.shape_cast %slice3A_348 : vector<128x1xf32> to vector<128xf32>
    %add3A_350 = arith.addf %add3A_342, %squeeze3A_349 : vector<128xf32>
    %slice3A_351 = vector.extract_strided_slice %dot_general3A_295 {offsets = [0, 0], sizes = [128, 1], strides = [1, 1]} : vector<640x1xf32> to vector<128x1xf32>
    %squeeze3A_352 = vector.shape_cast %slice3A_351 : vector<128x1xf32> to vector<128xf32>
    %slice3A_353 = vector.extract_strided_slice %dot_general3A_295 {offsets = [128, 0], sizes = [128, 1], strides = [1, 1]} : vector<640x1xf32> to vector<128x1xf32>
    %squeeze3A_354 = vector.shape_cast %slice3A_353 : vector<128x1xf32> to vector<128xf32>
    %slice3A_355 = vector.extract_strided_slice %dot_general3A_295 {offsets = [256, 0], sizes = [128, 1], strides = [1, 1]} : vector<640x1xf32> to vector<128x1xf32>
    %squeeze3A_356 = vector.shape_cast %slice3A_355 : vector<128x1xf32> to vector<128xf32>
    %slice3A_357 = vector.extract_strided_slice %dot_general3A_295 {offsets = [384, 0], sizes = [128, 1], strides = [1, 1]} : vector<640x1xf32> to vector<128x1xf32>
    %squeeze3A_358 = vector.shape_cast %slice3A_357 : vector<128x1xf32> to vector<128xf32>
    %slice3A_359 = vector.extract_strided_slice %dot_general3A_295 {offsets = [512, 0], sizes = [128, 1], strides = [1, 1]} : vector<640x1xf32> to vector<128x1xf32>
    %squeeze3A_360 = vector.shape_cast %slice3A_359 : vector<128x1xf32> to vector<128xf32>
    %max3A_361 = arith.maximumf %add3A_306, %add3A_317 : vector<128xf32>
    %max3A_362 = arith.maximumf %add3A_328, %add3A_339 : vector<128xf32>
    %max3A_363 = arith.maximumf %max3A_361, %max3A_362 : vector<128xf32>
    %max3A_364 = arith.maximumf %max3A_363, %add3A_350 : vector<128xf32>
    %sub3A_365 = arith.subf %add3A_306, %max3A_364 : vector<128xf32>
    %exp3A_366 = math.exp %sub3A_365 : vector<128xf32>
    %sub3A_367 = arith.subf %add3A_317, %max3A_364 : vector<128xf32>
    %exp3A_368 = math.exp %sub3A_367 : vector<128xf32>
    %sub3A_369 = arith.subf %add3A_328, %max3A_364 : vector<128xf32>
    %exp3A_370 = math.exp %sub3A_369 : vector<128xf32>
    %sub3A_371 = arith.subf %add3A_339, %max3A_364 : vector<128xf32>
    %exp3A_372 = math.exp %sub3A_371 : vector<128xf32>
    %sub3A_373 = arith.subf %add3A_350, %max3A_364 : vector<128xf32>
    %exp3A_374 = math.exp %sub3A_373 : vector<128xf32>
    %add3A_375 = arith.addf %exp3A_366, %exp3A_368 : vector<128xf32>
    %add3A_376 = arith.addf %add3A_375, %exp3A_370 : vector<128xf32>
    %add3A_377 = arith.addf %add3A_376, %exp3A_372 : vector<128xf32>
    %add3A_378 = arith.addf %add3A_377, %exp3A_374 : vector<128xf32>
    %mul3A_379 = arith.mulf %exp3A_366, %squeeze3A_352 : vector<128xf32>
    %mul3A_380 = arith.mulf %exp3A_368, %squeeze3A_354 : vector<128xf32>
    %add3A_381 = arith.addf %mul3A_379, %mul3A_380 : vector<128xf32>
    %mul3A_382 = arith.mulf %exp3A_370, %squeeze3A_356 : vector<128xf32>
    %add3A_383 = arith.addf %add3A_381, %mul3A_382 : vector<128xf32>
    %mul3A_384 = arith.mulf %exp3A_372, %squeeze3A_358 : vector<128xf32>
    %add3A_385 = arith.addf %add3A_383, %mul3A_384 : vector<128xf32>
    %mul3A_386 = arith.mulf %exp3A_374, %squeeze3A_360 : vector<128xf32>
    %add3A_387 = arith.addf %add3A_385, %mul3A_386 : vector<128xf32>
    %div3A_388 = arith.divf %add3A_387, %add3A_378 : vector<128xf32>
    %mul3A_389 = arith.mulf %exp3A_47, %div3A_388 : vector<128xf32>
    %add3A_390 = arith.addf %add3A_278, %mul3A_389 : vector<128xf32>
    %get3A_391 = arith.constant 0 : index
    %get3A_392 = arith.constant 3 : index
    %get3A_393 = vector.load %arg5[%get3A_391, %get3A_392] : memref<128x4xf32, #tpu.memory_space<vmem>>, vector<128x1xf32>
    %get3A_394 = arith.constant 0 : index
    %get3A_395 = arith.constant 3 : index
    %get3A_396 = vector.load %arg6[%get3A_394, %get3A_395] : memref<128x4xf32, #tpu.memory_space<vmem>>, vector<128x1xf32>
    %dot_general3A_397 = arith.constant dense<0.000000e+00> : vector<128x1xf32>
    %dot_general3A_398 = tpu.matmul %get3A_1, %get3A_396, %dot_general3A_397 {dimension_numbers = #tpu.dot_dimension_numbers<[1], [0], [0], [1], [0, 0, 1, 1], [], []>, transpose_lhs_hint = false} : vector<128x128xf32>, vector<128x1xf32>, vector<128x1xf32> -> vector<128x1xf32>
    %squeeze3A_399 = vector.shape_cast %dot_general3A_398 : vector<128x1xf32> to vector<128xf32>
    %get3A_400 = arith.constant 1920 : index
    %get3A_401 = arith.constant 0 : index
    %get3A_402 = vector.load %arg1[%get3A_400, %get3A_401] : memref<2560x128xf32, #tpu.memory_space<vmem>>, vector<640x128xf32>
    %dot_general3A_403 = arith.constant dense<0.000000e+00> : vector<640x1xf32>
    %dot_general3A_404 = tpu.matmul %get3A_402, %get3A_393, %dot_general3A_403 {dimension_numbers = #tpu.dot_dimension_numbers<[1], [0], [0], [1], [0, 0, 1, 1], [], []>, transpose_lhs_hint = false} : vector<640x128xf32>, vector<128x1xf32>, vector<640x1xf32> -> vector<640x1xf32>
    %mul3A_405 = arith.mulf %get3A_402, %concatenate3A : vector<640x128xf32>
    %dot_general3A_406 = arith.constant dense<0.000000e+00> : vector<640x1xf32>
    %dot_general3A_407 = tpu.matmul %mul3A_405, %broadcast_in_dim3A_5, %dot_general3A_406 {dimension_numbers = #tpu.dot_dimension_numbers<[1], [0], [0], [1], [0, 0, 1, 1], [], []>, transpose_lhs_hint = false} : vector<640x128xf32>, vector<128x1xf32>, vector<640x1xf32> -> vector<640x1xf32>
    %slice3A_408 = vector.extract_strided_slice %dot_general3A_404 {offsets = [0, 0], sizes = [128, 1], strides = [1, 1]} : vector<640x1xf32> to vector<128x1xf32>
    %squeeze3A_409 = vector.shape_cast %slice3A_408 : vector<128x1xf32> to vector<128xf32>
    %add3A_410 = arith.addf %squeeze3A_409, %squeeze3A_399 : vector<128xf32>
    %get3A_411 = arith.constant 4 : index
    %get3A_412 = arith.constant 0 : index
    %get3A_413 = arith.constant 0 : index
    %get3A_414 = vector.load %arg4[%get3A_411, %get3A_412, %get3A_413] : memref<5x128x5xf32, #tpu.memory_space<vmem>>, vector<1x128x5xf32>
    %get3A_415 = vector.shape_cast %get3A_414 : vector<1x128x5xf32> to vector<128x5xf32>
    %slice3A_416 = vector.extract_strided_slice %get3A_415 {offsets = [0, 0], sizes = [128, 1], strides = [1, 1]} : vector<128x5xf32> to vector<128x1xf32>
    %squeeze3A_417 = vector.shape_cast %slice3A_416 : vector<128x1xf32> to vector<128xf32>
    %add3A_418 = arith.addf %add3A_410, %squeeze3A_417 : vector<128xf32>
    %slice3A_419 = vector.extract_strided_slice %dot_general3A_404 {offsets = [128, 0], sizes = [128, 1], strides = [1, 1]} : vector<640x1xf32> to vector<128x1xf32>
    %squeeze3A_420 = vector.shape_cast %slice3A_419 : vector<128x1xf32> to vector<128xf32>
    %add3A_421 = arith.addf %squeeze3A_420, %squeeze3A_399 : vector<128xf32>
    %get3A_422 = arith.constant 4 : index
    %get3A_423 = arith.constant 0 : index
    %get3A_424 = arith.constant 0 : index
    %get3A_425 = vector.load %arg4[%get3A_422, %get3A_423, %get3A_424] : memref<5x128x5xf32, #tpu.memory_space<vmem>>, vector<1x128x5xf32>
    %get3A_426 = vector.shape_cast %get3A_425 : vector<1x128x5xf32> to vector<128x5xf32>
    %slice3A_427 = vector.extract_strided_slice %get3A_426 {offsets = [0, 1], sizes = [128, 1], strides = [1, 1]} : vector<128x5xf32> to vector<128x1xf32>
    %squeeze3A_428 = vector.shape_cast %slice3A_427 : vector<128x1xf32> to vector<128xf32>
    %add3A_429 = arith.addf %add3A_421, %squeeze3A_428 : vector<128xf32>
    %slice3A_430 = vector.extract_strided_slice %dot_general3A_404 {offsets = [256, 0], sizes = [128, 1], strides = [1, 1]} : vector<640x1xf32> to vector<128x1xf32>
    %squeeze3A_431 = vector.shape_cast %slice3A_430 : vector<128x1xf32> to vector<128xf32>
    %add3A_432 = arith.addf %squeeze3A_431, %squeeze3A_399 : vector<128xf32>
    %get3A_433 = arith.constant 4 : index
    %get3A_434 = arith.constant 0 : index
    %get3A_435 = arith.constant 0 : index
    %get3A_436 = vector.load %arg4[%get3A_433, %get3A_434, %get3A_435] : memref<5x128x5xf32, #tpu.memory_space<vmem>>, vector<1x128x5xf32>
    %get3A_437 = vector.shape_cast %get3A_436 : vector<1x128x5xf32> to vector<128x5xf32>
    %slice3A_438 = vector.extract_strided_slice %get3A_437 {offsets = [0, 2], sizes = [128, 1], strides = [1, 1]} : vector<128x5xf32> to vector<128x1xf32>
    %squeeze3A_439 = vector.shape_cast %slice3A_438 : vector<128x1xf32> to vector<128xf32>
    %add3A_440 = arith.addf %add3A_432, %squeeze3A_439 : vector<128xf32>
    %slice3A_441 = vector.extract_strided_slice %dot_general3A_404 {offsets = [384, 0], sizes = [128, 1], strides = [1, 1]} : vector<640x1xf32> to vector<128x1xf32>
    %squeeze3A_442 = vector.shape_cast %slice3A_441 : vector<128x1xf32> to vector<128xf32>
    %add3A_443 = arith.addf %squeeze3A_442, %squeeze3A_399 : vector<128xf32>
    %get3A_444 = arith.constant 4 : index
    %get3A_445 = arith.constant 0 : index
    %get3A_446 = arith.constant 0 : index
    %get3A_447 = vector.load %arg4[%get3A_444, %get3A_445, %get3A_446] : memref<5x128x5xf32, #tpu.memory_space<vmem>>, vector<1x128x5xf32>
    %get3A_448 = vector.shape_cast %get3A_447 : vector<1x128x5xf32> to vector<128x5xf32>
    %slice3A_449 = vector.extract_strided_slice %get3A_448 {offsets = [0, 3], sizes = [128, 1], strides = [1, 1]} : vector<128x5xf32> to vector<128x1xf32>
    %squeeze3A_450 = vector.shape_cast %slice3A_449 : vector<128x1xf32> to vector<128xf32>
    %add3A_451 = arith.addf %add3A_443, %squeeze3A_450 : vector<128xf32>
    %slice3A_452 = vector.extract_strided_slice %dot_general3A_404 {offsets = [512, 0], sizes = [128, 1], strides = [1, 1]} : vector<640x1xf32> to vector<128x1xf32>
    %squeeze3A_453 = vector.shape_cast %slice3A_452 : vector<128x1xf32> to vector<128xf32>
    %add3A_454 = arith.addf %squeeze3A_453, %squeeze3A_399 : vector<128xf32>
    %get3A_455 = arith.constant 4 : index
    %get3A_456 = arith.constant 0 : index
    %get3A_457 = arith.constant 0 : index
    %get3A_458 = vector.load %arg4[%get3A_455, %get3A_456, %get3A_457] : memref<5x128x5xf32, #tpu.memory_space<vmem>>, vector<1x128x5xf32>
    %get3A_459 = vector.shape_cast %get3A_458 : vector<1x128x5xf32> to vector<128x5xf32>
    %slice3A_460 = vector.extract_strided_slice %get3A_459 {offsets = [0, 4], sizes = [128, 1], strides = [1, 1]} : vector<128x5xf32> to vector<128x1xf32>
    %squeeze3A_461 = vector.shape_cast %slice3A_460 : vector<128x1xf32> to vector<128xf32>
    %add3A_462 = arith.addf %add3A_454, %squeeze3A_461 : vector<128xf32>
    %slice3A_463 = vector.extract_strided_slice %dot_general3A_407 {offsets = [0, 0], sizes = [128, 1], strides = [1, 1]} : vector<640x1xf32> to vector<128x1xf32>
    %squeeze3A_464 = vector.shape_cast %slice3A_463 : vector<128x1xf32> to vector<128xf32>
    %slice3A_465 = vector.extract_strided_slice %dot_general3A_407 {offsets = [128, 0], sizes = [128, 1], strides = [1, 1]} : vector<640x1xf32> to vector<128x1xf32>
    %squeeze3A_466 = vector.shape_cast %slice3A_465 : vector<128x1xf32> to vector<128xf32>
    %slice3A_467 = vector.extract_strided_slice %dot_general3A_407 {offsets = [256, 0], sizes = [128, 1], strides = [1, 1]} : vector<640x1xf32> to vector<128x1xf32>
    %squeeze3A_468 = vector.shape_cast %slice3A_467 : vector<128x1xf32> to vector<128xf32>
    %slice3A_469 = vector.extract_strided_slice %dot_general3A_407 {offsets = [384, 0], sizes = [128, 1], strides = [1, 1]} : vector<640x1xf32> to vector<128x1xf32>
    %squeeze3A_470 = vector.shape_cast %slice3A_469 : vector<128x1xf32> to vector<128xf32>
    %slice3A_471 = vector.extract_strided_slice %dot_general3A_407 {offsets = [512, 0], sizes = [128, 1], strides = [1, 1]} : vector<640x1xf32> to vector<128x1xf32>
    %squeeze3A_472 = vector.shape_cast %slice3A_471 : vector<128x1xf32> to vector<128xf32>
    %max3A_473 = arith.maximumf %add3A_418, %add3A_429 : vector<128xf32>
    %max3A_474 = arith.maximumf %add3A_440, %add3A_451 : vector<128xf32>
    %max3A_475 = arith.maximumf %max3A_473, %max3A_474 : vector<128xf32>
    %max3A_476 = arith.maximumf %max3A_475, %add3A_462 : vector<128xf32>
    %sub3A_477 = arith.subf %add3A_418, %max3A_476 : vector<128xf32>
    %exp3A_478 = math.exp %sub3A_477 : vector<128xf32>
    %sub3A_479 = arith.subf %add3A_429, %max3A_476 : vector<128xf32>
    %exp3A_480 = math.exp %sub3A_479 : vector<128xf32>
    %sub3A_481 = arith.subf %add3A_440, %max3A_476 : vector<128xf32>
    %exp3A_482 = math.exp %sub3A_481 : vector<128xf32>
    %sub3A_483 = arith.subf %add3A_451, %max3A_476 : vector<128xf32>
    %exp3A_484 = math.exp %sub3A_483 : vector<128xf32>
    %sub3A_485 = arith.subf %add3A_462, %max3A_476 : vector<128xf32>
    %exp3A_486 = math.exp %sub3A_485 : vector<128xf32>
    %add3A_487 = arith.addf %exp3A_478, %exp3A_480 : vector<128xf32>
    %add3A_488 = arith.addf %add3A_487, %exp3A_482 : vector<128xf32>
    %add3A_489 = arith.addf %add3A_488, %exp3A_484 : vector<128xf32>
    %add3A_490 = arith.addf %add3A_489, %exp3A_486 : vector<128xf32>
    %mul3A_491 = arith.mulf %exp3A_478, %squeeze3A_464 : vector<128xf32>
    %mul3A_492 = arith.mulf %exp3A_480, %squeeze3A_466 : vector<128xf32>
    %add3A_493 = arith.addf %mul3A_491, %mul3A_492 : vector<128xf32>
    %mul3A_494 = arith.mulf %exp3A_482, %squeeze3A_468 : vector<128xf32>
    %add3A_495 = arith.addf %add3A_493, %mul3A_494 : vector<128xf32>
    %mul3A_496 = arith.mulf %exp3A_484, %squeeze3A_470 : vector<128xf32>
    %add3A_497 = arith.addf %add3A_495, %mul3A_496 : vector<128xf32>
    %mul3A_498 = arith.mulf %exp3A_486, %squeeze3A_472 : vector<128xf32>
    %add3A_499 = arith.addf %add3A_497, %mul3A_498 : vector<128xf32>
    %div3A_500 = arith.divf %add3A_499, %add3A_490 : vector<128xf32>
    %mul3A_501 = arith.mulf %exp3A_49, %div3A_500 : vector<128xf32>
    %add3A_502 = arith.addf %add3A_390, %mul3A_501 : vector<128xf32>
    %div3A_503 = arith.divf %add3A_502, %add3A_52 : vector<128xf32>
    %logistic3A = arith.negf %div3A_503 : vector<128xf32>
    %logistic3A_504 = math.exp %logistic3A : vector<128xf32>
    %logistic3A_505 = arith.constant 1.000000e+00 : f32
    %logistic3A_506 = vector.broadcast %logistic3A_505 : f32 to vector<128xf32>
    %logistic3A_507 = arith.addf %logistic3A_506, %logistic3A_504 : vector<128xf32>
    %logistic3A_508 = arith.divf %logistic3A_506, %logistic3A_507 : vector<128xf32>
    %swap3A = arith.constant 0 : index
    %swap3A_509 = vector.load %arg7[%swap3A] : memref<128xf32, #tpu.memory_space<vmem>>, vector<128xf32>
    tpu.vector_store %arg7[%swap3A], %logistic3A_508 {strides = array<i32>} : memref<128xf32, #tpu.memory_space<vmem>>, vector<128xf32>,
    return
  }
  func.func @transform_0(%arg0: i32) -> (i32, i32) {
    %c0_i32 = arith.constant 0 : i32
    %c0_i32_0 = arith.constant 0 : i32
    return %arg0, %c0_i32 : i32, i32
  }
  func.func @transform_1(%arg0: i32) -> (i32, i32) {
    %c0_i32 = arith.constant 0 : i32
    %c0_i32_0 = arith.constant 0 : i32
    return %arg0, %c0_i32 : i32, i32
  }
  func.func @transform_2(%arg0: i32) -> (i32, i32) {
    %c0_i32 = arith.constant 0 : i32
    %c0_i32_0 = arith.constant 0 : i32
    return %arg0, %c0_i32 : i32, i32
  }
  func.func @transform_3(%arg0: i32) -> (i32, i32, i32) {
    %c0_i32 = arith.constant 0 : i32
    %c0_i32_0 = arith.constant 0 : i32
    %c0_i32_1 = arith.constant 0 : i32
    return %c0_i32, %arg0, %c0_i32_0 : i32, i32, i32
  }
  func.func @transform_4(%arg0: i32) -> (i32, i32) {
    %c0_i32 = arith.constant 0 : i32
    %c0_i32_0 = arith.constant 0 : i32
    %c0_i32_1 = arith.constant 0 : i32
    return %c0_i32, %c0_i32_0 : i32, i32
  }
  func.func @transform_5(%arg0: i32) -> (i32, i32) {
    %c0_i32 = arith.constant 0 : i32
    %c0_i32_0 = arith.constant 0 : i32
    %c0_i32_1 = arith.constant 0 : i32
    return %c0_i32, %c0_i32_0 : i32, i32
  }
  func.func @transform_6(%arg0: i32) -> i32 {
    %c0_i32 = arith.constant 0 : i32
    return %arg0 : i32
  }
}

</mosaic_0001>

<sc_bundles>
// kernel: kernel.4.cloned.1.call-start
scs
__scs_entry_jumppad:
0x0: {  	(pc) =	sbr.rel $0x88, $3  }
0x1: {  	(tag) =	ssettag $0x0;
	lr =	simm.s32 $0x1  }
0x2: {  	[smem:$0x3F92] =	sst lr;
	_ =	strace $0xD0000000  }
0x3: {  	_ = 	snop  }
0x4: {  	_ = 	snop  }
0x5: {  	_ = 	snop  }
0x6: {  	_ = 	snop  }
0x7: {  	_ = 	snop  }
__scs_overlays_trampoline_lowered:
0x8: {  	[smem:$0x3FA1] =	sst s0  }
0x9: {  	[smem:$0x3FA2] =	sst s1  }
0xa: {  	[smem:$0x3FA3] =	sst s2  }
0xb: {  	[smem:$0x3FA4] =	sst s3  }
0xc: {  	[smem:$0x3FA5] =	sst s4  }
0xd: {  	[smem:$0x3FA6] =	sst s5  }
0xe: {  	[smem:$0x3FA7] =	sst s6  }
0xf: {  	[smem:$0x3FA8] =	sst s7  }
0x10: {  	[smem:$0x3FA9] =	sst s8  }
0x11: {  	[smem:$0x3FAA] =	sst s9;
	s0 =	simm.s32 @!p0 $0x0  }
0x12: {  	s1 =	sld [smem:$0x3F90];
	s0 =	simm.s32 @p0 $0x1  }
0x13: {  	[smem:$0x3FAB] =	sst s0;
	s0 =	simm.s32 @!p1 $0x0  }
0x14: {  	s2 =	sld [smem:$0x3F8F];
	s0 =	simm.s32 @p1 $0x1  }
0x15: {  	[smem:$0x3FAC] =	sst s0;
	s0 =	simm.s32 @!p2 $0x0  }
0x16: {  	s3 =	sld [smem:$0x3FDB];
	s0 =	simm.s32 @p2 $0x1  }
0x17: {  	s4 =	simm.s32 $0x1BF5;
	[smem:$0x3FAE] =	sst s0  }
0x18: {  	s0 =	sld [smem:$0x3F91];
	_ =	swait.ge [sflag:s4], $0x0  }
0x19: {  	s7 =	sld [smem:$0x3F92]  }
0x1a: {  	s8 =	sadd.s32 $0xFFFFE003, lr  }
0x1b: {  	s9 =	sadd.s32 $0xFFFFFEF7, lr;
	s5 =	simm.s32 $0xFFFFFFFF;
	p2 =	slt.u32 s8, $0xFFFFF086  }
0x1c: {  	p1 =	slt.u32 s9, $0xF7A;
	s5 =	simm.s32 @!p2 $0x0  }
0x1d: {  	s5 =	simm.s32 @p1 $0x1;
	p0 =	seq.s32 s7, s2  }
0x1e: {  	s7 =	smul.u32 @!p0 $0xF7A, s2;
	p2 =	seq.s32 @!p0 s5, $0x0  }
0x1f: {  	s9 =	smul.u32 $0xF7A, s1;
	s8 =	simm.s32 @!p0 $0x1BF5;
	p2 =	por !p2, p0  }
0x20: {  	[sflag:s8] =	ssyncset.s32 @!p0 $0xFFFFF086;
	s6 =	sadd.s32 @!p0 s3, s7;
	s7 =	simm.s32 @!p0 $0x108  }
0x21: {  	s3 =	sadd.s32 s3, s9;
	s6 =	sadd.s32 @!p0 $0x88, s6;
	s7 =	simm.s32 @p2 $0x1082  }
0x22: {  	[simem:s7], [sflag:s8] =	dma.local @!p0 [hbm:s6], $0xF7A  }
0x23: {  	s9 =	sor.u32 $0xD0000000, s2;
	s6 =	simm.s32 $0x108;
	_ =	swait.ge @!p0 [sflag:s8], $0x0  }
0x24: {  	s3 =	sadd.s32 $0x88, s3;
	s6 =	simm.s32 @!p1 $0x1082;
	[sflag:s4] =	ssyncset.s32 $0xFFFFF086  }
0x25: {  	[simem:s6], [sflag:s4] =	dma.local [hbm:s3], $0xF7A  }
0x26: {  	[smem:$0x3F92] =	sst s1;
	(tag) =	ssettag s2;
	_ =	strace s9  }
0x27: {  	s1 =	sld [smem:$0x3FA2]  }
0x28: {  	s2 =	sld [smem:$0x3FA3]  }
0x29: {  	s4 =	sld [smem:$0x3FA5]  }
0x2a: {  	p0 =	seq.s32 s5, $0x0;
	s5 =	sld [smem:$0x3FA6]  }
0x2b: {  	s6 =	sld [smem:$0x3FA7]  }
0x2c: {  	s7 =	sld [smem:$0x3FA8]  }
0x2d: {  	s3 =	simm.s32 $0x108;
	s8 =	sld [smem:$0x3FA9]  }
0x2e: {  	s3 =	simm.s32 @!p0 $0x1082;
	s9 =	sld [smem:$0x3FAA]  }
0x2f: {  	lr =	sadd.s32 s0, s3;
	s0 =	sld [smem:$0x3FA1]  }
0x30: {  	s3 =	sld [smem:$0x3FA4]  }
0x31: {  	[smem:$0x3FAD] =	sst s10  }
0x32: {  	s10 =	sld [smem:$0x3FAB];
	_ =	sdelay $0x3  }
0x33: {  	p0 =	seq.s32 s10, $0x1;
	s10 =	sld [smem:$0x3FAD];
	_ =	sdelay $0x3  }
0x34: {  	[smem:$0x3FAD] =	sst s10  }
0x35: {  	s10 =	sld [smem:$0x3FAC];
	_ =	sdelay $0x3  }
0x36: {  	p1 =	seq.s32 s10, $0x1;
	s10 =	sld [smem:$0x3FAD];
	_ =	sdelay $0x3  }
0x37: {  	[smem:$0x3FAD] =	sst s10  }
0x38: {  	s10 =	sld [smem:$0x3FAE]  }
0x39: {  	_ = 	snop;
	(pc) =	sbr.ind lr, $3  }
0x3a: {  	_ = 	snop  }
0x3b: {  	_ = 	snop  }
0x3c: {  	p2 =	seq.s32 s10, $0x1;
	s10 =	sld [smem:$0x3FAD]  }
0x3d: {  	_ =	shalt  }
0x3e: {  	_ =	shalt  }
0x3f: {  	_ =	shalt  }
0x40: {  	_ =	shalt  }
0x41: {  	_ =	shalt  }
0x42: {  	_ =	shalt  }
0x43: {  	_ =	shalt  }
0x44: {  	_ =	shalt  }
0x45: {  	_ =	shalt  }
0x46: {  	_ =	shalt  }
0x47: {  	_ =	shalt  }
0x48: {  	_ =	shalt  }
0x49: {  	_ =	shalt  }
0x4a: {  	_ =	shalt  }
0x4b: {  	_ =	shalt  }
0x4c: {  	_ =	shalt  }
0x4d: {  	_ =	shalt  }
0x4e: {  	_ =	shalt  }
0x4f: {  	_ =	shalt  }
0x50: {  	_ =	shalt  }
0x51: {  	_ =	shalt  }
0x52: {  	_ =	shalt  }
0x53: {  	_ =	shalt  }
0x54: {  	_ =	shalt  }
0x55: {  	_ =	shalt  }
0x56: {  	_ =	shalt  }
0x57: {  	_ =	shalt  }
0x58: {  	_ =	shalt  }
0x59: {  	_ =	shalt  }
0x5a: {  	_ =	shalt  }
0x5b: {  	_ =	shalt  }
0x5c: {  	_ =	shalt  }
0x5d: {  	_ =	shalt  }
0x5e: {  	_ =	shalt  }
0x5f: {  	_ =	shalt  }
0x60: {  	_ =	shalt  }
0x61: {  	_ =	shalt  }
0x62: {  	_ =	shalt  }
0x63: {  	_ =	shalt  }
0x64: {  	_ =	shalt  }
0x65: {  	_ =	shalt  }
0x66: {  	_ =	shalt  }
0x67: {  	_ =	shalt  }
0x68: {  	_ =	shalt  }
0x69: {  	_ =	shalt  }
0x6a: {  	_ =	shalt  }
0x6b: {  	_ =	shalt  }
0x6c: {  	_ =	shalt  }
0x6d: {  	_ =	shalt  }
0x6e: {  	_ =	shalt  }
0x6f: {  	_ =	shalt  }
0x70: {  	_ =	shalt  }
0x71: {  	_ =	shalt  }
0x72: {  	_ =	shalt  }
0x73: {  	_ =	shalt  }
0x74: {  	_ =	shalt  }
0x75: {  	_ =	shalt  }
0x76: {  	_ =	shalt  }
0x77: {  	_ =	shalt  }
0x78: {  	_ =	shalt  }
0x79: {  	_ =	shalt  }
0x7a: {  	_ =	shalt  }
0x7b: {  	_ =	shalt  }
0x7c: {  	_ =	shalt  }
0x7d: {  	_ =	shalt  }
0x7e: {  	_ =	shalt  }
0x7f: {  	_ =	shalt  }
0x80: {  	_ =	shalt  }
0x81: {  	_ =	shalt  }
0x82: {  	_ =	shalt  }
0x83: {  	_ =	shalt  }
0x84: {  	_ =	shalt  }
0x85: {  	_ =	shalt  }
0x86: {  	_ =	shalt  }
0x87: {  	_ =	shalt  }
.Lfunc_end0:
.L_simem_size_0:
called_computation_lowered:
.L_overlay_start_0:
0x88: {  	s2 =	sld [smem:$0x3FD9]  }
0x89: {  	s3 =	sld [smem:$0x3FFE];
	_ =	sdelay $0x1  }
0x8a: {  	s1 =	srdreg.scid  }
0x8b: {  	s0 =	sand.u32 $0x1, s1  }
0x8c: {  	s17 =	sshll.u32 s0, $0xA;
	s2 =	sadd.s32 s3, s2  }
0x8d: {  	s2 =	sadd.s32 s2, s17  }
0x8e: {  	[smem:$0x3FB9] =	sst s2  }
0x8f: {  	_ = 	snop  }
0x90: {  	s2 =	sld [smem:$0x3FC9]  }
0x91: {  	s18 =	sld [smem:$0x3FC7]  }
0x92: {  	s4 =	sld [smem:$0x3FC6]  }
0x93: {  	s5 =	sld [smem:$0x3FC5]  }
0x94: {  	s6 =	sld [smem:$0x3FC4];
	(tm) =	ssettm $0x1  }
0x95: {  	s7 =	sld [smem:$0x3FFB];
	_ =	sdelay $0x3  }
0x96: {  	_ =	strace s7  }
0x97: {  	s7 =	sld [smem:$0x3FFC];
	_ =	sdelay $0x3  }
0x98: {  	_ =	strace s7  }
0x99: {  	s7 =	sld [smem:$0x3FFD];
	_ =	sdelay $0x3  }
0x9a: {  	_ =	strace s7  }
0x9b: {  	_ =	strace $0x8FFFFFFF  }
0x9c: {  	s19 =	sld [smem:$0x3FDB];
	_ =	sdelay $0x1  }
0x9d: {  	s8 =	simm.s32 $_scs_section_size  }
0x9e: {  	s9 =	simm.s32 $_size__tile_overlayer_lowered;
	s10 =	simm.s32 $_tile_overlayer_lowered  }
0x9f: {  	s22 =	simm.s32 $0x1BFF;
	s21 =	sshll.u32 s10, $0x1;
	s7 =	sadd.s32 s8, s19  }
0xa0: {  	s11 =	simm.s32 $0x0;
	s20 =	sshll.u32 s9, $0x1;
	s9 =	sadd.s32 s21, s7  }
0xa1: {  	[timem:s11], [sflag:s22] =	dma.local [hbm:s9], s20  }
0xa2: {  	_ =	swait.ge [sflag:s22], s20  }
0xa3: {  	s8 =	ssub.s32 $0x0, s20;
	[sflag:s22] =	ssyncset.done $0x0  }
0xa4: {  	[sflag:s22] =	ssyncadd.s32 s8;
	_ =	sdelay $0x1  }
0xa5: {  	s23 =	simm.s32 $0x1B8B  }
0xa6: {  	_ =	swait.ge [sflag:s23], $0x1  }
0xa7: {  	[sflag:s23] =	ssyncset.done $0x0  }
0xa8: {  	s25 =	simm.s32 $0x1B8E;
	s24 =	sld [smem:$0x3FFE];
	[sflag:s23] =	ssyncadd.s32 $0xFFFFFFFF  }
0xa9: {  	s26 =	simm.s32 $execute0_lowered;
	[smem:$0x3FD2] =	sst s25  }
0xaa: {  	s9 =	sshll.u32 s26, $0x1;
	_ =	strace $0x80000046;
	[dreg:$0x1] =	wrdreg $0xFFFFFFFF  }
0xab: {  	s28 =	simm.s32 $_size_execute0_lowered;
	s7 =	sadd.s32 s7, s9;
	[dreg:$0x0] =	wrdreg $0x0  }
0xac: {  	s9 =	sshll.u32 s28, $0x1;
	[dreg:$0x2] =	wrdreg s7  }
0xad: {  	[dreg:$0x3] =	wrdreg s9  }
0xae: {  	[dreg:$0x4] =	wrdreg $0xC0  }
0xaf: {  	_ =	task [dreg:s11], $0x5FFFF  }
0xb0: {  	[dreg:$0x1] =	wrdreg $0xFFFFFFFF  }
0xb1: {  	[dreg:$0x0] =	wrdreg $0x60  }
0xb2: {  	[dreg:$0x2] =	wrdreg s2  }
0xb3: {  	[dreg:$0x3] =	wrdreg s24  }
0xb4: {  	[dreg:$0x4] =	wrdreg s18  }
0xb5: {  	[dreg:$0x5] =	wrdreg s4  }
0xb6: {  	[dreg:$0x6] =	wrdreg s5  }
0xb7: {  	[dreg:$0x7] =	wrdreg s6  }
0xb8: {  	[dreg:$0x8] =	wrdreg $0x9  }
0xb9: {  	_ =	task.clear_ibuf [dreg:s11], $0x9FFFF;
	_ =	strace $0x90000046  }
0xba: {  	s29 =	simm.s32 $0x9;
	_ =	strace $0x80000048  }
0xbb: {  	_ =	swait.ge [sflag:s29], $0x1  }
0xbc: {  	[sflag:s29] =	ssyncadd.s32 $0xFFFFFFFF  }
0xbd: {  	_ =	strace $0x90000048  }
0xbe: {  	_ =	sfence  }
0xbf: {  	s30 =	sld [smem:$0x0];
	_ =	sdelay $0x2  }
0xc0: {  	s31 =	sshll.u32 s1, $0xD;
	s1 =	sshrl.u32 s1, $0x2  }
0xc1: {  	s3 =	sand.u32 $0x4000, s31;
	s1 =	sadd.s32 s1, s30  }
0xc2: {  	s0 =	sor.u32 s3, s0;
	s1 =	sshll.u32 s1, $0x11  }
0xc3: {  	s0 =	sor.u32 s1, s0  }
0xc4: {  	s0 =	sadd.s32 $0x8F2B, s0  }
0xc5: {  	[sflag:s0] =	ssyncadd.remote.s32 $0x1  }
0xc6: {  	_ =	sfence.sel $0xFFFF  }
0xc7: {  	[dreg:$0x0] =	wrdreg $0xFFFFFFFF;
	(pc) =	sbr.abs _section_cstart, $3  }
0xc8: {  	[dreg:$0x1] =	wrdreg $0xFFFFFFFF  }
0xc9: {  	_ =	task.clear_ibuf [dreg:s11], $0x2FFFF;
	_ =	strace $0x9FFFFFFF  }
0xca: {  	(tm) =	ssettm $0x7FFFFFFF  }
0xcb: {  	_ =	shalt  }
tec
execute0_lowered:
.L_overlay_start_1:
0x0: {  	(tag) =	ssettag $0x1  }
0x1: {  	s6 =	rddreg [dreg:$0x0]  }
0x2: {  	s0 =	rddreg [dreg:$0x1]  }
0x3: {  	s7 =	rddreg [dreg:$0x2]  }
0x4: {  	s1 =	rddreg [dreg:$0x3]  }
0x5: {  	s3 =	rddreg [dreg:$0x4]  }
0x6: {  	s21 =	rddreg [dreg:$0x5]  }
0x7: {  	[dreg:$0x7] =	wrdreg s1  }
0x8: {  	s2 =	simm.s32 $0x0;
	s22 =	srdreg.scid;
	[dreg:$0x8] =	wrdreg s21  }
0x9: {  	s5 =	stileid.u32;
	[smem:$0x7FF] =	sst s2  }
0xa: {  	s1 =	sand.u32 $0x1, s22;
	s4 =	sadd.s32 $0x189400, s0;
	s5 =	sshll.u32 s5, $0x1  }
0xb: {  	s23 =	sadd.s32 $0x198A00, s0;
	_ =	strace $0x80000047;
	[dreg:$0x9] =	wrdreg s4  }
0xc: {  	s8 =	sadd.s32 $0x1A8000, s0;
	s24 =	sadd.s32 $0x1B7600, s0;
	[dreg:$0xa] =	wrdreg s23  }
0xd: {  	s25 =	sadd.s32 $0x1C6C00, s0;
	s5 =	sor.u32 s1, s5;
	[dreg:$0xb] =	wrdreg s8  }
0xe: {  	s11 =	sadd.s32 $0x29600, s0;
	[dreg:$0xc] =	wrdreg s24;
	s9 =	sshll.u32 s5, $0x4  }
0xf: {  	[dreg:$0xd] =	wrdreg s25;
	s4 =	smul.u32 $0x50, s5;
	s6 =	sadd.s32 s6, s9  }
0x10: {  	s26 =	smul.u32 $0x180, s5;
	s7 =	sadd.s32 s7, s9;
	[dreg:$0xe] =	wrdreg s6  }
0x11: {  	s13 =	smul.u32 $0x50000, s5;
	[dreg:$0xf] =	wrdreg s7;
	s6 =	simm.s32 $0x780  }
0x12: {  	s10 =	sadd.s32 s4, s0;
	s8 =	sadd.s32 s26, s0;
	[smem:$0x7F2] =	sst s6  }
0x13: {  	s7 =	sshrl.u32 s13, $0x3;
	s9 =	sadd.s32 $0x2A00, s10;
	s6 =	rddreg [dreg:$0xe]  }
0x14: {  	s12 =	sadd.s32 $0x3400, s8;
	s7 =	sadd.s32 s11, s7;
	[dreg:$0x10] =	wrdreg s9  }
0x15: {  	[dreg:$0x11] =	wrdreg s12;
	s17 =	sadd.s32 $0x2000, s7  }
0x16: {  	s18 =	sadd.s32 $0x2800, s7;
	[dreg:$0x15] =	wrdreg s17  }
0x17: {  	s19 =	sadd.s32 $0x3000, s7;
	[dreg:$0x16] =	wrdreg s18  }
0x18: {  	s20 =	sadd.s32 $0x3800, s7;
	[dreg:$0x17] =	wrdreg s19  }
0x19: {  	s21 =	sadd.s32 $0x4000, s7;
	[dreg:$0x18] =	wrdreg s20  }
0x1a: {  	s22 =	sadd.s32 $0x4800, s7;
	[dreg:$0x19] =	wrdreg s21  }
0x1b: {  	s23 =	sadd.s32 $0x5000, s7;
	[dreg:$0x1a] =	wrdreg s22  }
0x1c: {  	s29 =	simm.s32 $0x100;
	s24 =	sadd.s32 $0x5800, s7;
	[dreg:$0x1b] =	wrdreg s23  }
0x1d: {  	s28 =	simm.s32 $0xF80;
	s25 =	sadd.s32 $0x6000, s7;
	[dreg:$0x1c] =	wrdreg s24  }
0x1e: {  	s30 =	simm.s32 $0x19480;
	s26 =	sadd.s32 $0x6800, s7;
	[dreg:$0x1d] =	wrdreg s25  }
0x1f: {  	p0 =	por $0x0, $0x0;
	s8 =	sadd.s32 $0x7000, s7;
	[dreg:$0x1e] =	wrdreg s26  }
0x20: {  	s10 =	smul.u32 $0xA000, s5;
	s9 =	sadd.s32 $0x7800, s7;
	[dreg:$0x1f] =	wrdreg s8  }
0x21: {  	s1 =	ssub.s32 $0x2, s1;
	s12 =	sadd.s32 $0x8800, s7;
	[smem:$0x7DF] =	sst s9  }
0x22: {  	s13 =	sadd.s32 $0x9000, s7;
	s31 =	sadd.s32 s11, s10;
	[smem:$0x7E1] =	sst s12  }
0x23: {  	s10 =	sadd.s32 $0x8000, s7;
	s11 =	sshll.u32 s5, $0xB;
	[smem:$0x7E2] =	sst s13  }
0x24: {  	s5 =	smul.u32 $0x280, s5;
	s21 =	simm.s32 $0x400;
	[smem:$0x7E0] =	sst s10  }
0x25: {  	s20 =	sshrl.u32 s1, $0x1;
	s22 =	simm.s32 $0x480;
	[smem:$0x7EB] =	sst s21  }
0x26: {  	s23 =	simm.s32 $0x500;
	s24 =	simm.s32 $0x580;
	[smem:$0x7EC] =	sst s22  }
0x27: {  	s25 =	simm.s32 $0x600;
	s26 =	simm.s32 $0x680;
	[smem:$0x7ED] =	sst s23  }
0x28: {  	s9 =	simm.s32 $0x880;
	s12 =	simm.s32 $0x900;
	[smem:$0x7EE] =	sst s24  }
0x29: {  	s13 =	simm.s32 $0x980;
	s14 =	sadd.s32 $0x800, s31;
	[smem:$0x7EF] =	sst s25  }
0x2a: {  	s15 =	sadd.s32 $0x1000, s31;
	s16 =	sadd.s32 $0x1800, s31;
	[smem:$0x7F0] =	sst s26  }
0x2b: {  	s8 =	sadd.s32 s11, s0;
	s0 =	sadd.s32 $0x6400, s0;
	[smem:$0x7F4] =	sst s9  }
0x2c: {  	s1 =	ssub.s32 s1, s20;
	s11 =	simm.s32 $0x280;
	[smem:$0x7F5] =	sst s12  }
0x2d: {  	s10 =	simm.s32 $0x19200;
	s12 =	simm.s32 $0x19700;
	[smem:$0x7F6] =	sst s13  }
0x2e: {  	s13 =	simm.s32 $0x19980;
	s22 =	simm.s32 $0x8F80;
	[dreg:$0x12] =	wrdreg s14  }
0x2f: {  	s21 =	simm.s32 $0xCF80;
	s20 =	simm.s32 $0x10F80;
	[dreg:$0x13] =	wrdreg s15  }
0x30: {  	s23 =	simm.s32 $0xC00;
	s24 =	simm.s32 $0xC80;
	[dreg:$0x14] =	wrdreg s16  }
0x31: {  	s25 =	simm.s32 $0x1;
	s26 =	simm.s32 $0xD00;
	[smem:$0x7FB] =	sst s23  }
0x32: {  	s9 =	simm.s32 $0x7;
	s14 =	sadd.s32 $0x9800, s7;
	[smem:$0x7FC] =	sst s24  }
0x33: {  	s15 =	sadd.s32 $0x9600, s8;
	s16 =	sadd.s32 $0x19600, s8;
	[smem:$0x7FD] =	sst s26  }
0x34: {  	s5 =	sshrl.u32 s5, $0x3;
	s4 =	sadd.s32 s0, s4;
	[smem:$0x7E3] =	sst s14  }
0x35: {  	s1 =	smax.u32 s1, $0x1;
	s7 =	simm.s32 $0x800;
	[smem:$0x7E4] =	sst s15  }
0x36: {  	s8 =	simm.s32 $0x18F80;
	s24 =	simm.s32 $0x2;
	[smem:$0x7E5] =	sst s16  }
0x37: {  	s26 =	simm.s32 $0x3;
	s23 =	simm.s32 $0x4;
	[smem:$0x7E6] =	sst s4  }
0x38: {  	s0 =	sadd.s32 s0, s5;
	s5 =	simm.s32 $0x700;
	[smem:$0x7F3] =	sst s7  }
0x39: {  	s16 =	simm.s32 $0x80;
	s15 =	simm.s32 $0xA00;
	[smem:$0x7F1] =	sst s5  }
0x3a: {  	s14 =	simm.s32 $0x4F80;
	s17 =	sadd.s32 $0xA00, s0;
	[smem:$0x7F7] =	sst s15  }
0x3b: {  	s4 =	simm.s32 $0x5;
	s18 =	sadd.s32 $0x1400, s0;
	[smem:$0x7E7] =	sst s17  }
0x3c: {  	p1 =	sne.s32 s1, $0x1;
	s19 =	sadd.s32 $0x1E00, s0;
	[smem:$0x7E8] =	sst s18  }
0x3d: {  	s1 =	sadd.s32 $0xFFFFFFFF, s1;
	s0 =	sadd.s32 $0x2800, s0;
	[smem:$0x7E9] =	sst s19  }
.Ltmp0:
0x3e: {  	[smem:$0x7EA] =	sst s0;
	s17 =	simm.s32 $0xA80;
	(pc) =	sbr.rel @!p1 .LBB2_5-.Ltmp0, $4  }
0x3f: {  	s7 =	simm.s32 $0x8;
	s18 =	simm.s32 $0xB00;
	[smem:$0x7F8] =	sst s17  }
0x40: {  	s5 =	simm.s32 $0x6;
	s19 =	simm.s32 $0xB80;
	[smem:$0x7F9] =	sst s18  }
0x41: {  	s15 =	simm.s32 $0xA;
	s0 =	simm.s32 $0x9;
	[smem:$0x7FA] =	sst s19  }
0x42: {  	s19 =	simm.s32 $0x14F80;
	s18 =	simm.s32 $0xB;
	s17 =	simm.s32 $0xC  }
0x43: {  	[smem:$0x7DD] =	sst s1  }
0x44: {  	[tilespmem:s2], [sflag:$0x9] =	stream.linear.gather [hbm4b:s6+s2], $0x80, $0x38;
	[tilespmem:$0x19C00] =	vst v63  }
0x45: {  	s28 =	rddreg [dreg:$0xf]  }
0x46: {  	[tilespmem:s16], [sflag:$0x9] =	stream.linear.gather [hbm4b:s28+s2], $0x80, $0x38;
	[tilespmem:$0x19C00] =	vst v63  }
0x47: {  	s30 =	rddreg [dreg:$0x10]  }
0x48: {  	[tilespmem:s29], [sflag:$0x9] =	stream.linear.gather [hbm4b:s30+s2], $0x280, $0x38;
	[tilespmem:$0x19C00] =	vst v63  }
0x49: {  	s1 =	rddreg [dreg:$0x11];
	s12 =	simm.s32 $0x380  }
0x4a: {  	[tilespmem:s12], [sflag:$0x9] =	stream.linear.gather [hbm4b:s1+s2], $0xA00, $0x38;
	[tilespmem:$0x19C00] =	vst v63  }
0x4b: {  	_ =	swait.ge [sflag:s0], $0x80  }
0x4c: {  	[sflag:s0] =	ssyncset.done $0x0  }
0x4d: {  	[sflag:s0] =	ssyncadd.s32 $0xFFFFFF80  }
0x4e: {  	_ =	swait.ge [sflag:s0], $0x80  }
0x4f: {  	[sflag:s0] =	ssyncset.done $0x0  }
0x50: {  	[sflag:s0] =	ssyncadd.s32 $0xFFFFFF80  }
0x51: {  	_ =	swait.ge [sflag:s0], $0x280  }
0x52: {  	[sflag:s0] =	ssyncset.done $0x0  }
0x53: {  	[sflag:s0] =	ssyncadd.s32 $0xFFFFFD80  }
0x54: {  	_ =	swait.ge [sflag:s0], $0xA00  }
0x55: {  	[sflag:s0] =	ssyncset.done $0x0  }
0x56: {  	s8 =	simm.s32 $0xF80;
	s1 =	rddreg [dreg:$0x7];
	[sflag:s0] =	ssyncadd.s32 $0xFFFFF600  }
0x57: {  	[tilespmem:s8], [sflag:$0xB] =	stream.indirect.gather [hbm4b:s1+s16], $0x80, s2, s16, $0xb8;
	[tilespmem:$0x19C00] =	vst v63  }
0x58: {  	s28 =	simm.s32 $0x4F80;
	s6 =	rddreg [dreg:$0x8]  }
0x59: {  	[tilespmem:s28], [sflag:$0xC] =	stream.indirect.gather [hbm4b:s6+s16], $0x80, s16, s16, $0xb8;
	[tilespmem:$0x19C00] =	vst v63  }
0x5a: {  	s13 =	simm.s32 $0x18F80;
	s1 =	rddreg [dreg:$0x9]  }
0x5b: {  	[tilespmem:s13], [sflag:$0xA] =	stream.indirect.gather [hbm4b:s1+s11], $0x1, s29, s11, $0xb8;
	[tilespmem:$0x19C00] =	vst v63  }
0x5c: {  	s30 =	simm.s32 $0x19200;
	s8 =	rddreg [dreg:$0xa]  }
0x5d: {  	[tilespmem:s30], [sflag:$0xA] =	stream.indirect.gather [hbm4b:s8+s11], $0x1, s29, s11, $0xb8;
	[tilespmem:$0x19C00] =	vst v63  }
0x5e: {  	s10 =	simm.s32 $0x19480;
	s1 =	rddreg [dreg:$0xb]  }
0x5f: {  	[tilespmem:s10], [sflag:$0xA] =	stream.indirect.gather [hbm4b:s1+s11], $0x1, s29, s11, $0xb8;
	[tilespmem:$0x19C00] =	vst v63  }
0x60: {  	s14 =	simm.s32 $0x19700;
	s8 =	rddreg [dreg:$0xc]  }
0x61: {  	[tilespmem:s14], [sflag:$0xA] =	stream.indirect.gather [hbm4b:s8+s11], $0x1, s29, s11, $0xb8;
	[tilespmem:$0x19C00] =	vst v63  }
0x62: {  	s1 =	rddreg [dreg:$0xd];
	s8 =	simm.s32 $0x19980  }
0x63: {  	[tilespmem:s8], [sflag:$0xA] =	stream.indirect.gather [hbm4b:s1+s11], $0x1, s29, s11, $0xb8;
	[tilespmem:$0x19C00] =	vst v63  }
0x64: {  	s11 =	sld [smem:$0x7EB]  }
0x65: {  	[tilespmem:s22], [sflag:$0x1] =	stream.indirect.gather [hbm4b:s3+s16], $0x80, s12, s16, $0xb8;
	[tilespmem:$0x19C00] =	vst v63  }
0x66: {  	s12 =	sld [smem:$0x7EC]  }
0x67: {  	[tilespmem:s21], [sflag:$0x2] =	stream.indirect.gather [hbm4b:s3+s16], $0x80, s11, s16, $0xb8;
	[tilespmem:$0x19C00] =	vst v63  }
0x68: {  	s14 =	sld [smem:$0x7ED]  }
0x69: {  	[tilespmem:s20], [sflag:$0x3] =	stream.indirect.gather [hbm4b:s3+s16], $0x80, s12, s16, $0xb8;
	[tilespmem:$0x19C00] =	vst v63  }
0x6a: {  	_ = 	snop  }
0x6b: {  	[tilespmem:s19], [sflag:$0x4] =	stream.indirect.gather [hbm4b:s3+s16], $0x80, s14, s16, $0xb8;
	[tilespmem:$0x19C00] =	vst v63  }
0x6c: {  	_ =	swait.ge [sflag:s25], $0x4000  }
0x6d: {  	[sflag:s25] =	ssyncset.done $0x0  }
0x6e: {  	[sflag:s25] =	ssyncadd.s32 $0xFFFFC000  }
0x6f: {  	[hbm4b:s31+s2] =	stream.linear.scatter [tilespmem:s22], [sflag:$0x5], $0x4000, $0x38;
	[tilespmem:$0x19C00] =	vst v63  }
0x70: {  	_ =	swait.ge [sflag:s4], $0x4000  }
0x71: {  	s11 =	sld [smem:$0x7EE]  }
0x72: {  	[sflag:s4] =	ssyncset.done $0x0  }
0x73: {  	[sflag:s4] =	ssyncadd.s32 $0xFFFFC000  }
0x74: {  	[tilespmem:s22], [sflag:$0x1] =	stream.indirect.gather [hbm4b:s3+s16], $0x80, s11, s16, $0xb8;
	[tilespmem:$0x19C00] =	vst v63  }
0x75: {  	_ =	swait.ge [sflag:s24], $0x4000  }
0x76: {  	[sflag:s24] =	ssyncset.done $0x0  }
0x77: {  	s12 =	rddreg [dreg:$0x12];
	[sflag:s24] =	ssyncadd.s32 $0xFFFFC000  }
0x78: {  	[hbm4b:s12+s2] =	stream.linear.scatter [tilespmem:s21], [sflag:$0x6], $0x4000, $0x38;
	[tilespmem:$0x19C00] =	vst v63  }
0x79: {  	_ =	swait.ge [sflag:s5], $0x4000  }
0x7a: {  	s14 =	sld [smem:$0x7EF]  }
0x7b: {  	[sflag:s5] =	ssyncset.done $0x0  }
0x7c: {  	[sflag:s5] =	ssyncadd.s32 $0xFFFFC000  }
0x7d: {  	[tilespmem:s21], [sflag:$0x2] =	stream.indirect.gather [hbm4b:s3+s16], $0x80, s14, s16, $0xb8;
	[tilespmem:$0x19C00] =	vst v63  }
0x7e: {  	_ =	swait.ge [sflag:s26], $0x4000  }
0x7f: {  	[sflag:s26] =	ssyncset.done $0x0  }
0x80: {  	s6 =	rddreg [dreg:$0x13];
	[sflag:s26] =	ssyncadd.s32 $0xFFFFC000  }
0x81: {  	[hbm4b:s6+s2] =	stream.linear.scatter [tilespmem:s20], [sflag:$0x7], $0x4000, $0x38;
	[tilespmem:$0x19C00] =	vst v63  }
0x82: {  	_ =	swait.ge [sflag:s9], $0x4000  }
0x83: {  	s11 =	sld [smem:$0x7F0]  }
0x84: {  	[sflag:s9] =	ssyncset.done $0x0  }
0x85: {  	[sflag:s9] =	ssyncadd.s32 $0xFFFFC000  }
0x86: {  	[tilespmem:s20], [sflag:$0x3] =	stream.indirect.gather [hbm4b:s3+s16], $0x80, s11, s16, $0xb8;
	[tilespmem:$0x19C00] =	vst v63  }
0x87: {  	_ =	swait.ge [sflag:s23], $0x4000  }
0x88: {  	[sflag:s23] =	ssyncset.done $0x0  }
0x89: {  	s12 =	rddreg [dreg:$0x14];
	[sflag:s23] =	ssyncadd.s32 $0xFFFFC000  }
0x8a: {  	[hbm4b:s12+s2] =	stream.linear.scatter [tilespmem:s19], [sflag:$0x8], $0x4000, $0x38;
	[tilespmem:$0x19C00] =	vst v63  }
0x8b: {  	_ =	swait.ge [sflag:s7], $0x4000  }
0x8c: {  	s14 =	sld [smem:$0x7F1]  }
0x8d: {  	[sflag:s7] =	ssyncset.done $0x0  }
0x8e: {  	[sflag:s7] =	ssyncadd.s32 $0xFFFFC000  }
0x8f: {  	[tilespmem:s19], [sflag:$0x4] =	stream.indirect.gather [hbm4b:s3+s16], $0x80, s14, s16, $0xb8;
	[tilespmem:$0x19C00] =	vst v63  }
0x90: {  	_ =	swait.ge [sflag:s25], $0x4000  }
0x91: {  	[sflag:s25] =	ssyncset.done $0x0  }
0x92: {  	s6 =	rddreg [dreg:$0x15];
	[sflag:s25] =	ssyncadd.s32 $0xFFFFC000  }
0x93: {  	[hbm4b:s6+s2] =	stream.linear.scatter [tilespmem:s22], [sflag:$0x5], $0x4000, $0x38;
	[tilespmem:$0x19C00] =	vst v63  }
0x94: {  	_ =	swait.ge [sflag:s4], $0x4000  }
0x95: {  	s11 =	sld [smem:$0x7F2]  }
0x96: {  	[sflag:s4] =	ssyncset.done $0x0  }
0x97: {  	[sflag:s4] =	ssyncadd.s32 $0xFFFFC000  }
0x98: {  	[tilespmem:s22], [sflag:$0x1] =	stream.indirect.gather [hbm4b:s3+s16], $0x80, s11, s16, $0xb8;
	[tilespmem:$0x19C00] =	vst v63  }
0x99: {  	_ =	swait.ge [sflag:s24], $0x4000  }
0x9a: {  	[sflag:s24] =	ssyncset.done $0x0  }
0x9b: {  	s12 =	rddreg [dreg:$0x16];
	[sflag:s24] =	ssyncadd.s32 $0xFFFFC000  }
0x9c: {  	[hbm4b:s12+s2] =	stream.linear.scatter [tilespmem:s21], [sflag:$0x6], $0x4000, $0x38;
	[tilespmem:$0x19C00] =	vst v63  }
0x9d: {  	_ =	swait.ge [sflag:s5], $0x4000  }
0x9e: {  	s14 =	sld [smem:$0x7F3]  }
0x9f: {  	[sflag:s5] =	ssyncset.done $0x0  }
0xa0: {  	[sflag:s5] =	ssyncadd.s32 $0xFFFFC000  }
0xa1: {  	[tilespmem:s21], [sflag:$0x2] =	stream.indirect.gather [hbm4b:s3+s16], $0x80, s14, s16, $0xb8;
	[tilespmem:$0x19C00] =	vst v63  }
0xa2: {  	_ =	swait.ge [sflag:s26], $0x4000  }
0xa3: {  	[sflag:s26] =	ssyncset.done $0x0  }
0xa4: {  	s6 =	rddreg [dreg:$0x17];
	[sflag:s26] =	ssyncadd.s32 $0xFFFFC000  }
0xa5: {  	[hbm4b:s6+s2] =	stream.linear.scatter [tilespmem:s20], [sflag:$0x7], $0x4000, $0x38;
	[tilespmem:$0x19C00] =	vst v63  }
0xa6: {  	_ =	swait.ge [sflag:s9], $0x4000  }
0xa7: {  	s11 =	sld [smem:$0x7F4]  }
0xa8: {  	[sflag:s9] =	ssyncset.done $0x0  }
0xa9: {  	[sflag:s9] =	ssyncadd.s32 $0xFFFFC000  }
0xaa: {  	[tilespmem:s20], [sflag:$0x3] =	stream.indirect.gather [hbm4b:s3+s16], $0x80, s11, s16, $0xb8;
	[tilespmem:$0x19C00] =	vst v63  }
0xab: {  	_ =	swait.ge [sflag:s23], $0x4000  }
0xac: {  	[sflag:s23] =	ssyncset.done $0x0  }
0xad: {  	s12 =	rddreg [dreg:$0x18];
	[sflag:s23] =	ssyncadd.s32 $0xFFFFC000  }
0xae: {  	[hbm4b:s12+s2] =	stream.linear.scatter [tilespmem:s19], [sflag:$0x8], $0x4000, $0x38;
	[tilespmem:$0x19C00] =	vst v63  }
0xaf: {  	_ =	swait.ge [sflag:s7], $0x4000  }
0xb0: {  	s14 =	sld [smem:$0x7F5]  }
0xb1: {  	[sflag:s7] =	ssyncset.done $0x0  }
0xb2: {  	[sflag:s7] =	ssyncadd.s32 $0xFFFFC000  }
0xb3: {  	[tilespmem:s19], [sflag:$0x4] =	stream.indirect.gather [hbm4b:s3+s16], $0x80, s14, s16, $0xb8;
	[tilespmem:$0x19C00] =	vst v63  }
0xb4: {  	_ =	swait.ge [sflag:s25], $0x4000  }
0xb5: {  	[sflag:s25] =	ssyncset.done $0x0  }
0xb6: {  	s6 =	rddreg [dreg:$0x19];
	[sflag:s25] =	ssyncadd.s32 $0xFFFFC000  }
0xb7: {  	[hbm4b:s6+s2] =	stream.linear.scatter [tilespmem:s22], [sflag:$0x5], $0x4000, $0x38;
	[tilespmem:$0x19C00] =	vst v63  }
0xb8: {  	_ =	swait.ge [sflag:s4], $0x4000  }
0xb9: {  	s11 =	sld [smem:$0x7F6]  }
0xba: {  	[sflag:s4] =	ssyncset.done $0x0  }
0xbb: {  	[sflag:s4] =	ssyncadd.s32 $0xFFFFC000  }
0xbc: {  	[tilespmem:s22], [sflag:$0x1] =	stream.indirect.gather [hbm4b:s3+s16], $0x80, s11, s16, $0xb8;
	[tilespmem:$0x19C00] =	vst v63  }
0xbd: {  	_ =	swait.ge [sflag:s24], $0x4000  }
0xbe: {  	[sflag:s24] =	ssyncset.done $0x0  }
0xbf: {  	s12 =	rddreg [dreg:$0x1a];
	[sflag:s24] =	ssyncadd.s32 $0xFFFFC000  }
0xc0: {  	[hbm4b:s12+s2] =	stream.linear.scatter [tilespmem:s21], [sflag:$0x6], $0x4000, $0x38;
	[tilespmem:$0x19C00] =	vst v63  }
0xc1: {  	_ =	swait.ge [sflag:s5], $0x4000  }
0xc2: {  	s14 =	sld [smem:$0x7F7]  }
0xc3: {  	[sflag:s5] =	ssyncset.done $0x0  }
0xc4: {  	[sflag:s5] =	ssyncadd.s32 $0xFFFFC000  }
0xc5: {  	[tilespmem:s21], [sflag:$0x2] =	stream.indirect.gather [hbm4b:s3+s16], $0x80, s14, s16, $0xb8;
	[tilespmem:$0x19C00] =	vst v63  }
0xc6: {  	_ =	swait.ge [sflag:s26], $0x4000  }
0xc7: {  	[sflag:s26] =	ssyncset.done $0x0  }
0xc8: {  	s6 =	rddreg [dreg:$0x1b];
	[sflag:s26] =	ssyncadd.s32 $0xFFFFC000  }
0xc9: {  	[hbm4b:s6+s2] =	stream.linear.scatter [tilespmem:s20], [sflag:$0x7], $0x4000, $0x38;
	[tilespmem:$0x19C00] =	vst v63  }
0xca: {  	_ =	swait.ge [sflag:s9], $0x4000  }
0xcb: {  	s11 =	sld [smem:$0x7F8]  }
0xcc: {  	[sflag:s9] =	ssyncset.done $0x0  }
0xcd: {  	[sflag:s9] =	ssyncadd.s32 $0xFFFFC000  }
0xce: {  	[tilespmem:s20], [sflag:$0x3] =	stream.indirect.gather [hbm4b:s3+s16], $0x80, s11, s16, $0xb8;
	[tilespmem:$0x19C00] =	vst v63  }
0xcf: {  	_ =	swait.ge [sflag:s23], $0x4000  }
0xd0: {  	[sflag:s23] =	ssyncset.done $0x0  }
0xd1: {  	s12 =	rddreg [dreg:$0x1c];
	[sflag:s23] =	ssyncadd.s32 $0xFFFFC000  }
0xd2: {  	[hbm4b:s12+s2] =	stream.linear.scatter [tilespmem:s19], [sflag:$0x8], $0x4000, $0x38;
	[tilespmem:$0x19C00] =	vst v63  }
0xd3: {  	_ =	swait.ge [sflag:s7], $0x4000  }
0xd4: {  	s14 =	sld [smem:$0x7F9]  }
0xd5: {  	[sflag:s7] =	ssyncset.done $0x0  }
0xd6: {  	[sflag:s7] =	ssyncadd.s32 $0xFFFFC000  }
0xd7: {  	[tilespmem:s19], [sflag:$0x4] =	stream.indirect.gather [hbm4b:s3+s16], $0x80, s14, s16, $0xb8;
	[tilespmem:$0x19C00] =	vst v63  }
0xd8: {  	_ =	swait.ge [sflag:s25], $0x4000  }
0xd9: {  	[sflag:s25] =	ssyncset.done $0x0  }
0xda: {  	s6 =	rddreg [dreg:$0x1d];
	[sflag:s25] =	ssyncadd.s32 $0xFFFFC000  }
0xdb: {  	[hbm4b:s6+s2] =	stream.linear.scatter [tilespmem:s22], [sflag:$0x5], $0x4000, $0x38;
	[tilespmem:$0x19C00] =	vst v63  }
0xdc: {  	_ =	swait.ge [sflag:s4], $0x4000  }
0xdd: {  	s11 =	sld [smem:$0x7FA]  }
0xde: {  	[sflag:s4] =	ssyncset.done $0x0  }
0xdf: {  	[sflag:s4] =	ssyncadd.s32 $0xFFFFC000  }
0xe0: {  	[tilespmem:s22], [sflag:$0x1] =	stream.indirect.gather [hbm4b:s3+s16], $0x80, s11, s16, $0xb8;
	[tilespmem:$0x19C00] =	vst v63  }
0xe1: {  	_ =	swait.ge [sflag:s24], $0x4000  }
0xe2: {  	[sflag:s24] =	ssyncset.done $0x0  }
0xe3: {  	s12 =	rddreg [dreg:$0x1e];
	[sflag:s24] =	ssyncadd.s32 $0xFFFFC000  }
0xe4: {  	[hbm4b:s12+s2] =	stream.linear.scatter [tilespmem:s21], [sflag:$0x6], $0x4000, $0x38;
	[tilespmem:$0x19C00] =	vst v63  }
0xe5: {  	_ =	swait.ge [sflag:s5], $0x4000  }
0xe6: {  	s14 =	sld [smem:$0x7FB]  }
0xe7: {  	[sflag:s5] =	ssyncset.done $0x0  }
0xe8: {  	[sflag:s5] =	ssyncadd.s32 $0xFFFFC000  }
0xe9: {  	[tilespmem:s21], [sflag:$0x2] =	stream.indirect.gather [hbm4b:s3+s16], $0x80, s14, s16, $0xb8;
	[tilespmem:$0x19C00] =	vst v63  }
0xea: {  	_ =	swait.ge [sflag:s26], $0x4000  }
0xeb: {  	[sflag:s26] =	ssyncset.done $0x0  }
0xec: {  	s6 =	rddreg [dreg:$0x1f];
	[sflag:s26] =	ssyncadd.s32 $0xFFFFC000  }
0xed: {  	[hbm4b:s6+s2] =	stream.linear.scatter [tilespmem:s20], [sflag:$0x7], $0x4000, $0x38;
	[tilespmem:$0x19C00] =	vst v63  }
0xee: {  	_ =	swait.ge [sflag:s9], $0x4000  }
0xef: {  	s11 =	sld [smem:$0x7FC]  }
0xf0: {  	[sflag:s9] =	ssyncset.done $0x0  }
0xf1: {  	[sflag:s9] =	ssyncadd.s32 $0xFFFFC000  }
0xf2: {  	[tilespmem:s20], [sflag:$0x3] =	stream.indirect.gather [hbm4b:s3+s16], $0x80, s11, s16, $0xb8;
	[tilespmem:$0x19C00] =	vst v63  }
0xf3: {  	_ =	swait.ge [sflag:s23], $0x4000  }
0xf4: {  	s12 =	sld [smem:$0x7DF]  }
0xf5: {  	[sflag:s23] =	ssyncset.done $0x0  }
0xf6: {  	[sflag:s23] =	ssyncadd.s32 $0xFFFFC000  }
0xf7: {  	[hbm4b:s12+s2] =	stream.linear.scatter [tilespmem:s19], [sflag:$0x8], $0x4000, $0x38;
	[tilespmem:$0x19C00] =	vst v63  }
0xf8: {  	_ =	swait.ge [sflag:s7], $0x4000  }
0xf9: {  	s14 =	sld [smem:$0x7FD]  }
0xfa: {  	[sflag:s7] =	ssyncset.done $0x0  }
0xfb: {  	[sflag:s7] =	ssyncadd.s32 $0xFFFFC000  }
0xfc: {  	[tilespmem:s19], [sflag:$0x4] =	stream.indirect.gather [hbm4b:s3+s16], $0x80, s14, s16, $0xb8;
	[tilespmem:$0x19C00] =	vst v63  }
0xfd: {  	_ =	swait.ge [sflag:s25], $0x4000  }
0xfe: {  	s6 =	sld [smem:$0x7E0]  }
0xff: {  	[sflag:s25] =	ssyncset.done $0x0  }
0x100: {  	[sflag:s25] =	ssyncadd.s32 $0xFFFFC000  }
0x101: {  	[hbm4b:s6+s2] =	stream.linear.scatter [tilespmem:s22], [sflag:$0x5], $0x4000, $0x38;
	[tilespmem:$0x19C00] =	vst v63  }
0x102: {  	_ =	swait.ge [sflag:s24], $0x4000  }
0x103: {  	s11 =	sld [smem:$0x7E1]  }
0x104: {  	[sflag:s24] =	ssyncset.done $0x0  }
0x105: {  	[sflag:s24] =	ssyncadd.s32 $0xFFFFC000  }
0x106: {  	[hbm4b:s11+s2] =	stream.linear.scatter [tilespmem:s21], [sflag:$0x6], $0x4000, $0x38;
	[tilespmem:$0x19C00] =	vst v63  }
0x107: {  	_ =	swait.ge [sflag:s26], $0x4000  }
0x108: {  	s12 =	sld [smem:$0x7E2]  }
0x109: {  	[sflag:s26] =	ssyncset.done $0x0  }
0x10a: {  	[sflag:s26] =	ssyncadd.s32 $0xFFFFC000  }
0x10b: {  	[hbm4b:s12+s2] =	stream.linear.scatter [tilespmem:s20], [sflag:$0x7], $0x4000, $0x38;
	[tilespmem:$0x19C00] =	vst v63  }
0x10c: {  	_ =	swait.ge [sflag:s23], $0x4000  }
0x10d: {  	s14 =	sld [smem:$0x7E3]  }
0x10e: {  	[sflag:s23] =	ssyncset.done $0x0  }
0x10f: {  	[sflag:s23] =	ssyncadd.s32 $0xFFFFC000  }
0x110: {  	[hbm4b:s14+s2] =	stream.linear.scatter [tilespmem:s19], [sflag:$0x8], $0x4000, $0x38;
	[tilespmem:$0x19C00] =	vst v63  }
0x111: {  	_ =	swait.ge [sflag:s18], $0x4000  }
0x112: {  	s6 =	sld [smem:$0x7E4]  }
0x113: {  	[sflag:s18] =	ssyncset.done $0x0  }
0x114: {  	s11 =	simm.s32 $0xF80;
	[sflag:s18] =	ssyncadd.s32 $0xFFFFC000  }
0x115: {  	[hbm4b:s6+s2] =	stream.linear.scatter [tilespmem:s11], [sflag:$0xB], $0x4000, $0x38;
	[tilespmem:$0x19C00] =	vst v63  }
0x116: {  	_ =	swait.ge [sflag:s17], $0x4000  }
0x117: {  	s12 =	sld [smem:$0x7E5]  }
0x118: {  	[sflag:s17] =	ssyncset.done $0x0  }
0x119: {  	s14 =	simm.s32 $0x4F80;
	[sflag:s17] =	ssyncadd.s32 $0xFFFFC000  }
0x11a: {  	[hbm4b:s12+s2] =	stream.linear.scatter [tilespmem:s14], [sflag:$0xC], $0x4000, $0x38;
	[tilespmem:$0x19C00] =	vst v63  }
0x11b: {  	_ =	swait.ge [sflag:s15], $0x280  }
0x11c: {  	[sflag:s15] =	ssyncset.done $0x0  }
0x11d: {  	[sflag:s15] =	ssyncadd.s32 $0xFFFFFD80  }
0x11e: {  	_ =	swait.ge [sflag:s15], $0x280  }
0x11f: {  	[sflag:s15] =	ssyncset.done $0x0  }
0x120: {  	[sflag:s15] =	ssyncadd.s32 $0xFFFFFD80  }
0x121: {  	_ =	swait.ge [sflag:s15], $0x280  }
0x122: {  	[sflag:s15] =	ssyncset.done $0x0  }
0x123: {  	[sflag:s15] =	ssyncadd.s32 $0xFFFFFD80  }
0x124: {  	_ =	swait.ge [sflag:s15], $0x280  }
0x125: {  	[sflag:s15] =	ssyncset.done $0x0  }
0x126: {  	[sflag:s15] =	ssyncadd.s32 $0xFFFFFD80  }
0x127: {  	_ =	swait.ge [sflag:s15], $0x280  }
0x128: {  	s6 =	sld [smem:$0x7E6]  }
0x129: {  	[sflag:s15] =	ssyncset.done $0x0  }
0x12a: {  	s28 =	simm.s32 $0x18F80;
	s11 =	sld [smem:$0x7E7];
	[sflag:s15] =	ssyncadd.s32 $0xFFFFFD80  }
0x12b: {  	[hbm4b:s6+s2] =	stream.linear.scatter [tilespmem:s28], [sflag:$0xA], $0x280, $0x38;
	[tilespmem:$0x19C00] =	vst v63  }
0x12c: {  	s13 =	simm.s32 $0x19200;
	s12 =	sld [smem:$0x7E8]  }
0x12d: {  	[hbm4b:s11+s2] =	stream.linear.scatter [tilespmem:s13], [sflag:$0xA], $0x280, $0x38;
	[tilespmem:$0x19C00] =	vst v63  }
0x12e: {  	s30 =	simm.s32 $0x19480;
	s14 =	sld [smem:$0x7E9]  }
0x12f: {  	[hbm4b:s12+s2] =	stream.linear.scatter [tilespmem:s30], [sflag:$0xA], $0x280, $0x38;
	[tilespmem:$0x19C00] =	vst v63  }
0x130: {  	s10 =	simm.s32 $0x19700;
	s28 =	sld [smem:$0x7EA]  }
0x131: {  	[hbm4b:s14+s2] =	stream.linear.scatter [tilespmem:s10], [sflag:$0xA], $0x280, $0x38;
	[tilespmem:$0x19C00] =	vst v63  }
0x132: {  	s8 =	simm.s32 $0x19980  }
0x133: {  	[hbm4b:s28+s2] =	stream.linear.scatter [tilespmem:s8], [sflag:$0xA], $0x280, $0x38;
	[tilespmem:$0x19C00] =	vst v63  }
0x134: {  	_ =	swait.ge [sflag:s18], $0x4000  }
0x135: {  	[sflag:s18] =	ssyncset.done $0x0  }
0x136: {  	[sflag:s18] =	ssyncadd.s32 $0xFFFFC000  }
0x137: {  	_ =	swait.ge [sflag:s17], $0x4000  }
0x138: {  	[sflag:s17] =	ssyncset.done $0x0  }
0x139: {  	[sflag:s17] =	ssyncadd.s32 $0xFFFFC000  }
0x13a: {  	_ =	swait.ge [sflag:s15], $0x280  }
0x13b: {  	[sflag:s15] =	ssyncset.done $0x0  }
0x13c: {  	[sflag:s15] =	ssyncadd.s32 $0xFFFFFD80  }
0x13d: {  	_ =	swait.ge [sflag:s15], $0x280  }
0x13e: {  	[sflag:s15] =	ssyncset.done $0x0  }
0x13f: {  	[sflag:s15] =	ssyncadd.s32 $0xFFFFFD80  }
0x140: {  	_ =	swait.ge [sflag:s15], $0x280  }
0x141: {  	[sflag:s15] =	ssyncset.done $0x0  }
0x142: {  	[sflag:s15] =	ssyncadd.s32 $0xFFFFFD80  }
0x143: {  	_ =	swait.ge [sflag:s15], $0x280  }
0x144: {  	[sflag:s15] =	ssyncset.done $0x0  }
0x145: {  	[sflag:s15] =	ssyncadd.s32 $0xFFFFFD80  }
0x146: {  	_ =	swait.ge [sflag:s15], $0x280  }
0x147: {  	[sflag:s15] =	ssyncset.done $0x0  }
0x148: {  	[sflag:s15] =	ssyncadd.s32 $0xFFFFFD80  }
0x149: {  	_ =	swait.ge [sflag:s4], $0x4000  }
0x14a: {  	[sflag:s4] =	ssyncset.done $0x0  }
0x14b: {  	[sflag:s4] =	ssyncadd.s32 $0xFFFFC000  }
0x14c: {  	_ =	swait.ge [sflag:s5], $0x4000  }
0x14d: {  	[sflag:s5] =	ssyncset.done $0x0  }
0x14e: {  	[sflag:s5] =	ssyncadd.s32 $0xFFFFC000  }
0x14f: {  	_ =	swait.ge [sflag:s9], $0x4000  }
0x150: {  	s30 =	sld [smem:$0x7DD];
	_ =	sdelay $0x2  }
0x151: {  	p1 =	sne.s32 s30, $0x1  }
.Ltmp1:
0x152: {  	[sflag:s9] =	ssyncset.done $0x0;
	(pc) =	sbr.rel @!p1 .LBB2_6-.Ltmp1, $4  }
0x153: {  	p0 =	por $0x1, $0x1;
	[sflag:s9] =	ssyncadd.s32 $0xFFFFC000  }
0x154: {  	s29 =	simm.s32 $0xB;
	s11 =	simm.s32 $0x100;
	_ =	swait.ge [sflag:s7], $0x4000  }
0x155: {  	s18 =	simm.s32 $0xC;
	s17 =	simm.s32 $0x280;
	s6 =	rddreg [dreg:$0xe]  }
0x156: {  	s1 =	sadd.s32 $0xFFFFFFFF, s30;
	[sflag:s7] =	ssyncset.done $0x0;
	[smem:$0x7DE] =	sst s31  }
0x157: {  	s31 =	simm.s32 $0xF80;
	s30 =	simm.s32 $0x4F80  }
0x158: {  	s13 =	simm.s32 $0x19480;
	s14 =	simm.s32 $0x19700;
	s28 =	simm.s32 $0x19980  }
.LBB2_3:
0x159: {  	[sflag:s7] =	ssyncadd.s32 $0xFFFFC000  }
0x15a: {  	[tilespmem:s2], [sflag:$0x9] =	stream.linear.gather [hbm4b:s6+s2], $0x80, $0x38;
	[tilespmem:$0x19C00] =	vst v63  }
0x15b: {  	s8 =	rddreg [dreg:$0xf]  }
0x15c: {  	[tilespmem:s16], [sflag:$0x9] =	stream.linear.gather [hbm4b:s8+s2], $0x80, $0x38;
	[tilespmem:$0x19C00] =	vst v63  }
0x15d: {  	s10 =	rddreg [dreg:$0x10]  }
0x15e: {  	[tilespmem:s11], [sflag:$0x9] =	stream.linear.gather [hbm4b:s10+s2], $0x280, $0x38;
	[tilespmem:$0x19C00] =	vst v63  }
0x15f: {  	s12 =	rddreg [dreg:$0x11];
	s10 =	simm.s32 $0x380  }
0x160: {  	[tilespmem:s10], [sflag:$0x9] =	stream.linear.gather [hbm4b:s12+s2], $0xA00, $0x38;
	[tilespmem:$0x19C00] =	vst v63  }
0x161: {  	_ =	swait.ge [sflag:s0], $0x80  }
0x162: {  	[sflag:s0] =	ssyncset.done $0x0  }
0x163: {  	[sflag:s0] =	ssyncadd.s32 $0xFFFFFF80  }
0x164: {  	_ =	swait.ge [sflag:s0], $0x80  }
0x165: {  	[sflag:s0] =	ssyncset.done $0x0  }
0x166: {  	[sflag:s0] =	ssyncadd.s32 $0xFFFFFF80  }
0x167: {  	_ =	swait.ge [sflag:s0], $0x280  }
0x168: {  	[sflag:s0] =	ssyncset.done $0x0  }
0x169: {  	[sflag:s0] =	ssyncadd.s32 $0xFFFFFD80  }
0x16a: {  	_ =	swait.ge [sflag:s0], $0xA00  }
0x16b: {  	[sflag:s0] =	ssyncset.done $0x0  }
0x16c: {  	s8 =	rddreg [dreg:$0x7];
	[sflag:s0] =	ssyncadd.s32 $0xFFFFF600  }
0x16d: {  	[tilespmem:s31], [sflag:$0xB] =	stream.indirect.gather [hbm4b:s8+s16], $0x80, s2, s16, $0xb8;
	[tilespmem:$0x19C00] =	vst v63  }
0x16e: {  	s12 =	rddreg [dreg:$0x8]  }
0x16f: {  	[tilespmem:s30], [sflag:$0xC] =	stream.indirect.gather [hbm4b:s12+s16], $0x80, s16, s16, $0xb8;
	[tilespmem:$0x19C00] =	vst v63  }
0x170: {  	s6 =	rddreg [dreg:$0x9];
	s12 =	simm.s32 $0x18F80  }
0x171: {  	[tilespmem:s12], [sflag:$0xA] =	stream.indirect.gather [hbm4b:s6+s17], $0x1, s11, s17, $0xb8;
	[tilespmem:$0x19C00] =	vst v63  }
0x172: {  	s8 =	rddreg [dreg:$0xa];
	s12 =	simm.s32 $0x19200  }
0x173: {  	[tilespmem:s12], [sflag:$0xA] =	stream.indirect.gather [hbm4b:s8+s17], $0x1, s11, s17, $0xb8;
	[tilespmem:$0x19C00] =	vst v63  }
0x174: {  	s6 =	rddreg [dreg:$0xb]  }
0x175: {  	[tilespmem:s13], [sflag:$0xA] =	stream.indirect.gather [hbm4b:s6+s17], $0x1, s11, s17, $0xb8;
	[tilespmem:$0x19C00] =	vst v63  }
0x176: {  	s8 =	rddreg [dreg:$0xc]  }
0x177: {  	[tilespmem:s14], [sflag:$0xA] =	stream.indirect.gather [hbm4b:s8+s17], $0x1, s11, s17, $0xb8;
	[tilespmem:$0x19C00] =	vst v63  }
0x178: {  	s6 =	rddreg [dreg:$0xd]  }
0x179: {  	[tilespmem:s28], [sflag:$0xA] =	stream.indirect.gather [hbm4b:s6+s17], $0x1, s11, s17, $0xb8;
	[tilespmem:$0x19C00] =	vst v63  }
0x17a: {  	s6 =	sld [smem:$0x7EB]  }
0x17b: {  	[tilespmem:s22], [sflag:$0x1] =	stream.indirect.gather [hbm4b:s3+s16], $0x80, s10, s16, $0xb8;
	[tilespmem:$0x19C00] =	vst v63  }
0x17c: {  	s8 =	sld [smem:$0x7EC]  }
0x17d: {  	[tilespmem:s21], [sflag:$0x2] =	stream.indirect.gather [hbm4b:s3+s16], $0x80, s6, s16, $0xb8;
	[tilespmem:$0x19C00] =	vst v63  }
0x17e: {  	s10 =	sld [smem:$0x7ED]  }
0x17f: {  	[tilespmem:s20], [sflag:$0x3] =	stream.indirect.gather [hbm4b:s3+s16], $0x80, s8, s16, $0xb8;
	[tilespmem:$0x19C00] =	vst v63  }
0x180: {  	_ = 	snop  }
0x181: {  	[tilespmem:s19], [sflag:$0x4] =	stream.indirect.gather [hbm4b:s3+s16], $0x80, s10, s16, $0xb8;
	[tilespmem:$0x19C00] =	vst v63  }
0x182: {  	_ =	swait.ge [sflag:s25], $0x4000  }
0x183: {  	s10 =	sld [smem:$0x7DE]  }
0x184: {  	[sflag:s25] =	ssyncset.done $0x0  }
0x185: {  	[sflag:s25] =	ssyncadd.s32 $0xFFFFC000  }
0x186: {  	[hbm4b:s10+s2] =	stream.linear.scatter [tilespmem:s22], [sflag:$0x5], $0x4000, $0x38;
	[tilespmem:$0x19C00] =	vst v63  }
0x187: {  	_ =	swait.ge [sflag:s4], $0x4000  }
0x188: {  	s8 =	sld [smem:$0x7EE]  }
0x189: {  	[sflag:s4] =	ssyncset.done $0x0  }
0x18a: {  	[sflag:s4] =	ssyncadd.s32 $0xFFFFC000  }
0x18b: {  	[tilespmem:s22], [sflag:$0x1] =	stream.indirect.gather [hbm4b:s3+s16], $0x80, s8, s16, $0xb8;
	[tilespmem:$0x19C00] =	vst v63  }
0x18c: {  	_ =	swait.ge [sflag:s24], $0x4000  }
0x18d: {  	[sflag:s24] =	ssyncset.done $0x0  }
0x18e: {  	s10 =	rddreg [dreg:$0x12];
	[sflag:s24] =	ssyncadd.s32 $0xFFFFC000  }
0x18f: {  	[hbm4b:s10+s2] =	stream.linear.scatter [tilespmem:s21], [sflag:$0x6], $0x4000, $0x38;
	[tilespmem:$0x19C00] =	vst v63  }
0x190: {  	_ =	swait.ge [sflag:s5], $0x4000  }
0x191: {  	s8 =	sld [smem:$0x7EF]  }
0x192: {  	[sflag:s5] =	ssyncset.done $0x0  }
0x193: {  	[sflag:s5] =	ssyncadd.s32 $0xFFFFC000  }
0x194: {  	[tilespmem:s21], [sflag:$0x2] =	stream.indirect.gather [hbm4b:s3+s16], $0x80, s8, s16, $0xb8;
	[tilespmem:$0x19C00] =	vst v63  }
0x195: {  	_ =	swait.ge [sflag:s26], $0x4000  }
0x196: {  	[sflag:s26] =	ssyncset.done $0x0  }
0x197: {  	s10 =	rddreg [dreg:$0x13];
	[sflag:s26] =	ssyncadd.s32 $0xFFFFC000  }
0x198: {  	[hbm4b:s10+s2] =	stream.linear.scatter [tilespmem:s20], [sflag:$0x7], $0x4000, $0x38;
	[tilespmem:$0x19C00] =	vst v63  }
0x199: {  	_ =	swait.ge [sflag:s9], $0x4000  }
0x19a: {  	s8 =	sld [smem:$0x7F0]  }
0x19b: {  	[sflag:s9] =	ssyncset.done $0x0  }
0x19c: {  	[sflag:s9] =	ssyncadd.s32 $0xFFFFC000  }
0x19d: {  	[tilespmem:s20], [sflag:$0x3] =	stream.indirect.gather [hbm4b:s3+s16], $0x80, s8, s16, $0xb8;
	[tilespmem:$0x19C00] =	vst v63  }
0x19e: {  	_ =	swait.ge [sflag:s23], $0x4000  }
0x19f: {  	[sflag:s23] =	ssyncset.done $0x0  }
0x1a0: {  	s10 =	rddreg [dreg:$0x14];
	[sflag:s23] =	ssyncadd.s32 $0xFFFFC000  }
0x1a1: {  	[hbm4b:s10+s2] =	stream.linear.scatter [tilespmem:s19], [sflag:$0x8], $0x4000, $0x38;
	[tilespmem:$0x19C00] =	vst v63  }
0x1a2: {  	_ =	swait.ge [sflag:s7], $0x4000  }
0x1a3: {  	s8 =	sld [smem:$0x7F1]  }
0x1a4: {  	[sflag:s7] =	ssyncset.done $0x0  }
0x1a5: {  	[sflag:s7] =	ssyncadd.s32 $0xFFFFC000  }
0x1a6: {  	[tilespmem:s19], [sflag:$0x4] =	stream.indirect.gather [hbm4b:s3+s16], $0x80, s8, s16, $0xb8;
	[tilespmem:$0x19C00] =	vst v63  }
0x1a7: {  	_ =	swait.ge [sflag:s25], $0x4000  }
0x1a8: {  	[sflag:s25] =	ssyncset.done $0x0  }
0x1a9: {  	s10 =	rddreg [dreg:$0x15];
	[sflag:s25] =	ssyncadd.s32 $0xFFFFC000  }
0x1aa: {  	[hbm4b:s10+s2] =	stream.linear.scatter [tilespmem:s22], [sflag:$0x5], $0x4000, $0x38;
	[tilespmem:$0x19C00] =	vst v63  }
0x1ab: {  	_ =	swait.ge [sflag:s4], $0x4000  }
0x1ac: {  	s8 =	sld [smem:$0x7F2]  }
0x1ad: {  	[sflag:s4] =	ssyncset.done $0x0  }
0x1ae: {  	[sflag:s4] =	ssyncadd.s32 $0xFFFFC000  }
0x1af: {  	[tilespmem:s22], [sflag:$0x1] =	stream.indirect.gather [hbm4b:s3+s16], $0x80, s8, s16, $0xb8;
	[tilespmem:$0x19C00] =	vst v63  }
0x1b0: {  	_ =	swait.ge [sflag:s24], $0x4000  }
0x1b1: {  	[sflag:s24] =	ssyncset.done $0x0  }
0x1b2: {  	s10 =	rddreg [dreg:$0x16];
	[sflag:s24] =	ssyncadd.s32 $0xFFFFC000  }
0x1b3: {  	[hbm4b:s10+s2] =	stream.linear.scatter [tilespmem:s21], [sflag:$0x6], $0x4000, $0x38;
	[tilespmem:$0x19C00] =	vst v63  }
0x1b4: {  	_ =	swait.ge [sflag:s5], $0x4000  }
0x1b5: {  	s8 =	sld [smem:$0x7F3]  }
0x1b6: {  	[sflag:s5] =	ssyncset.done $0x0  }
0x1b7: {  	[sflag:s5] =	ssyncadd.s32 $0xFFFFC000  }
0x1b8: {  	[tilespmem:s21], [sflag:$0x2] =	stream.indirect.gather [hbm4b:s3+s16], $0x80, s8, s16, $0xb8;
	[tilespmem:$0x19C00] =	vst v63  }
0x1b9: {  	_ =	swait.ge [sflag:s26], $0x4000  }
0x1ba: {  	[sflag:s26] =	ssyncset.done $0x0  }
0x1bb: {  	s10 =	rddreg [dreg:$0x17];
	[sflag:s26] =	ssyncadd.s32 $0xFFFFC000  }
0x1bc: {  	[hbm4b:s10+s2] =	stream.linear.scatter [tilespmem:s20], [sflag:$0x7], $0x4000, $0x38;
	[tilespmem:$0x19C00] =	vst v63  }
0x1bd: {  	_ =	swait.ge [sflag:s9], $0x4000  }
0x1be: {  	s8 =	sld [smem:$0x7F4]  }
0x1bf: {  	[sflag:s9] =	ssyncset.done $0x0  }
0x1c0: {  	[sflag:s9] =	ssyncadd.s32 $0xFFFFC000  }
0x1c1: {  	[tilespmem:s20], [sflag:$0x3] =	stream.indirect.gather [hbm4b:s3+s16], $0x80, s8, s16, $0xb8;
	[tilespmem:$0x19C00] =	vst v63  }
0x1c2: {  	_ =	swait.ge [sflag:s23], $0x4000  }
0x1c3: {  	[sflag:s23] =	ssyncset.done $0x0  }
0x1c4: {  	s10 =	rddreg [dreg:$0x18];
	[sflag:s23] =	ssyncadd.s32 $0xFFFFC000  }
0x1c5: {  	[hbm4b:s10+s2] =	stream.linear.scatter [tilespmem:s19], [sflag:$0x8], $0x4000, $0x38;
	[tilespmem:$0x19C00] =	vst v63  }
0x1c6: {  	_ =	swait.ge [sflag:s7], $0x4000  }
0x1c7: {  	s8 =	sld [smem:$0x7F5]  }
0x1c8: {  	[sflag:s7] =	ssyncset.done $0x0  }
0x1c9: {  	[sflag:s7] =	ssyncadd.s32 $0xFFFFC000  }
0x1ca: {  	[tilespmem:s19], [sflag:$0x4] =	stream.indirect.gather [hbm4b:s3+s16], $0x80, s8, s16, $0xb8;
	[tilespmem:$0x19C00] =	vst v63  }
0x1cb: {  	_ =	swait.ge [sflag:s25], $0x4000  }
0x1cc: {  	[sflag:s25] =	ssyncset.done $0x0  }
0x1cd: {  	s10 =	rddreg [dreg:$0x19];
	[sflag:s25] =	ssyncadd.s32 $0xFFFFC000  }
0x1ce: {  	[hbm4b:s10+s2] =	stream.linear.scatter [tilespmem:s22], [sflag:$0x5], $0x4000, $0x38;
	[tilespmem:$0x19C00] =	vst v63  }
0x1cf: {  	_ =	swait.ge [sflag:s4], $0x4000  }
0x1d0: {  	s8 =	sld [smem:$0x7F6]  }
0x1d1: {  	[sflag:s4] =	ssyncset.done $0x0  }
0x1d2: {  	[sflag:s4] =	ssyncadd.s32 $0xFFFFC000  }
0x1d3: {  	[tilespmem:s22], [sflag:$0x1] =	stream.indirect.gather [hbm4b:s3+s16], $0x80, s8, s16, $0xb8;
	[tilespmem:$0x19C00] =	vst v63  }
0x1d4: {  	_ =	swait.ge [sflag:s24], $0x4000  }
0x1d5: {  	[sflag:s24] =	ssyncset.done $0x0  }
0x1d6: {  	s10 =	rddreg [dreg:$0x1a];
	[sflag:s24] =	ssyncadd.s32 $0xFFFFC000  }
0x1d7: {  	[hbm4b:s10+s2] =	stream.linear.scatter [tilespmem:s21], [sflag:$0x6], $0x4000, $0x38;
	[tilespmem:$0x19C00] =	vst v63  }
0x1d8: {  	_ =	swait.ge [sflag:s5], $0x4000  }
0x1d9: {  	s8 =	sld [smem:$0x7F7]  }
0x1da: {  	[sflag:s5] =	ssyncset.done $0x0  }
0x1db: {  	[sflag:s5] =	ssyncadd.s32 $0xFFFFC000  }
0x1dc: {  	[tilespmem:s21], [sflag:$0x2] =	stream.indirect.gather [hbm4b:s3+s16], $0x80, s8, s16, $0xb8;
	[tilespmem:$0x19C00] =	vst v63  }
0x1dd: {  	_ =	swait.ge [sflag:s26], $0x4000  }
0x1de: {  	[sflag:s26] =	ssyncset.done $0x0  }
0x1df: {  	s10 =	rddreg [dreg:$0x1b];
	[sflag:s26] =	ssyncadd.s32 $0xFFFFC000  }
0x1e0: {  	[hbm4b:s10+s2] =	stream.linear.scatter [tilespmem:s20], [sflag:$0x7], $0x4000, $0x38;
	[tilespmem:$0x19C00] =	vst v63  }
0x1e1: {  	_ =	swait.ge [sflag:s9], $0x4000  }
0x1e2: {  	s8 =	sld [smem:$0x7F8]  }
0x1e3: {  	[sflag:s9] =	ssyncset.done $0x0  }
0x1e4: {  	[sflag:s9] =	ssyncadd.s32 $0xFFFFC000  }
0x1e5: {  	[tilespmem:s20], [sflag:$0x3] =	stream.indirect.gather [hbm4b:s3+s16], $0x80, s8, s16, $0xb8;
	[tilespmem:$0x19C00] =	vst v63  }
0x1e6: {  	_ =	swait.ge [sflag:s23], $0x4000  }
0x1e7: {  	[sflag:s23] =	ssyncset.done $0x0  }
0x1e8: {  	s10 =	rddreg [dreg:$0x1c];
	[sflag:s23] =	ssyncadd.s32 $0xFFFFC000  }
0x1e9: {  	[hbm4b:s10+s2] =	stream.linear.scatter [tilespmem:s19], [sflag:$0x8], $0x4000, $0x38;
	[tilespmem:$0x19C00] =	vst v63  }
0x1ea: {  	_ =	swait.ge [sflag:s7], $0x4000  }
0x1eb: {  	s8 =	sld [smem:$0x7F9]  }
0x1ec: {  	[sflag:s7] =	ssyncset.done $0x0  }
0x1ed: {  	[sflag:s7] =	ssyncadd.s32 $0xFFFFC000  }
0x1ee: {  	[tilespmem:s19], [sflag:$0x4] =	stream.indirect.gather [hbm4b:s3+s16], $0x80, s8, s16, $0xb8;
	[tilespmem:$0x19C00] =	vst v63  }
0x1ef: {  	_ =	swait.ge [sflag:s25], $0x4000  }
0x1f0: {  	[sflag:s25] =	ssyncset.done $0x0  }
0x1f1: {  	s10 =	rddreg [dreg:$0x1d];
	[sflag:s25] =	ssyncadd.s32 $0xFFFFC000  }
0x1f2: {  	[hbm4b:s10+s2] =	stream.linear.scatter [tilespmem:s22], [sflag:$0x5], $0x4000, $0x38;
	[tilespmem:$0x19C00] =	vst v63  }
0x1f3: {  	_ =	swait.ge [sflag:s4], $0x4000  }
0x1f4: {  	s8 =	sld [smem:$0x7FA]  }
0x1f5: {  	[sflag:s4] =	ssyncset.done $0x0  }
0x1f6: {  	[sflag:s4] =	ssyncadd.s32 $0xFFFFC000  }
0x1f7: {  	[tilespmem:s22], [sflag:$0x1] =	stream.indirect.gather [hbm4b:s3+s16], $0x80, s8, s16, $0xb8;
	[tilespmem:$0x19C00] =	vst v63  }
0x1f8: {  	_ =	swait.ge [sflag:s24], $0x4000  }
0x1f9: {  	[sflag:s24] =	ssyncset.done $0x0  }
0x1fa: {  	s10 =	rddreg [dreg:$0x1e];
	[sflag:s24] =	ssyncadd.s32 $0xFFFFC000  }
0x1fb: {  	[hbm4b:s10+s2] =	stream.linear.scatter [tilespmem:s21], [sflag:$0x6], $0x4000, $0x38;
	[tilespmem:$0x19C00] =	vst v63  }
0x1fc: {  	_ =	swait.ge [sflag:s5], $0x4000  }
0x1fd: {  	s8 =	sld [smem:$0x7FB]  }
0x1fe: {  	[sflag:s5] =	ssyncset.done $0x0  }
0x1ff: {  	[sflag:s5] =	ssyncadd.s32 $0xFFFFC000  }
0x200: {  	[tilespmem:s21], [sflag:$0x2] =	stream.indirect.gather [hbm4b:s3+s16], $0x80, s8, s16, $0xb8;
	[tilespmem:$0x19C00] =	vst v63  }
0x201: {  	_ =	swait.ge [sflag:s26], $0x4000  }
0x202: {  	[sflag:s26] =	ssyncset.done $0x0  }
0x203: {  	s10 =	rddreg [dreg:$0x1f];
	[sflag:s26] =	ssyncadd.s32 $0xFFFFC000  }
0x204: {  	[hbm4b:s10+s2] =	stream.linear.scatter [tilespmem:s20], [sflag:$0x7], $0x4000, $0x38;
	[tilespmem:$0x19C00] =	vst v63  }
0x205: {  	_ =	swait.ge [sflag:s9], $0x4000  }
0x206: {  	s8 =	sld [smem:$0x7FC]  }
0x207: {  	[sflag:s9] =	ssyncset.done $0x0  }
0x208: {  	[sflag:s9] =	ssyncadd.s32 $0xFFFFC000  }
0x209: {  	[tilespmem:s20], [sflag:$0x3] =	stream.indirect.gather [hbm4b:s3+s16], $0x80, s8, s16, $0xb8;
	[tilespmem:$0x19C00] =	vst v63  }
0x20a: {  	_ =	swait.ge [sflag:s23], $0x4000  }
0x20b: {  	s10 =	sld [smem:$0x7DF]  }
0x20c: {  	[sflag:s23] =	ssyncset.done $0x0  }
0x20d: {  	[sflag:s23] =	ssyncadd.s32 $0xFFFFC000  }
0x20e: {  	[hbm4b:s10+s2] =	stream.linear.scatter [tilespmem:s19], [sflag:$0x8], $0x4000, $0x38;
	[tilespmem:$0x19C00] =	vst v63  }
0x20f: {  	_ =	swait.ge [sflag:s7], $0x4000  }
0x210: {  	s8 =	sld [smem:$0x7FD]  }
0x211: {  	[sflag:s7] =	ssyncset.done $0x0  }
0x212: {  	[sflag:s7] =	ssyncadd.s32 $0xFFFFC000  }
0x213: {  	[tilespmem:s19], [sflag:$0x4] =	stream.indirect.gather [hbm4b:s3+s16], $0x80, s8, s16, $0xb8;
	[tilespmem:$0x19C00] =	vst v63  }
0x214: {  	_ =	swait.ge [sflag:s25], $0x4000  }
0x215: {  	s10 =	sld [smem:$0x7E0]  }
0x216: {  	[sflag:s25] =	ssyncset.done $0x0  }
0x217: {  	[sflag:s25] =	ssyncadd.s32 $0xFFFFC000  }
0x218: {  	[hbm4b:s10+s2] =	stream.linear.scatter [tilespmem:s22], [sflag:$0x5], $0x4000, $0x38;
	[tilespmem:$0x19C00] =	vst v63  }
0x219: {  	_ =	swait.ge [sflag:s24], $0x4000  }
0x21a: {  	s8 =	sld [smem:$0x7E1]  }
0x21b: {  	[sflag:s24] =	ssyncset.done $0x0  }
0x21c: {  	[sflag:s24] =	ssyncadd.s32 $0xFFFFC000  }
0x21d: {  	[hbm4b:s8+s2] =	stream.linear.scatter [tilespmem:s21], [sflag:$0x6], $0x4000, $0x38;
	[tilespmem:$0x19C00] =	vst v63  }
0x21e: {  	_ =	swait.ge [sflag:s26], $0x4000  }
0x21f: {  	s10 =	sld [smem:$0x7E2]  }
0x220: {  	[sflag:s26] =	ssyncset.done $0x0  }
0x221: {  	[sflag:s26] =	ssyncadd.s32 $0xFFFFC000  }
0x222: {  	[hbm4b:s10+s2] =	stream.linear.scatter [tilespmem:s20], [sflag:$0x7], $0x4000, $0x38;
	[tilespmem:$0x19C00] =	vst v63  }
0x223: {  	_ =	swait.ge [sflag:s23], $0x4000  }
0x224: {  	s8 =	sld [smem:$0x7E3]  }
0x225: {  	[sflag:s23] =	ssyncset.done $0x0  }
0x226: {  	[sflag:s23] =	ssyncadd.s32 $0xFFFFC000  }
0x227: {  	[hbm4b:s8+s2] =	stream.linear.scatter [tilespmem:s19], [sflag:$0x8], $0x4000, $0x38;
	[tilespmem:$0x19C00] =	vst v63  }
0x228: {  	_ =	swait.ge [sflag:s29], $0x4000  }
0x229: {  	s10 =	sld [smem:$0x7E4]  }
0x22a: {  	[sflag:s29] =	ssyncset.done $0x0  }
0x22b: {  	[sflag:s29] =	ssyncadd.s32 $0xFFFFC000  }
0x22c: {  	[hbm4b:s10+s2] =	stream.linear.scatter [tilespmem:s31], [sflag:$0xB], $0x4000, $0x38;
	[tilespmem:$0x19C00] =	vst v63  }
0x22d: {  	_ =	swait.ge [sflag:s18], $0x4000  }
0x22e: {  	s8 =	sld [smem:$0x7E5]  }
0x22f: {  	[sflag:s18] =	ssyncset.done $0x0  }
0x230: {  	[sflag:s18] =	ssyncadd.s32 $0xFFFFC000  }
0x231: {  	[hbm4b:s8+s2] =	stream.linear.scatter [tilespmem:s30], [sflag:$0xC], $0x4000, $0x38;
	[tilespmem:$0x19C00] =	vst v63  }
0x232: {  	_ =	swait.ge [sflag:s15], $0x280  }
0x233: {  	[sflag:s15] =	ssyncset.done $0x0  }
0x234: {  	[sflag:s15] =	ssyncadd.s32 $0xFFFFFD80  }
0x235: {  	_ =	swait.ge [sflag:s15], $0x280  }
0x236: {  	[sflag:s15] =	ssyncset.done $0x0  }
0x237: {  	[sflag:s15] =	ssyncadd.s32 $0xFFFFFD80  }
0x238: {  	_ =	swait.ge [sflag:s15], $0x280  }
0x239: {  	[sflag:s15] =	ssyncset.done $0x0  }
0x23a: {  	[sflag:s15] =	ssyncadd.s32 $0xFFFFFD80  }
0x23b: {  	_ =	swait.ge [sflag:s15], $0x280  }
0x23c: {  	[sflag:s15] =	ssyncset.done $0x0  }
0x23d: {  	[sflag:s15] =	ssyncadd.s32 $0xFFFFFD80  }
0x23e: {  	_ =	swait.ge [sflag:s15], $0x280  }
0x23f: {  	s6 =	sld [smem:$0x7E6]  }
0x240: {  	[sflag:s15] =	ssyncset.done $0x0  }
0x241: {  	s10 =	simm.s32 $0x18F80;
	s8 =	sld [smem:$0x7E7];
	[sflag:s15] =	ssyncadd.s32 $0xFFFFFD80  }
0x242: {  	[hbm4b:s6+s2] =	stream.linear.scatter [tilespmem:s10], [sflag:$0xA], $0x280, $0x38;
	[tilespmem:$0x19C00] =	vst v63  }
0x243: {  	s6 =	sld [smem:$0x7E8]  }
0x244: {  	[hbm4b:s8+s2] =	stream.linear.scatter [tilespmem:s12], [sflag:$0xA], $0x280, $0x38;
	[tilespmem:$0x19C00] =	vst v63  }
0x245: {  	s10 =	sld [smem:$0x7E9]  }
0x246: {  	[hbm4b:s6+s2] =	stream.linear.scatter [tilespmem:s13], [sflag:$0xA], $0x280, $0x38;
	[tilespmem:$0x19C00] =	vst v63  }
0x247: {  	s12 =	sld [smem:$0x7EA]  }
0x248: {  	[hbm4b:s10+s2] =	stream.linear.scatter [tilespmem:s14], [sflag:$0xA], $0x280, $0x38;
	[tilespmem:$0x19C00] =	vst v63  }
0x249: {  	_ = 	snop  }
0x24a: {  	[hbm4b:s12+s2] =	stream.linear.scatter [tilespmem:s28], [sflag:$0xA], $0x280, $0x38;
	[tilespmem:$0x19C00] =	vst v63  }
0x24b: {  	_ =	swait.ge [sflag:s29], $0x4000  }
0x24c: {  	[sflag:s29] =	ssyncset.done $0x0  }
0x24d: {  	[sflag:s29] =	ssyncadd.s32 $0xFFFFC000  }
0x24e: {  	_ =	swait.ge [sflag:s18], $0x4000  }
0x24f: {  	[sflag:s18] =	ssyncset.done $0x0  }
0x250: {  	[sflag:s18] =	ssyncadd.s32 $0xFFFFC000  }
0x251: {  	_ =	swait.ge [sflag:s15], $0x280  }
0x252: {  	[sflag:s15] =	ssyncset.done $0x0  }
0x253: {  	[sflag:s15] =	ssyncadd.s32 $0xFFFFFD80  }
0x254: {  	_ =	swait.ge [sflag:s15], $0x280  }
0x255: {  	[sflag:s15] =	ssyncset.done $0x0  }
0x256: {  	[sflag:s15] =	ssyncadd.s32 $0xFFFFFD80  }
0x257: {  	_ =	swait.ge [sflag:s15], $0x280  }
0x258: {  	[sflag:s15] =	ssyncset.done $0x0  }
0x259: {  	[sflag:s15] =	ssyncadd.s32 $0xFFFFFD80  }
0x25a: {  	_ =	swait.ge [sflag:s15], $0x280  }
0x25b: {  	[sflag:s15] =	ssyncset.done $0x0  }
0x25c: {  	[sflag:s15] =	ssyncadd.s32 $0xFFFFFD80  }
0x25d: {  	_ =	swait.ge [sflag:s15], $0x280  }
0x25e: {  	[sflag:s15] =	ssyncset.done $0x0  }
0x25f: {  	[sflag:s15] =	ssyncadd.s32 $0xFFFFFD80  }
0x260: {  	_ =	swait.ge [sflag:s4], $0x4000  }
0x261: {  	[sflag:s4] =	ssyncset.done $0x0  }
0x262: {  	[sflag:s4] =	ssyncadd.s32 $0xFFFFC000  }
0x263: {  	_ =	swait.ge [sflag:s5], $0x4000  }
0x264: {  	[sflag:s5] =	ssyncset.done $0x0  }
0x265: {  	p1 =	sne.s32 s1, $0x1;
	[sflag:s5] =	ssyncadd.s32 $0xFFFFC000  }
.Ltmp2:
0x266: {  	_ =	swait.ge [sflag:s9], $0x4000;
	(pc) =	sbr.rel @p1 .LBB2_3-.Ltmp2, $4  }
0x267: {  	[sflag:s9] =	ssyncset.done $0x0  }
0x268: {  	[sflag:s9] =	ssyncadd.s32 $0xFFFFC000  }
0x269: {  	_ =	swait.ge [sflag:s7], $0x4000  }
0x26a: {  	s1 =	sadd.s32 $0xFFFFFFFF, s1;
	s6 =	rddreg [dreg:$0xe];
	[sflag:s7] =	ssyncset.done $0x0  }
0x26b: {  	s8 =	simm.s32 $0x18F80;
	s10 =	simm.s32 $0x19200;
	s30 =	simm.s32 $0x19480  }
0x26c: {  	s12 =	simm.s32 $0x19700;
	s13 =	simm.s32 $0x19980;
	s14 =	simm.s32 $0x4F80  }
0x26d: {  	s28 =	simm.s32 $0xF80;
	s31 =	sld [smem:$0x7DE];
	s11 =	simm.s32 $0x280  }
0x26e: {  	s17 =	simm.s32 $0xC;
	s18 =	simm.s32 $0xB;
	s29 =	simm.s32 $0x100  }
.LBB2_5:
0x26f: {  	[sflag:s7] =	ssyncadd.s32 @p0 $0xFFFFC000  }
0x270: {  	[tilespmem:s2], [sflag:$0x9] =	stream.linear.gather [hbm4b:s6+s2], $0x80, $0x38;
	[tilespmem:$0x19C00] =	vst v63  }
0x271: {  	s1 =	rddreg [dreg:$0xf]  }
0x272: {  	[tilespmem:s16], [sflag:$0x9] =	stream.linear.gather [hbm4b:s1+s2], $0x80, $0x38;
	[tilespmem:$0x19C00] =	vst v63  }
0x273: {  	s6 =	rddreg [dreg:$0x10]  }
0x274: {  	[tilespmem:s29], [sflag:$0x9] =	stream.linear.gather [hbm4b:s6+s2], $0x280, $0x38;
	[tilespmem:$0x19C00] =	vst v63  }
0x275: {  	s1 =	rddreg [dreg:$0x11];
	s6 =	simm.s32 $0x380  }
0x276: {  	[tilespmem:s6], [sflag:$0x9] =	stream.linear.gather [hbm4b:s1+s2], $0xA00, $0x38;
	[tilespmem:$0x19C00] =	vst v63  }
0x277: {  	_ =	swait.ge [sflag:s0], $0x80  }
0x278: {  	[sflag:s0] =	ssyncset.done $0x0  }
0x279: {  	[sflag:s0] =	ssyncadd.s32 $0xFFFFFF80  }
0x27a: {  	_ =	swait.ge [sflag:s0], $0x80  }
0x27b: {  	[sflag:s0] =	ssyncset.done $0x0  }
0x27c: {  	[sflag:s0] =	ssyncadd.s32 $0xFFFFFF80  }
0x27d: {  	_ =	swait.ge [sflag:s0], $0x280  }
0x27e: {  	[sflag:s0] =	ssyncset.done $0x0  }
0x27f: {  	[sflag:s0] =	ssyncadd.s32 $0xFFFFFD80  }
0x280: {  	_ =	swait.ge [sflag:s0], $0xA00  }
0x281: {  	[sflag:s0] =	ssyncset.done $0x0  }
0x282: {  	s1 =	rddreg [dreg:$0x7];
	[sflag:s0] =	ssyncadd.s32 $0xFFFFF600  }
0x283: {  	[tilespmem:s28], [sflag:$0xB] =	stream.indirect.gather [hbm4b:s1+s16], $0x80, s2, s16, $0xb8;
	[tilespmem:$0x19C00] =	vst v63  }
0x284: {  	s0 =	rddreg [dreg:$0x8]  }
0x285: {  	[tilespmem:s14], [sflag:$0xC] =	stream.indirect.gather [hbm4b:s0+s16], $0x80, s16, s16, $0xb8;
	[tilespmem:$0x19C00] =	vst v63  }
0x286: {  	s1 =	rddreg [dreg:$0x9]  }
0x287: {  	[tilespmem:s8], [sflag:$0xA] =	stream.indirect.gather [hbm4b:s1+s11], $0x1, s29, s11, $0xb8;
	[tilespmem:$0x19C00] =	vst v63  }
0x288: {  	s0 =	rddreg [dreg:$0xa]  }
0x289: {  	[tilespmem:s10], [sflag:$0xA] =	stream.indirect.gather [hbm4b:s0+s11], $0x1, s29, s11, $0xb8;
	[tilespmem:$0x19C00] =	vst v63  }
0x28a: {  	s1 =	rddreg [dreg:$0xb]  }
0x28b: {  	[tilespmem:s30], [sflag:$0xA] =	stream.indirect.gather [hbm4b:s1+s11], $0x1, s29, s11, $0xb8;
	[tilespmem:$0x19C00] =	vst v63  }
0x28c: {  	s0 =	rddreg [dreg:$0xc]  }
0x28d: {  	[tilespmem:s12], [sflag:$0xA] =	stream.indirect.gather [hbm4b:s0+s11], $0x1, s29, s11, $0xb8;
	[tilespmem:$0x19C00] =	vst v63  }
0x28e: {  	s1 =	rddreg [dreg:$0xd]  }
0x28f: {  	[tilespmem:s13], [sflag:$0xA] =	stream.indirect.gather [hbm4b:s1+s11], $0x1, s29, s11, $0xb8;
	[tilespmem:$0x19C00] =	vst v63  }
0x290: {  	s1 =	sld [smem:$0x7EB]  }
0x291: {  	[tilespmem:s22], [sflag:$0x1] =	stream.indirect.gather [hbm4b:s3+s16], $0x80, s6, s16, $0xb8;
	[tilespmem:$0x19C00] =	vst v63  }
0x292: {  	s11 =	sld [smem:$0x7EC]  }
0x293: {  	[tilespmem:s21], [sflag:$0x2] =	stream.indirect.gather [hbm4b:s3+s16], $0x80, s1, s16, $0xb8;
	[tilespmem:$0x19C00] =	vst v63  }
0x294: {  	s29 =	sld [smem:$0x7ED]  }
0x295: {  	[tilespmem:s20], [sflag:$0x3] =	stream.indirect.gather [hbm4b:s3+s16], $0x80, s11, s16, $0xb8;
	[tilespmem:$0x19C00] =	vst v63  }
0x296: {  	_ = 	snop  }
0x297: {  	[tilespmem:s19], [sflag:$0x4] =	stream.indirect.gather [hbm4b:s3+s16], $0x80, s29, s16, $0xb8;
	[tilespmem:$0x19C00] =	vst v63  }
0x298: {  	_ =	swait.ge [sflag:s25], $0x4000  }
0x299: {  	[sflag:s25] =	ssyncset.done $0x0  }
0x29a: {  	[sflag:s25] =	ssyncadd.s32 $0xFFFFC000  }
0x29b: {  	[hbm4b:s31+s2] =	stream.linear.scatter [tilespmem:s22], [sflag:$0x5], $0x4000, $0x38;
	[tilespmem:$0x19C00] =	vst v63  }
0x29c: {  	_ =	swait.ge [sflag:s4], $0x4000  }
0x29d: {  	s6 =	sld [smem:$0x7EE]  }
0x29e: {  	[sflag:s4] =	ssyncset.done $0x0  }
0x29f: {  	[sflag:s4] =	ssyncadd.s32 $0xFFFFC000  }
0x2a0: {  	[tilespmem:s22], [sflag:$0x1] =	stream.indirect.gather [hbm4b:s3+s16], $0x80, s6, s16, $0xb8;
	[tilespmem:$0x19C00] =	vst v63  }
0x2a1: {  	_ =	swait.ge [sflag:s24], $0x4000  }
0x2a2: {  	[sflag:s24] =	ssyncset.done $0x0  }
0x2a3: {  	s11 =	rddreg [dreg:$0x12];
	[sflag:s24] =	ssyncadd.s32 $0xFFFFC000  }
0x2a4: {  	[hbm4b:s11+s2] =	stream.linear.scatter [tilespmem:s21], [sflag:$0x6], $0x4000, $0x38;
	[tilespmem:$0x19C00] =	vst v63  }
0x2a5: {  	_ =	swait.ge [sflag:s5], $0x4000  }
0x2a6: {  	s29 =	sld [smem:$0x7EF]  }
0x2a7: {  	[sflag:s5] =	ssyncset.done $0x0  }
0x2a8: {  	[sflag:s5] =	ssyncadd.s32 $0xFFFFC000  }
0x2a9: {  	[tilespmem:s21], [sflag:$0x2] =	stream.indirect.gather [hbm4b:s3+s16], $0x80, s29, s16, $0xb8;
	[tilespmem:$0x19C00] =	vst v63  }
0x2aa: {  	_ =	swait.ge [sflag:s26], $0x4000  }
0x2ab: {  	[sflag:s26] =	ssyncset.done $0x0  }
0x2ac: {  	s31 =	rddreg [dreg:$0x13];
	[sflag:s26] =	ssyncadd.s32 $0xFFFFC000  }
0x2ad: {  	[hbm4b:s31+s2] =	stream.linear.scatter [tilespmem:s20], [sflag:$0x7], $0x4000, $0x38;
	[tilespmem:$0x19C00] =	vst v63  }
0x2ae: {  	_ =	swait.ge [sflag:s9], $0x4000  }
0x2af: {  	s1 =	sld [smem:$0x7F0]  }
0x2b0: {  	[sflag:s9] =	ssyncset.done $0x0  }
0x2b1: {  	[sflag:s9] =	ssyncadd.s32 $0xFFFFC000  }
0x2b2: {  	[tilespmem:s20], [sflag:$0x3] =	stream.indirect.gather [hbm4b:s3+s16], $0x80, s1, s16, $0xb8;
	[tilespmem:$0x19C00] =	vst v63  }
0x2b3: {  	_ =	swait.ge [sflag:s23], $0x4000  }
0x2b4: {  	[sflag:s23] =	ssyncset.done $0x0  }
0x2b5: {  	s6 =	rddreg [dreg:$0x14];
	[sflag:s23] =	ssyncadd.s32 $0xFFFFC000  }
0x2b6: {  	[hbm4b:s6+s2] =	stream.linear.scatter [tilespmem:s19], [sflag:$0x8], $0x4000, $0x38;
	[tilespmem:$0x19C00] =	vst v63  }
0x2b7: {  	_ =	swait.ge [sflag:s7], $0x4000  }
0x2b8: {  	s11 =	sld [smem:$0x7F1]  }
0x2b9: {  	[sflag:s7] =	ssyncset.done $0x0  }
0x2ba: {  	[sflag:s7] =	ssyncadd.s32 $0xFFFFC000  }
0x2bb: {  	[tilespmem:s19], [sflag:$0x4] =	stream.indirect.gather [hbm4b:s3+s16], $0x80, s11, s16, $0xb8;
	[tilespmem:$0x19C00] =	vst v63  }
0x2bc: {  	_ =	swait.ge [sflag:s25], $0x4000  }
0x2bd: {  	[sflag:s25] =	ssyncset.done $0x0  }
0x2be: {  	s29 =	rddreg [dreg:$0x15];
	[sflag:s25] =	ssyncadd.s32 $0xFFFFC000  }
0x2bf: {  	[hbm4b:s29+s2] =	stream.linear.scatter [tilespmem:s22], [sflag:$0x5], $0x4000, $0x38;
	[tilespmem:$0x19C00] =	vst v63  }
0x2c0: {  	_ =	swait.ge [sflag:s4], $0x4000  }
0x2c1: {  	s31 =	sld [smem:$0x7F2]  }
0x2c2: {  	[sflag:s4] =	ssyncset.done $0x0  }
0x2c3: {  	[sflag:s4] =	ssyncadd.s32 $0xFFFFC000  }
0x2c4: {  	[tilespmem:s22], [sflag:$0x1] =	stream.indirect.gather [hbm4b:s3+s16], $0x80, s31, s16, $0xb8;
	[tilespmem:$0x19C00] =	vst v63  }
0x2c5: {  	_ =	swait.ge [sflag:s24], $0x4000  }
0x2c6: {  	[sflag:s24] =	ssyncset.done $0x0  }
0x2c7: {  	s1 =	rddreg [dreg:$0x16];
	[sflag:s24] =	ssyncadd.s32 $0xFFFFC000  }
0x2c8: {  	[hbm4b:s1+s2] =	stream.linear.scatter [tilespmem:s21], [sflag:$0x6], $0x4000, $0x38;
	[tilespmem:$0x19C00] =	vst v63  }
0x2c9: {  	_ =	swait.ge [sflag:s5], $0x4000  }
0x2ca: {  	s6 =	sld [smem:$0x7F3]  }
0x2cb: {  	[sflag:s5] =	ssyncset.done $0x0  }
0x2cc: {  	[sflag:s5] =	ssyncadd.s32 $0xFFFFC000  }
0x2cd: {  	[tilespmem:s21], [sflag:$0x2] =	stream.indirect.gather [hbm4b:s3+s16], $0x80, s6, s16, $0xb8;
	[tilespmem:$0x19C00] =	vst v63  }
0x2ce: {  	_ =	swait.ge [sflag:s26], $0x4000  }
0x2cf: {  	[sflag:s26] =	ssyncset.done $0x0  }
0x2d0: {  	s11 =	rddreg [dreg:$0x17];
	[sflag:s26] =	ssyncadd.s32 $0xFFFFC000  }
0x2d1: {  	[hbm4b:s11+s2] =	stream.linear.scatter [tilespmem:s20], [sflag:$0x7], $0x4000, $0x38;
	[tilespmem:$0x19C00] =	vst v63  }
0x2d2: {  	_ =	swait.ge [sflag:s9], $0x4000  }
0x2d3: {  	s29 =	sld [smem:$0x7F4]  }
0x2d4: {  	[sflag:s9] =	ssyncset.done $0x0  }
0x2d5: {  	[sflag:s9] =	ssyncadd.s32 $0xFFFFC000  }
0x2d6: {  	[tilespmem:s20], [sflag:$0x3] =	stream.indirect.gather [hbm4b:s3+s16], $0x80, s29, s16, $0xb8;
	[tilespmem:$0x19C00] =	vst v63  }
0x2d7: {  	_ =	swait.ge [sflag:s23], $0x4000  }
0x2d8: {  	[sflag:s23] =	ssyncset.done $0x0  }
0x2d9: {  	s31 =	rddreg [dreg:$0x18];
	[sflag:s23] =	ssyncadd.s32 $0xFFFFC000  }
0x2da: {  	[hbm4b:s31+s2] =	stream.linear.scatter [tilespmem:s19], [sflag:$0x8], $0x4000, $0x38;
	[tilespmem:$0x19C00] =	vst v63  }
0x2db: {  	_ =	swait.ge [sflag:s7], $0x4000  }
0x2dc: {  	s1 =	sld [smem:$0x7F5]  }
0x2dd: {  	[sflag:s7] =	ssyncset.done $0x0  }
0x2de: {  	[sflag:s7] =	ssyncadd.s32 $0xFFFFC000  }
0x2df: {  	[tilespmem:s19], [sflag:$0x4] =	stream.indirect.gather [hbm4b:s3+s16], $0x80, s1, s16, $0xb8;
	[tilespmem:$0x19C00] =	vst v63  }
0x2e0: {  	_ =	swait.ge [sflag:s25], $0x4000  }
0x2e1: {  	[sflag:s25] =	ssyncset.done $0x0  }
0x2e2: {  	s6 =	rddreg [dreg:$0x19];
	[sflag:s25] =	ssyncadd.s32 $0xFFFFC000  }
0x2e3: {  	[hbm4b:s6+s2] =	stream.linear.scatter [tilespmem:s22], [sflag:$0x5], $0x4000, $0x38;
	[tilespmem:$0x19C00] =	vst v63  }
0x2e4: {  	_ =	swait.ge [sflag:s4], $0x4000  }
0x2e5: {  	s11 =	sld [smem:$0x7F6]  }
0x2e6: {  	[sflag:s4] =	ssyncset.done $0x0  }
0x2e7: {  	[sflag:s4] =	ssyncadd.s32 $0xFFFFC000  }
0x2e8: {  	[tilespmem:s22], [sflag:$0x1] =	stream.indirect.gather [hbm4b:s3+s16], $0x80, s11, s16, $0xb8;
	[tilespmem:$0x19C00] =	vst v63  }
0x2e9: {  	_ =	swait.ge [sflag:s24], $0x4000  }
0x2ea: {  	[sflag:s24] =	ssyncset.done $0x0  }
0x2eb: {  	s29 =	rddreg [dreg:$0x1a];
	[sflag:s24] =	ssyncadd.s32 $0xFFFFC000  }
0x2ec: {  	[hbm4b:s29+s2] =	stream.linear.scatter [tilespmem:s21], [sflag:$0x6], $0x4000, $0x38;
	[tilespmem:$0x19C00] =	vst v63  }
0x2ed: {  	_ =	swait.ge [sflag:s5], $0x4000  }
0x2ee: {  	s31 =	sld [smem:$0x7F7]  }
0x2ef: {  	[sflag:s5] =	ssyncset.done $0x0  }
0x2f0: {  	[sflag:s5] =	ssyncadd.s32 $0xFFFFC000  }
0x2f1: {  	[tilespmem:s21], [sflag:$0x2] =	stream.indirect.gather [hbm4b:s3+s16], $0x80, s31, s16, $0xb8;
	[tilespmem:$0x19C00] =	vst v63  }
0x2f2: {  	_ =	swait.ge [sflag:s26], $0x4000  }
0x2f3: {  	[sflag:s26] =	ssyncset.done $0x0  }
0x2f4: {  	s1 =	rddreg [dreg:$0x1b];
	[sflag:s26] =	ssyncadd.s32 $0xFFFFC000  }
0x2f5: {  	[hbm4b:s1+s2] =	stream.linear.scatter [tilespmem:s20], [sflag:$0x7], $0x4000, $0x38;
	[tilespmem:$0x19C00] =	vst v63  }
0x2f6: {  	_ =	swait.ge [sflag:s9], $0x4000  }
0x2f7: {  	s6 =	sld [smem:$0x7F8]  }
0x2f8: {  	[sflag:s9] =	ssyncset.done $0x0  }
0x2f9: {  	[sflag:s9] =	ssyncadd.s32 $0xFFFFC000  }
0x2fa: {  	[tilespmem:s20], [sflag:$0x3] =	stream.indirect.gather [hbm4b:s3+s16], $0x80, s6, s16, $0xb8;
	[tilespmem:$0x19C00] =	vst v63  }
0x2fb: {  	_ =	swait.ge [sflag:s23], $0x4000  }
0x2fc: {  	[sflag:s23] =	ssyncset.done $0x0  }
0x2fd: {  	s11 =	rddreg [dreg:$0x1c];
	[sflag:s23] =	ssyncadd.s32 $0xFFFFC000  }
0x2fe: {  	[hbm4b:s11+s2] =	stream.linear.scatter [tilespmem:s19], [sflag:$0x8], $0x4000, $0x38;
	[tilespmem:$0x19C00] =	vst v63  }
0x2ff: {  	_ =	swait.ge [sflag:s7], $0x4000  }
0x300: {  	s29 =	sld [smem:$0x7F9]  }
0x301: {  	[sflag:s7] =	ssyncset.done $0x0  }
0x302: {  	[sflag:s7] =	ssyncadd.s32 $0xFFFFC000  }
0x303: {  	[tilespmem:s19], [sflag:$0x4] =	stream.indirect.gather [hbm4b:s3+s16], $0x80, s29, s16, $0xb8;
	[tilespmem:$0x19C00] =	vst v63  }
0x304: {  	_ =	swait.ge [sflag:s25], $0x4000  }
0x305: {  	[sflag:s25] =	ssyncset.done $0x0  }
0x306: {  	s31 =	rddreg [dreg:$0x1d];
	[sflag:s25] =	ssyncadd.s32 $0xFFFFC000  }
0x307: {  	[hbm4b:s31+s2] =	stream.linear.scatter [tilespmem:s22], [sflag:$0x5], $0x4000, $0x38;
	[tilespmem:$0x19C00] =	vst v63  }
0x308: {  	_ =	swait.ge [sflag:s4], $0x4000  }
0x309: {  	s1 =	sld [smem:$0x7FA]  }
0x30a: {  	[sflag:s4] =	ssyncset.done $0x0  }
0x30b: {  	[sflag:s4] =	ssyncadd.s32 $0xFFFFC000  }
0x30c: {  	[tilespmem:s22], [sflag:$0x1] =	stream.indirect.gather [hbm4b:s3+s16], $0x80, s1, s16, $0xb8;
	[tilespmem:$0x19C00] =	vst v63  }
0x30d: {  	_ =	swait.ge [sflag:s24], $0x4000  }
0x30e: {  	[sflag:s24] =	ssyncset.done $0x0  }
0x30f: {  	s6 =	rddreg [dreg:$0x1e];
	[sflag:s24] =	ssyncadd.s32 $0xFFFFC000  }
0x310: {  	[hbm4b:s6+s2] =	stream.linear.scatter [tilespmem:s21], [sflag:$0x6], $0x4000, $0x38;
	[tilespmem:$0x19C00] =	vst v63  }
0x311: {  	_ =	swait.ge [sflag:s5], $0x4000  }
0x312: {  	s11 =	sld [smem:$0x7FB]  }
0x313: {  	[sflag:s5] =	ssyncset.done $0x0  }
0x314: {  	[sflag:s5] =	ssyncadd.s32 $0xFFFFC000  }
0x315: {  	[tilespmem:s21], [sflag:$0x2] =	stream.indirect.gather [hbm4b:s3+s16], $0x80, s11, s16, $0xb8;
	[tilespmem:$0x19C00] =	vst v63  }
0x316: {  	_ =	swait.ge [sflag:s26], $0x4000  }
0x317: {  	[sflag:s26] =	ssyncset.done $0x0  }
0x318: {  	s29 =	rddreg [dreg:$0x1f];
	[sflag:s26] =	ssyncadd.s32 $0xFFFFC000  }
0x319: {  	[hbm4b:s29+s2] =	stream.linear.scatter [tilespmem:s20], [sflag:$0x7], $0x4000, $0x38;
	[tilespmem:$0x19C00] =	vst v63  }
0x31a: {  	_ =	swait.ge [sflag:s9], $0x4000  }
0x31b: {  	s31 =	sld [smem:$0x7FC]  }
0x31c: {  	[sflag:s9] =	ssyncset.done $0x0  }
0x31d: {  	[sflag:s9] =	ssyncadd.s32 $0xFFFFC000  }
0x31e: {  	[tilespmem:s20], [sflag:$0x3] =	stream.indirect.gather [hbm4b:s3+s16], $0x80, s31, s16, $0xb8;
	[tilespmem:$0x19C00] =	vst v63  }
0x31f: {  	_ =	swait.ge [sflag:s23], $0x4000  }
0x320: {  	s1 =	sld [smem:$0x7DF]  }
0x321: {  	[sflag:s23] =	ssyncset.done $0x0  }
0x322: {  	[sflag:s23] =	ssyncadd.s32 $0xFFFFC000  }
0x323: {  	[hbm4b:s1+s2] =	stream.linear.scatter [tilespmem:s19], [sflag:$0x8], $0x4000, $0x38;
	[tilespmem:$0x19C00] =	vst v63  }
0x324: {  	_ =	swait.ge [sflag:s7], $0x4000  }
0x325: {  	s6 =	sld [smem:$0x7FD]  }
0x326: {  	[sflag:s7] =	ssyncset.done $0x0  }
0x327: {  	[sflag:s7] =	ssyncadd.s32 $0xFFFFC000  }
0x328: {  	[tilespmem:s19], [sflag:$0x4] =	stream.indirect.gather [hbm4b:s3+s16], $0x80, s6, s16, $0xb8;
	[tilespmem:$0x19C00] =	vst v63  }
0x329: {  	_ =	swait.ge [sflag:s25], $0x4000  }
0x32a: {  	s11 =	sld [smem:$0x7E0]  }
0x32b: {  	[sflag:s25] =	ssyncset.done $0x0  }
0x32c: {  	[sflag:s25] =	ssyncadd.s32 $0xFFFFC000  }
0x32d: {  	[hbm4b:s11+s2] =	stream.linear.scatter [tilespmem:s22], [sflag:$0x5], $0x4000, $0x38;
	[tilespmem:$0x19C00] =	vst v63  }
0x32e: {  	_ =	swait.ge [sflag:s24], $0x4000  }
0x32f: {  	s16 =	sld [smem:$0x7E1]  }
0x330: {  	[sflag:s24] =	ssyncset.done $0x0  }
0x331: {  	[sflag:s24] =	ssyncadd.s32 $0xFFFFC000  }
0x332: {  	[hbm4b:s16+s2] =	stream.linear.scatter [tilespmem:s21], [sflag:$0x6], $0x4000, $0x38;
	[tilespmem:$0x19C00] =	vst v63  }
0x333: {  	_ =	swait.ge [sflag:s26], $0x4000  }
0x334: {  	s21 =	sld [smem:$0x7E2]  }
0x335: {  	[sflag:s26] =	ssyncset.done $0x0  }
0x336: {  	[sflag:s26] =	ssyncadd.s32 $0xFFFFC000  }
0x337: {  	[hbm4b:s21+s2] =	stream.linear.scatter [tilespmem:s20], [sflag:$0x7], $0x4000, $0x38;
	[tilespmem:$0x19C00] =	vst v63  }
0x338: {  	_ =	swait.ge [sflag:s23], $0x4000  }
0x339: {  	s22 =	sld [smem:$0x7E3]  }
0x33a: {  	[sflag:s23] =	ssyncset.done $0x0  }
0x33b: {  	[sflag:s23] =	ssyncadd.s32 $0xFFFFC000  }
0x33c: {  	[hbm4b:s22+s2] =	stream.linear.scatter [tilespmem:s19], [sflag:$0x8], $0x4000, $0x38;
	[tilespmem:$0x19C00] =	vst v63  }
0x33d: {  	_ =	swait.ge [sflag:s18], $0x4000  }
0x33e: {  	s23 =	sld [smem:$0x7E4]  }
0x33f: {  	[sflag:s18] =	ssyncset.done $0x0  }
0x340: {  	[sflag:s18] =	ssyncadd.s32 $0xFFFFC000  }
0x341: {  	[hbm4b:s23+s2] =	stream.linear.scatter [tilespmem:s28], [sflag:$0xB], $0x4000, $0x38;
	[tilespmem:$0x19C00] =	vst v63  }
0x342: {  	_ =	swait.ge [sflag:s17], $0x4000  }
0x343: {  	s24 =	sld [smem:$0x7E5]  }
0x344: {  	[sflag:s17] =	ssyncset.done $0x0  }
0x345: {  	[sflag:s17] =	ssyncadd.s32 $0xFFFFC000  }
0x346: {  	[hbm4b:s24+s2] =	stream.linear.scatter [tilespmem:s14], [sflag:$0xC], $0x4000, $0x38;
	[tilespmem:$0x19C00] =	vst v63  }
0x347: {  	_ =	swait.ge [sflag:s15], $0x280  }
0x348: {  	[sflag:s15] =	ssyncset.done $0x0  }
0x349: {  	[sflag:s15] =	ssyncadd.s32 $0xFFFFFD80  }
0x34a: {  	_ =	swait.ge [sflag:s15], $0x280  }
0x34b: {  	[sflag:s15] =	ssyncset.done $0x0  }
0x34c: {  	[sflag:s15] =	ssyncadd.s32 $0xFFFFFD80  }
0x34d: {  	_ =	swait.ge [sflag:s15], $0x280  }
0x34e: {  	[sflag:s15] =	ssyncset.done $0x0  }
0x34f: {  	[sflag:s15] =	ssyncadd.s32 $0xFFFFFD80  }
0x350: {  	_ =	swait.ge [sflag:s15], $0x280  }
0x351: {  	[sflag:s15] =	ssyncset.done $0x0  }
0x352: {  	[sflag:s15] =	ssyncadd.s32 $0xFFFFFD80  }
0x353: {  	_ =	swait.ge [sflag:s15], $0x280  }
0x354: {  	s25 =	sld [smem:$0x7E6]  }
0x355: {  	[sflag:s15] =	ssyncset.done $0x0  }
0x356: {  	s26 =	sld [smem:$0x7E7];
	[sflag:s15] =	ssyncadd.s32 $0xFFFFFD80  }
0x357: {  	[hbm4b:s25+s2] =	stream.linear.scatter [tilespmem:s8], [sflag:$0xA], $0x280, $0x38;
	[tilespmem:$0x19C00] =	vst v63  }
0x358: {  	s28 =	sld [smem:$0x7E8]  }
0x359: {  	[hbm4b:s26+s2] =	stream.linear.scatter [tilespmem:s10], [sflag:$0xA], $0x280, $0x38;
	[tilespmem:$0x19C00] =	vst v63  }
0x35a: {  	s29 =	sld [smem:$0x7E9]  }
0x35b: {  	[hbm4b:s28+s2] =	stream.linear.scatter [tilespmem:s30], [sflag:$0xA], $0x280, $0x38;
	[tilespmem:$0x19C00] =	vst v63  }
0x35c: {  	s30 =	sld [smem:$0x7EA]  }
0x35d: {  	[hbm4b:s29+s2] =	stream.linear.scatter [tilespmem:s12], [sflag:$0xA], $0x280, $0x38;
	[tilespmem:$0x19C00] =	vst v63  }
0x35e: {  	_ = 	snop  }
0x35f: {  	[hbm4b:s30+s2] =	stream.linear.scatter [tilespmem:s13], [sflag:$0xA], $0x280, $0x38;
	[tilespmem:$0x19C00] =	vst v63  }
0x360: {  	_ =	swait.ge [sflag:s18], $0x4000  }
0x361: {  	[sflag:s18] =	ssyncset.done $0x0  }
0x362: {  	[sflag:s18] =	ssyncadd.s32 $0xFFFFC000  }
0x363: {  	_ =	swait.ge [sflag:s17], $0x4000  }
0x364: {  	[sflag:s17] =	ssyncset.done $0x0  }
0x365: {  	[sflag:s17] =	ssyncadd.s32 $0xFFFFC000  }
0x366: {  	_ =	swait.ge [sflag:s15], $0x280  }
0x367: {  	[sflag:s15] =	ssyncset.done $0x0  }
0x368: {  	[sflag:s15] =	ssyncadd.s32 $0xFFFFFD80  }
0x369: {  	_ =	swait.ge [sflag:s15], $0x280  }
0x36a: {  	[sflag:s15] =	ssyncset.done $0x0  }
0x36b: {  	[sflag:s15] =	ssyncadd.s32 $0xFFFFFD80  }
0x36c: {  	_ =	swait.ge [sflag:s15], $0x280  }
0x36d: {  	[sflag:s15] =	ssyncset.done $0x0  }
0x36e: {  	[sflag:s15] =	ssyncadd.s32 $0xFFFFFD80  }
0x36f: {  	_ =	swait.ge [sflag:s15], $0x280  }
0x370: {  	[sflag:s15] =	ssyncset.done $0x0  }
0x371: {  	[sflag:s15] =	ssyncadd.s32 $0xFFFFFD80  }
0x372: {  	_ =	swait.ge [sflag:s15], $0x280  }
0x373: {  	[sflag:s15] =	ssyncset.done $0x0  }
0x374: {  	[sflag:s15] =	ssyncadd.s32 $0xFFFFFD80  }
0x375: {  	_ =	swait.ge [sflag:s4], $0x4000  }
0x376: {  	[sflag:s4] =	ssyncset.done $0x0  }
0x377: {  	[sflag:s4] =	ssyncadd.s32 $0xFFFFC000  }
0x378: {  	_ =	swait.ge [sflag:s5], $0x4000  }
0x379: {  	[sflag:s5] =	ssyncset.done $0x0  }
0x37a: {  	[sflag:s5] =	ssyncadd.s32 $0xFFFFC000  }
0x37b: {  	_ =	swait.ge [sflag:s9], $0x4000  }
0x37c: {  	[sflag:s9] =	ssyncset.done $0x0  }
0x37d: {  	[sflag:s9] =	ssyncadd.s32 $0xFFFFC000  }
0x37e: {  	_ =	swait.ge [sflag:s7], $0x4000  }
0x37f: {  	[sflag:s7] =	ssyncset.done $0x0  }
0x380: {  	[sflag:s7] =	ssyncadd.s32 $0xFFFFC000  }
0x381: {  	_ =	sfence.sel $0x180000  }
0x382: {  	[bflag:$0x0] =	sbarrier.arrive $0xFFFF  }
0x383: {  	_ =	strace $0x90000047  }
0x384: {  	s31 =	stileid.u32;
	[bflag:$0x2] =	sbarrier.arrive $0xFFFF  }
0x385: {  	p0 =	sne.s32 s31, $0x0;
	s0 =	rddreg [dreg:$0x6]  }
0x386: {  	s0 =	sadd.s32 @!p0 $0x100000, s0  }
0x387: {  	[sflag:s0] =	ssyncadd.tile.s32 @!p0 $0x1;
	_ =	shalt  }
.LBB2_6:
.Ltmp3:
0x388: {  	(pc) =	sbr.rel .LBB2_5-.Ltmp3, $4  }
0x389: {  	s8 =	simm.s32 $0x18F80;
	s10 =	simm.s32 $0x19200;
	s30 =	simm.s32 $0x19480  }
0x38a: {  	s12 =	simm.s32 $0x19700;
	s13 =	simm.s32 $0x19980;
	s14 =	simm.s32 $0x4F80  }
0x38b: {  	s28 =	simm.s32 $0xF80;
	s31 =	sld [smem:$0x7DE];
	s11 =	simm.s32 $0x280  }
0x38c: {  	s17 =	simm.s32 $0xC;
	s18 =	simm.s32 $0xB;
	s29 =	simm.s32 $0x100  }
.Lfunc_end2:
_tile_overlayer_lowered:
.L_overlay_start_2:
0x38d: {  	(tag) =	ssettag $0x2  }
0x38e: {  	s0 =	rddreg [dreg:$0x0];
	s2 =	stileid.u32  }
0x38f: {  	s1 =	rddreg [dreg:$0x1];
	p0 =	sne.s32 s2, $0x0  }
0x390: {  	s3 =	rddreg [dreg:$0x2];
	[bflag:$0x3] =	sbarrier.arrive $0xFFFF;
	s2 =	simm.s32 @!p0 $0x1C0D  }
0x391: {  	[timem:s3], [sflag:s2] =	dma.local @!p0 [hbm:s0], s1  }
0x392: {  	s0 =	simm.s32 @!p0 $0xD  }
0x393: {  	_ =	swait.ge @!p0 [sflag:s0], s1  }
0x394: {  	s1 =	ssub.s32 @!p0 $0x0, s1;
	[sflag:s0] =	ssyncset.done @!p0 $0x0  }
0x395: {  	[sflag:s0] =	ssyncadd.s32 @!p0 s1  }
0x396: {  	[bflag:$0x3] =	sbarrier.arrive $0xFFFF  }
0x397: {  	_ =	shalt  }

</sc_bundles>
